<compile_context>
chip_gen: v7x
topology: tpu7x:2x2x1
jax: 0.10.2.dev20260603
libtpu: 0.0.44.dev20260713+nightly
codegen_flags: <defaults>
</compile_context>

<pallas_src>
import jax
import jax.numpy as jnp
from jax import lax
from jax.experimental import pallas as pl
from jax.experimental.pallas import tpu as pltpu
from jax.experimental.pallas import tpu_sc as plsc

VOCAB = 1000000
EMBED = 64
BATCH = 16384
HIST = 200
PAD_VALUE = 0

NC = 2
NS = 16
NW = NC * NS
BPW = BATCH // NW
RG = 128
G = BPW // RG
CV = EMBED // 16
CR = RG // 16
PB = 5
NB = 2 * PB
CK = 4
NCK = RG // CK


def _sc_body(idx_hbm, table_hbm, out_hbm, idx_v, buf_v, acc_v, e0_v, a_v, b_v,
             *sems):
    c = lax.axis_index("c")
    s = lax.axis_index("s")
    wid = s * NC + c

    pltpu.sync_copy(table_hbm.at[pl.ds(0, 1)], e0_v)
    zero = jnp.zeros((16,), jnp.float32)

    def gather(p, sl):
        return pltpu.make_async_copy(table_hbm.at[idx_v.at[p]], buf_v.at[sl],
                                     sems[sl])

    def group(g, _):
        row0 = wid * BPW + g * RG
        pltpu.sync_copy(idx_hbm.at[wid, g], idx_v)

        @plsc.parallel_loop(0, RG, unroll=8)
        def _zrow(j):
            for cc in range(CV):
                acc_v[j, pl.ds(cc * 16, 16)] = zero

        for sl in range(NB):
            gather(sl, sl).start()

        def consume_block(p0, slots):
            for i, sl in enumerate(slots):
                gather(p0 + i, sl).wait()

            def chunk(ck, _):
                r0 = ck * CK
                acc = [[acc_v[r0 + r, pl.ds(cc * 16, 16)]
                        for cc in range(CV)] for r in range(CK)]
                for sl in slots:
                    for r in range(CK):
                        for cc in range(CV):
                            acc[r][cc] = (acc[r][cc] +
                                          buf_v[sl, r0 + r, pl.ds(cc * 16, 16)])
                for r in range(CK):
                    for cc in range(CV):
                        acc_v[r0 + r, pl.ds(cc * 16, 16)] = acc[r][cc]
                return 0
            lax.fori_loop(0, NCK, chunk, 0)

            for i, sl in enumerate(slots):
                p = p0 + i + NB

                @pl.when(p < HIST)
                def _fire():
                    gather(p, sl).start()

        def blockpair(q, _):
            consume_block(q * NB, tuple(range(PB)))
            consume_block(q * NB + PB, tuple(range(PB, NB)))
            return 0
        lax.fori_loop(0, HIST // NB, blockpair, 0)

        def count(p, cnt):
            out = []
            for c8 in range(CR):
                v = idx_v[p, pl.ds(c8 * 16, 16)]
                out.append(cnt[c8] + jnp.where(v != PAD_VALUE, 1.0, 0.0))
            return tuple(out)
        cnt = lax.fori_loop(0, HIST, count,
                            tuple(zero for _ in range(CR)), unroll=4)

        for c8 in range(CR):
            a = jnp.where(cnt[c8] > 0.0, 1.0 / (cnt[c8] + 1e-8), 0.0)
            b = (cnt[c8] - float(HIST)) * a
            a_v[pl.ds(c8 * 16, 16)] = a
            b_v[pl.ds(c8 * 16, 16)] = b

        e0 = [e0_v[0, pl.ds(cc * 16, 16)] for cc in range(CV)]

        def frow(j, _):
            ji = jnp.full((16,), 0, jnp.int32) + j
            asp = plsc.load_gather(a_v, [ji])
            bsp = plsc.load_gather(b_v, [ji])
            for cc in range(CV):
                x = acc_v[j, pl.ds(cc * 16, 16)]
                acc_v[j, pl.ds(cc * 16, 16)] = x * asp + e0[cc] * bsp
            return 0
        lax.fori_loop(0, RG, frow, 0, unroll=2)

        pltpu.sync_copy(acc_v, out_hbm.at[pl.ds(row0, RG)])
        return 0

    lax.fori_loop(0, G, group, 0)


@jax.jit
def _run(idx, embeddings):
    mesh = plsc.VectorSubcoreMesh(core_axis_name="c", subcore_axis_name="s")
    fn = pl.kernel(
        _sc_body,
        out_type=jax.ShapeDtypeStruct((BATCH, EMBED), jnp.float32),
        mesh=mesh,
        scratch_types=[
            pltpu.VMEM((HIST, RG), jnp.int32),
            pltpu.VMEM((NB, RG, EMBED), jnp.float32),
            pltpu.VMEM((RG, EMBED), jnp.float32),
            pltpu.VMEM((1, EMBED), jnp.float32),
            pltpu.VMEM((RG,), jnp.float32),
            pltpu.VMEM((RG,), jnp.float32),
        ] + [pltpu.SemaphoreType.DMA] * NB,
        compiler_params=pltpu.CompilerParams(use_tc_tiling_on_sc=False,
                                             needs_layout_passes=False),
    )
    return fn(idx, embeddings)


def kernel(inputs, embeddings):
    idx = inputs.astype(jnp.int32).reshape(NW, G, RG, HIST)
    idx = idx.transpose(0, 1, 3, 2)
    return _run(idx, embeddings)

# --- scband reference (transcript-rebuilt; emitter-appended) ---
"""Pipeline reference for scband-average-embedding-63522566308506 (READ-ONLY COPY).

The authoritative reference and input builder live on the scoring server;
editing this copy changes nothing except your own understanding.
"""

import jax, jax.numpy as jnp
import numpy as np

VOCAB = 1000000
EMBED = 64
BATCH = 16384
HIST = 200
PAD_VALUE = 0


def setup_inputs(seed: int = 0) -> dict:
    key = jax.random.key(seed)
    k1, k2 = jax.random.split(key)
    inputs = jax.random.randint(k1, (BATCH, HIST), 0, VOCAB, dtype=jnp.int64 if jax.config.jax_enable_x64 else jnp.int32)
    embeddings = jax.random.uniform(k2, (VOCAB, EMBED), dtype=jnp.float32, minval=-0.1, maxval=0.1)
    return {"inputs": inputs, "embeddings": embeddings}


def reference(inputs, embeddings):
    # embedding lookup
    word_embeddings = jnp.take(embeddings, inputs, axis=0)  # [B, L, D]
    masks = jnp.not_equal(inputs, PAD_VALUE)  # [B, L]
    word_embeddings = word_embeddings * jnp.expand_dims(masks, axis=-1).astype(jnp.float32)
    sum_word_embeddings = jnp.sum(word_embeddings, axis=1)  # [B, D]
    sentence_lengths = jnp.count_nonzero(masks, axis=1, keepdims=True).astype(jnp.float32)  # [B, 1]
    sentence_embeddings = sum_word_embeddings / (sentence_lengths + 1e-08)
    return sentence_embeddings

if __name__ == "__main__":
    import jax
    _d = setup_inputs()
    print(jax.jit(kernel)(*tuple(_d.values())))

</pallas_src>

<mosaic_0001>
#map = affine_map<(d0, d1) -> (0, 0, 0, 0)>
#map1 = affine_map<(d0, d1) -> (0, 0)>
module attributes {stable_mosaic.version = 14 : i64} {
  func.func @_sc_body(%arg0: i32, %arg1: i32, %arg2: memref<32x4x200x128xi32, #tpu.memory_space<hbm>>, %arg3: memref<1000000x64xf32, #tpu.memory_space<hbm>>, %arg4: memref<16384x64xf32, #tpu.memory_space<hbm>>, %arg5: memref<200x128xi32, #tpu.memory_space<vmem>>, %arg6: memref<10x128x64xf32, #tpu.memory_space<vmem>>, %arg7: memref<128x64xf32, #tpu.memory_space<vmem>>, %arg8: memref<1x64xf32, #tpu.memory_space<vmem>>, %arg9: memref<128xf32, #tpu.memory_space<vmem>>, %arg10: memref<128xf32, #tpu.memory_space<vmem>>, %arg11: memref<!tpu.dma_semaphore, #tpu.memory_space<semaphore_mem>>, %arg12: memref<!tpu.dma_semaphore, #tpu.memory_space<semaphore_mem>>, %arg13: memref<!tpu.dma_semaphore, #tpu.memory_space<semaphore_mem>>, %arg14: memref<!tpu.dma_semaphore, #tpu.memory_space<semaphore_mem>>, %arg15: memref<!tpu.dma_semaphore, #tpu.memory_space<semaphore_mem>>, %arg16: memref<!tpu.dma_semaphore, #tpu.memory_space<semaphore_mem>>, %arg17: memref<!tpu.dma_semaphore, #tpu.memory_space<semaphore_mem>>, %arg18: memref<!tpu.dma_semaphore, #tpu.memory_space<semaphore_mem>>, %arg19: memref<!tpu.dma_semaphore, #tpu.memory_space<semaphore_mem>>, %arg20: memref<!tpu.dma_semaphore, #tpu.memory_space<semaphore_mem>>) attributes {dimension_semantics = [#tpu.dimension_semantics<core_parallel>, #tpu.dimension_semantics<subcore_parallel>], iteration_bounds = array<i64: 2, 16>, scalar_prefetch = 0 : i64, scratch_operands = 16 : i64, tpu.core_type = #tpu.core_type<sc_vector_subcore>, window_params = [{transform_indices = #map}, {transform_indices = #map1}, {transform_indices = #map1}]} {
    %mul3A = arith.constant 2 : i32
    %mul3A_0 = arith.muli %arg1, %mul3A : i32
    %add3A = arith.addi %mul3A_0, %arg0 : i32
    "tpu.region"() ({
      %run_scoped3A = tpu.sem_alloc : memref<!tpu.dma_semaphore, #tpu.memory_space<semaphore_mem>>
      %dma_start3A = arith.constant 0 : i32
      %dma_start3A_8 = arith.constant 0 : i32
      %dma_start3A_9 = tpu.memref_slice %arg3[%dma_start3A, %dma_start3A_8] : memref<1000000x64xf32, #tpu.memory_space<hbm>> -> memref<1x64xf32, #tpu.memory_space<hbm>>
      %dma_start3A_10 = arith.constant 0 : i32
      %dma_start3A_11 = arith.constant 0 : i32
      %dma_start3A_12 = tpu.memref_slice %arg3[%dma_start3A_10, %dma_start3A_11] : memref<1000000x64xf32, #tpu.memory_space<hbm>> -> memref<1x64xf32, #tpu.memory_space<hbm>>
      tpu.enqueue_dma source(%dma_start3A_12 : memref<1x64xf32, #tpu.memory_space<hbm>>) target(%arg8 : memref<1x64xf32, #tpu.memory_space<vmem>>) target_semaphore(%run_scoped3A : memref<!tpu.dma_semaphore, #tpu.memory_space<semaphore_mem>>)
      %dma_wait3A = arith.constant 0 : i32
      %dma_wait3A_13 = arith.constant 0 : i32
      %dma_wait3A_14 = tpu.memref_slice %arg3[%dma_wait3A, %dma_wait3A_13] : memref<1000000x64xf32, #tpu.memory_space<hbm>> -> memref<1x64xf32, #tpu.memory_space<hbm>>
      %dma_wait3A_15 = arith.constant 0 : i32
      %dma_wait3A_16 = arith.constant 0 : i32
      %dma_wait3A_17 = tpu.memref_slice %arg3[%dma_wait3A_15, %dma_wait3A_16] : memref<1000000x64xf32, #tpu.memory_space<hbm>> -> memref<1x64xf32, #tpu.memory_space<hbm>>
      tpu.wait_dma2 semaphore(%run_scoped3A : memref<!tpu.dma_semaphore, #tpu.memory_space<semaphore_mem>>) src(%dma_wait3A_17 : memref<1x64xf32, #tpu.memory_space<hbm>>) dst(%arg8 : memref<1x64xf32, #tpu.memory_space<vmem>>)
      tpu.yield
    }) : () -> ()
    %broadcast_in_dim3A = arith.constant 0.000000e+00 : f32
    %broadcast_in_dim3A_1 = vector.broadcast %broadcast_in_dim3A : f32 to vector<16xf32>
    %scan3A = arith.constant 0 : i32
    %scan3A_2 = arith.constant 0 : i32
    %scan3A_3 = arith.constant 4 : i32
    %scan3A_4 = arith.addi %scan3A_2, %scan3A_3 : i32
    %scan3A_5 = arith.constant 1 : i32
    %scan3A_6 = scf.for %scan3A_8 = %scan3A_2 to %scan3A_4 step %scan3A_5 iter_args(%scan3A_9 = %scan3A) -> (i32)  : i32 {
      %mul3A_10 = arith.constant 512 : i32
      %mul3A_11 = arith.muli %add3A, %mul3A_10 : i32
      %mul3A_12 = arith.constant 128 : i32
      %mul3A_13 = arith.muli %scan3A_8, %mul3A_12 : i32
      %add3A_14 = arith.addi %mul3A_11, %mul3A_13 : i32
      "tpu.region"() ({
        %run_scoped3A = tpu.sem_alloc : memref<!tpu.dma_semaphore, #tpu.memory_space<semaphore_mem>>
        %dma_start3A_326 = arith.constant 0 : i32
        %dma_start3A_327 = arith.constant 0 : i32
        %dma_start3A_328 = tpu.memref_slice %arg2[%add3A, %scan3A_8, %dma_start3A_326, %dma_start3A_327] : memref<32x4x200x128xi32, #tpu.memory_space<hbm>> -> memref<1x1x200x128xi32, #tpu.memory_space<hbm>>
        %dma_start3A_329 = tpu.memref_squeeze %dma_start3A_328 : memref<1x1x200x128xi32, #tpu.memory_space<hbm>> -> memref<200x128xi32, #tpu.memory_space<hbm>>
        %dma_start3A_330 = arith.constant 0 : i32
        %dma_start3A_331 = arith.constant 0 : i32
        %dma_start3A_332 = tpu.memref_slice %arg2[%add3A, %scan3A_8, %dma_start3A_330, %dma_start3A_331] : memref<32x4x200x128xi32, #tpu.memory_space<hbm>> -> memref<1x1x200x128xi32, #tpu.memory_space<hbm>>
        %dma_start3A_333 = tpu.memref_squeeze %dma_start3A_332 : memref<1x1x200x128xi32, #tpu.memory_space<hbm>> -> memref<200x128xi32, #tpu.memory_space<hbm>>
        tpu.enqueue_dma source(%dma_start3A_333 : memref<200x128xi32, #tpu.memory_space<hbm>>) target(%arg5 : memref<200x128xi32, #tpu.memory_space<vmem>>) target_semaphore(%run_scoped3A : memref<!tpu.dma_semaphore, #tpu.memory_space<semaphore_mem>>)
        %dma_wait3A = arith.constant 0 : i32
        %dma_wait3A_334 = arith.constant 0 : i32
        %dma_wait3A_335 = tpu.memref_slice %arg2[%add3A, %scan3A_8, %dma_wait3A, %dma_wait3A_334] : memref<32x4x200x128xi32, #tpu.memory_space<hbm>> -> memref<1x1x200x128xi32, #tpu.memory_space<hbm>>
        %dma_wait3A_336 = tpu.memref_squeeze %dma_wait3A_335 : memref<1x1x200x128xi32, #tpu.memory_space<hbm>> -> memref<200x128xi32, #tpu.memory_space<hbm>>
        %dma_wait3A_337 = arith.constant 0 : i32
        %dma_wait3A_338 = arith.constant 0 : i32
        %dma_wait3A_339 = tpu.memref_slice %arg2[%add3A, %scan3A_8, %dma_wait3A_337, %dma_wait3A_338] : memref<32x4x200x128xi32, #tpu.memory_space<hbm>> -> memref<1x1x200x128xi32, #tpu.memory_space<hbm>>
        %dma_wait3A_340 = tpu.memref_squeeze %dma_wait3A_339 : memref<1x1x200x128xi32, #tpu.memory_space<hbm>> -> memref<200x128xi32, #tpu.memory_space<hbm>>
        tpu.wait_dma2 semaphore(%run_scoped3A : memref<!tpu.dma_semaphore, #tpu.memory_space<semaphore_mem>>) src(%dma_wait3A_340 : memref<200x128xi32, #tpu.memory_space<hbm>>) dst(%arg5 : memref<200x128xi32, #tpu.memory_space<vmem>>)
        tpu.yield
      }) : () -> ()
      %parallel_loop3A = arith.constant 0 : i32
      %parallel_loop3A_15 = arith.constant 128 : i32
      %parallel_loop3A_16 = arith.constant 1 : i32
      scf.for %parallel_loop3A_326 = %parallel_loop3A to %parallel_loop3A_15 step %parallel_loop3A_16  : i32 {
        %parallel_loop3A_327 = arith.index_cast %parallel_loop3A_326 : i32 to index
        %parallel_loop3A_328 = arith.constant 0 : index
        %parallel_loop3A_329 = tpu.vector_load %arg7[%parallel_loop3A_327, %parallel_loop3A_328] {strides = array<i32>} : memref<128x64xf32, #tpu.memory_space<vmem>>, vector<16xf32>,
        tpu.vector_store %arg7[%parallel_loop3A_327, %parallel_loop3A_328], %broadcast_in_dim3A_1 {strides = array<i32>} : memref<128x64xf32, #tpu.memory_space<vmem>>, vector<16xf32>,
        %parallel_loop3A_330 = arith.index_cast %parallel_loop3A_326 : i32 to index
        %parallel_loop3A_331 = arith.constant 16 : index
        %parallel_loop3A_332 = tpu.vector_load %arg7[%parallel_loop3A_330, %parallel_loop3A_331] {strides = array<i32>} : memref<128x64xf32, #tpu.memory_space<vmem>>, vector<16xf32>,
        tpu.vector_store %arg7[%parallel_loop3A_330, %parallel_loop3A_331], %broadcast_in_dim3A_1 {strides = array<i32>} : memref<128x64xf32, #tpu.memory_space<vmem>>, vector<16xf32>,
        %parallel_loop3A_333 = arith.index_cast %parallel_loop3A_326 : i32 to index
        %parallel_loop3A_334 = arith.constant 32 : index
        %parallel_loop3A_335 = tpu.vector_load %arg7[%parallel_loop3A_333, %parallel_loop3A_334] {strides = array<i32>} : memref<128x64xf32, #tpu.memory_space<vmem>>, vector<16xf32>,
        tpu.vector_store %arg7[%parallel_loop3A_333, %parallel_loop3A_334], %broadcast_in_dim3A_1 {strides = array<i32>} : memref<128x64xf32, #tpu.memory_space<vmem>>, vector<16xf32>,
        %parallel_loop3A_336 = arith.index_cast %parallel_loop3A_326 : i32 to index
        %parallel_loop3A_337 = arith.constant 48 : index
        %parallel_loop3A_338 = tpu.vector_load %arg7[%parallel_loop3A_336, %parallel_loop3A_337] {strides = array<i32>} : memref<128x64xf32, #tpu.memory_space<vmem>>, vector<16xf32>,
        tpu.vector_store %arg7[%parallel_loop3A_336, %parallel_loop3A_337], %broadcast_in_dim3A_1 {strides = array<i32>} : memref<128x64xf32, #tpu.memory_space<vmem>>, vector<16xf32>,
      } {sc.loop_unroll_factor = 8 : i64, sc.parallel_access}
      %dma_start3A = arith.constant 0 : i32
      %dma_start3A_17 = arith.constant 0 : i32
      %dma_start3A_18 = arith.constant 0 : i32
      %dma_start3A_19 = arith.constant 0 : i32
      %dma_start3A_20 = tpu.memref_slice %arg6[%dma_start3A_17, %dma_start3A_18, %dma_start3A_19] : memref<10x128x64xf32, #tpu.memory_space<vmem>> -> memref<1x128x64xf32, #tpu.memory_space<vmem>>
      %dma_start3A_21 = tpu.memref_squeeze %dma_start3A_20 : memref<1x128x64xf32, #tpu.memory_space<vmem>> -> memref<128x64xf32, #tpu.memory_space<vmem>>
      %dma_start3A_22 = arith.constant 0 : i32
      %dma_start3A_23 = tpu.memref_slice %arg5[%dma_start3A, %dma_start3A_22] : memref<200x128xi32, #tpu.memory_space<vmem>> -> memref<1x128xi32, #tpu.memory_space<vmem>>
      %dma_start3A_24 = tpu.memref_squeeze %dma_start3A_23 : memref<1x128xi32, #tpu.memory_space<vmem>> -> memref<128xi32, #tpu.memory_space<vmem>>
      %dma_start3A_25 = arith.constant 0 : i32
      %dma_start3A_26 = arith.constant 0 : i32
      %dma_start3A_27 = tpu.memref_slice %arg3[%dma_start3A_25, %dma_start3A_26] : memref<1000000x64xf32, #tpu.memory_space<hbm>> -> memref<1000000x64xf32, #tpu.memory_space<hbm>>
      tpu.enqueue_indirect_dma source(%dma_start3A_27 : memref<1000000x64xf32, #tpu.memory_space<hbm>>) target(%dma_start3A_21 : memref<128x64xf32, #tpu.memory_space<vmem>>) offsets(%dma_start3A_24 : memref<128xi32, #tpu.memory_space<vmem>>) semaphore(%arg11 : memref<!tpu.dma_semaphore, #tpu.memory_space<semaphore_mem>>)
      %dma_start3A_28 = arith.constant 1 : i32
      %dma_start3A_29 = arith.constant 1 : i32
      %dma_start3A_30 = arith.constant 0 : i32
      %dma_start3A_31 = arith.constant 0 : i32
      %dma_start3A_32 = tpu.memref_slice %arg6[%dma_start3A_29, %dma_start3A_30, %dma_start3A_31] : memref<10x128x64xf32, #tpu.memory_space<vmem>> -> memref<1x128x64xf32, #tpu.memory_space<vmem>>
      %dma_start3A_33 = tpu.memref_squeeze %dma_start3A_32 : memref<1x128x64xf32, #tpu.memory_space<vmem>> -> memref<128x64xf32, #tpu.memory_space<vmem>>
      %dma_start3A_34 = arith.constant 0 : i32
      %dma_start3A_35 = tpu.memref_slice %arg5[%dma_start3A_28, %dma_start3A_34] : memref<200x128xi32, #tpu.memory_space<vmem>> -> memref<1x128xi32, #tpu.memory_space<vmem>>
      %dma_start3A_36 = tpu.memref_squeeze %dma_start3A_35 : memref<1x128xi32, #tpu.memory_space<vmem>> -> memref<128xi32, #tpu.memory_space<vmem>>
      %dma_start3A_37 = arith.constant 0 : i32
      %dma_start3A_38 = arith.constant 0 : i32
      %dma_start3A_39 = tpu.memref_slice %arg3[%dma_start3A_37, %dma_start3A_38] : memref<1000000x64xf32, #tpu.memory_space<hbm>> -> memref<1000000x64xf32, #tpu.memory_space<hbm>>
      tpu.enqueue_indirect_dma source(%dma_start3A_39 : memref<1000000x64xf32, #tpu.memory_space<hbm>>) target(%dma_start3A_33 : memref<128x64xf32, #tpu.memory_space<vmem>>) offsets(%dma_start3A_36 : memref<128xi32, #tpu.memory_space<vmem>>) semaphore(%arg12 : memref<!tpu.dma_semaphore, #tpu.memory_space<semaphore_mem>>)
      %dma_start3A_40 = arith.constant 2 : i32
      %dma_start3A_41 = arith.constant 2 : i32
      %dma_start3A_42 = arith.constant 0 : i32
      %dma_start3A_43 = arith.constant 0 : i32
      %dma_start3A_44 = tpu.memref_slice %arg6[%dma_start3A_41, %dma_start3A_42, %dma_start3A_43] : memref<10x128x64xf32, #tpu.memory_space<vmem>> -> memref<1x128x64xf32, #tpu.memory_space<vmem>>
      %dma_start3A_45 = tpu.memref_squeeze %dma_start3A_44 : memref<1x128x64xf32, #tpu.memory_space<vmem>> -> memref<128x64xf32, #tpu.memory_space<vmem>>
      %dma_start3A_46 = arith.constant 0 : i32
      %dma_start3A_47 = tpu.memref_slice %arg5[%dma_start3A_40, %dma_start3A_46] : memref<200x128xi32, #tpu.memory_space<vmem>> -> memref<1x128xi32, #tpu.memory_space<vmem>>
      %dma_start3A_48 = tpu.memref_squeeze %dma_start3A_47 : memref<1x128xi32, #tpu.memory_space<vmem>> -> memref<128xi32, #tpu.memory_space<vmem>>
      %dma_start3A_49 = arith.constant 0 : i32
      %dma_start3A_50 = arith.constant 0 : i32
      %dma_start3A_51 = tpu.memref_slice %arg3[%dma_start3A_49, %dma_start3A_50] : memref<1000000x64xf32, #tpu.memory_space<hbm>> -> memref<1000000x64xf32, #tpu.memory_space<hbm>>
      tpu.enqueue_indirect_dma source(%dma_start3A_51 : memref<1000000x64xf32, #tpu.memory_space<hbm>>) target(%dma_start3A_45 : memref<128x64xf32, #tpu.memory_space<vmem>>) offsets(%dma_start3A_48 : memref<128xi32, #tpu.memory_space<vmem>>) semaphore(%arg13 : memref<!tpu.dma_semaphore, #tpu.memory_space<semaphore_mem>>)
      %dma_start3A_52 = arith.constant 3 : i32
      %dma_start3A_53 = arith.constant 3 : i32
      %dma_start3A_54 = arith.constant 0 : i32
      %dma_start3A_55 = arith.constant 0 : i32
      %dma_start3A_56 = tpu.memref_slice %arg6[%dma_start3A_53, %dma_start3A_54, %dma_start3A_55] : memref<10x128x64xf32, #tpu.memory_space<vmem>> -> memref<1x128x64xf32, #tpu.memory_space<vmem>>
      %dma_start3A_57 = tpu.memref_squeeze %dma_start3A_56 : memref<1x128x64xf32, #tpu.memory_space<vmem>> -> memref<128x64xf32, #tpu.memory_space<vmem>>
      %dma_start3A_58 = arith.constant 0 : i32
      %dma_start3A_59 = tpu.memref_slice %arg5[%dma_start3A_52, %dma_start3A_58] : memref<200x128xi32, #tpu.memory_space<vmem>> -> memref<1x128xi32, #tpu.memory_space<vmem>>
      %dma_start3A_60 = tpu.memref_squeeze %dma_start3A_59 : memref<1x128xi32, #tpu.memory_space<vmem>> -> memref<128xi32, #tpu.memory_space<vmem>>
      %dma_start3A_61 = arith.constant 0 : i32
      %dma_start3A_62 = arith.constant 0 : i32
      %dma_start3A_63 = tpu.memref_slice %arg3[%dma_start3A_61, %dma_start3A_62] : memref<1000000x64xf32, #tpu.memory_space<hbm>> -> memref<1000000x64xf32, #tpu.memory_space<hbm>>
      tpu.enqueue_indirect_dma source(%dma_start3A_63 : memref<1000000x64xf32, #tpu.memory_space<hbm>>) target(%dma_start3A_57 : memref<128x64xf32, #tpu.memory_space<vmem>>) offsets(%dma_start3A_60 : memref<128xi32, #tpu.memory_space<vmem>>) semaphore(%arg14 : memref<!tpu.dma_semaphore, #tpu.memory_space<semaphore_mem>>)
      %dma_start3A_64 = arith.constant 4 : i32
      %dma_start3A_65 = arith.constant 4 : i32
      %dma_start3A_66 = arith.constant 0 : i32
      %dma_start3A_67 = arith.constant 0 : i32
      %dma_start3A_68 = tpu.memref_slice %arg6[%dma_start3A_65, %dma_start3A_66, %dma_start3A_67] : memref<10x128x64xf32, #tpu.memory_space<vmem>> -> memref<1x128x64xf32, #tpu.memory_space<vmem>>
      %dma_start3A_69 = tpu.memref_squeeze %dma_start3A_68 : memref<1x128x64xf32, #tpu.memory_space<vmem>> -> memref<128x64xf32, #tpu.memory_space<vmem>>
      %dma_start3A_70 = arith.constant 0 : i32
      %dma_start3A_71 = tpu.memref_slice %arg5[%dma_start3A_64, %dma_start3A_70] : memref<200x128xi32, #tpu.memory_space<vmem>> -> memref<1x128xi32, #tpu.memory_space<vmem>>
      %dma_start3A_72 = tpu.memref_squeeze %dma_start3A_71 : memref<1x128xi32, #tpu.memory_space<vmem>> -> memref<128xi32, #tpu.memory_space<vmem>>
      %dma_start3A_73 = arith.constant 0 : i32
      %dma_start3A_74 = arith.constant 0 : i32
      %dma_start3A_75 = tpu.memref_slice %arg3[%dma_start3A_73, %dma_start3A_74] : memref<1000000x64xf32, #tpu.memory_space<hbm>> -> memref<1000000x64xf32, #tpu.memory_space<hbm>>
      tpu.enqueue_indirect_dma source(%dma_start3A_75 : memref<1000000x64xf32, #tpu.memory_space<hbm>>) target(%dma_start3A_69 : memref<128x64xf32, #tpu.memory_space<vmem>>) offsets(%dma_start3A_72 : memref<128xi32, #tpu.memory_space<vmem>>) semaphore(%arg15 : memref<!tpu.dma_semaphore, #tpu.memory_space<semaphore_mem>>)
      %dma_start3A_76 = arith.constant 5 : i32
      %dma_start3A_77 = arith.constant 5 : i32
      %dma_start3A_78 = arith.constant 0 : i32
      %dma_start3A_79 = arith.constant 0 : i32
      %dma_start3A_80 = tpu.memref_slice %arg6[%dma_start3A_77, %dma_start3A_78, %dma_start3A_79] : memref<10x128x64xf32, #tpu.memory_space<vmem>> -> memref<1x128x64xf32, #tpu.memory_space<vmem>>
      %dma_start3A_81 = tpu.memref_squeeze %dma_start3A_80 : memref<1x128x64xf32, #tpu.memory_space<vmem>> -> memref<128x64xf32, #tpu.memory_space<vmem>>
      %dma_start3A_82 = arith.constant 0 : i32
      %dma_start3A_83 = tpu.memref_slice %arg5[%dma_start3A_76, %dma_start3A_82] : memref<200x128xi32, #tpu.memory_space<vmem>> -> memref<1x128xi32, #tpu.memory_space<vmem>>
      %dma_start3A_84 = tpu.memref_squeeze %dma_start3A_83 : memref<1x128xi32, #tpu.memory_space<vmem>> -> memref<128xi32, #tpu.memory_space<vmem>>
      %dma_start3A_85 = arith.constant 0 : i32
      %dma_start3A_86 = arith.constant 0 : i32
      %dma_start3A_87 = tpu.memref_slice %arg3[%dma_start3A_85, %dma_start3A_86] : memref<1000000x64xf32, #tpu.memory_space<hbm>> -> memref<1000000x64xf32, #tpu.memory_space<hbm>>
      tpu.enqueue_indirect_dma source(%dma_start3A_87 : memref<1000000x64xf32, #tpu.memory_space<hbm>>) target(%dma_start3A_81 : memref<128x64xf32, #tpu.memory_space<vmem>>) offsets(%dma_start3A_84 : memref<128xi32, #tpu.memory_space<vmem>>) semaphore(%arg16 : memref<!tpu.dma_semaphore, #tpu.memory_space<semaphore_mem>>)
      %dma_start3A_88 = arith.constant 6 : i32
      %dma_start3A_89 = arith.constant 6 : i32
      %dma_start3A_90 = arith.constant 0 : i32
      %dma_start3A_91 = arith.constant 0 : i32
      %dma_start3A_92 = tpu.memref_slice %arg6[%dma_start3A_89, %dma_start3A_90, %dma_start3A_91] : memref<10x128x64xf32, #tpu.memory_space<vmem>> -> memref<1x128x64xf32, #tpu.memory_space<vmem>>
      %dma_start3A_93 = tpu.memref_squeeze %dma_start3A_92 : memref<1x128x64xf32, #tpu.memory_space<vmem>> -> memref<128x64xf32, #tpu.memory_space<vmem>>
      %dma_start3A_94 = arith.constant 0 : i32
      %dma_start3A_95 = tpu.memref_slice %arg5[%dma_start3A_88, %dma_start3A_94] : memref<200x128xi32, #tpu.memory_space<vmem>> -> memref<1x128xi32, #tpu.memory_space<vmem>>
      %dma_start3A_96 = tpu.memref_squeeze %dma_start3A_95 : memref<1x128xi32, #tpu.memory_space<vmem>> -> memref<128xi32, #tpu.memory_space<vmem>>
      %dma_start3A_97 = arith.constant 0 : i32
      %dma_start3A_98 = arith.constant 0 : i32
      %dma_start3A_99 = tpu.memref_slice %arg3[%dma_start3A_97, %dma_start3A_98] : memref<1000000x64xf32, #tpu.memory_space<hbm>> -> memref<1000000x64xf32, #tpu.memory_space<hbm>>
      tpu.enqueue_indirect_dma source(%dma_start3A_99 : memref<1000000x64xf32, #tpu.memory_space<hbm>>) target(%dma_start3A_93 : memref<128x64xf32, #tpu.memory_space<vmem>>) offsets(%dma_start3A_96 : memref<128xi32, #tpu.memory_space<vmem>>) semaphore(%arg17 : memref<!tpu.dma_semaphore, #tpu.memory_space<semaphore_mem>>)
      %dma_start3A_100 = arith.constant 7 : i32
      %dma_start3A_101 = arith.constant 7 : i32
      %dma_start3A_102 = arith.constant 0 : i32
      %dma_start3A_103 = arith.constant 0 : i32
      %dma_start3A_104 = tpu.memref_slice %arg6[%dma_start3A_101, %dma_start3A_102, %dma_start3A_103] : memref<10x128x64xf32, #tpu.memory_space<vmem>> -> memref<1x128x64xf32, #tpu.memory_space<vmem>>
      %dma_start3A_105 = tpu.memref_squeeze %dma_start3A_104 : memref<1x128x64xf32, #tpu.memory_space<vmem>> -> memref<128x64xf32, #tpu.memory_space<vmem>>
      %dma_start3A_106 = arith.constant 0 : i32
      %dma_start3A_107 = tpu.memref_slice %arg5[%dma_start3A_100, %dma_start3A_106] : memref<200x128xi32, #tpu.memory_space<vmem>> -> memref<1x128xi32, #tpu.memory_space<vmem>>
      %dma_start3A_108 = tpu.memref_squeeze %dma_start3A_107 : memref<1x128xi32, #tpu.memory_space<vmem>> -> memref<128xi32, #tpu.memory_space<vmem>>
      %dma_start3A_109 = arith.constant 0 : i32
      %dma_start3A_110 = arith.constant 0 : i32
      %dma_start3A_111 = tpu.memref_slice %arg3[%dma_start3A_109, %dma_start3A_110] : memref<1000000x64xf32, #tpu.memory_space<hbm>> -> memref<1000000x64xf32, #tpu.memory_space<hbm>>
      tpu.enqueue_indirect_dma source(%dma_start3A_111 : memref<1000000x64xf32, #tpu.memory_space<hbm>>) target(%dma_start3A_105 : memref<128x64xf32, #tpu.memory_space<vmem>>) offsets(%dma_start3A_108 : memref<128xi32, #tpu.memory_space<vmem>>) semaphore(%arg18 : memref<!tpu.dma_semaphore, #tpu.memory_space<semaphore_mem>>)
      %dma_start3A_112 = arith.constant 8 : i32
      %dma_start3A_113 = arith.constant 8 : i32
      %dma_start3A_114 = arith.constant 0 : i32
      %dma_start3A_115 = arith.constant 0 : i32
      %dma_start3A_116 = tpu.memref_slice %arg6[%dma_start3A_113, %dma_start3A_114, %dma_start3A_115] : memref<10x128x64xf32, #tpu.memory_space<vmem>> -> memref<1x128x64xf32, #tpu.memory_space<vmem>>
      %dma_start3A_117 = tpu.memref_squeeze %dma_start3A_116 : memref<1x128x64xf32, #tpu.memory_space<vmem>> -> memref<128x64xf32, #tpu.memory_space<vmem>>
      %dma_start3A_118 = arith.constant 0 : i32
      %dma_start3A_119 = tpu.memref_slice %arg5[%dma_start3A_112, %dma_start3A_118] : memref<200x128xi32, #tpu.memory_space<vmem>> -> memref<1x128xi32, #tpu.memory_space<vmem>>
      %dma_start3A_120 = tpu.memref_squeeze %dma_start3A_119 : memref<1x128xi32, #tpu.memory_space<vmem>> -> memref<128xi32, #tpu.memory_space<vmem>>
      %dma_start3A_121 = arith.constant 0 : i32
      %dma_start3A_122 = arith.constant 0 : i32
      %dma_start3A_123 = tpu.memref_slice %arg3[%dma_start3A_121, %dma_start3A_122] : memref<1000000x64xf32, #tpu.memory_space<hbm>> -> memref<1000000x64xf32, #tpu.memory_space<hbm>>
      tpu.enqueue_indirect_dma source(%dma_start3A_123 : memref<1000000x64xf32, #tpu.memory_space<hbm>>) target(%dma_start3A_117 : memref<128x64xf32, #tpu.memory_space<vmem>>) offsets(%dma_start3A_120 : memref<128xi32, #tpu.memory_space<vmem>>) semaphore(%arg19 : memref<!tpu.dma_semaphore, #tpu.memory_space<semaphore_mem>>)
      %dma_start3A_124 = arith.constant 9 : i32
      %dma_start3A_125 = arith.constant 9 : i32
      %dma_start3A_126 = arith.constant 0 : i32
      %dma_start3A_127 = arith.constant 0 : i32
      %dma_start3A_128 = tpu.memref_slice %arg6[%dma_start3A_125, %dma_start3A_126, %dma_start3A_127] : memref<10x128x64xf32, #tpu.memory_space<vmem>> -> memref<1x128x64xf32, #tpu.memory_space<vmem>>
      %dma_start3A_129 = tpu.memref_squeeze %dma_start3A_128 : memref<1x128x64xf32, #tpu.memory_space<vmem>> -> memref<128x64xf32, #tpu.memory_space<vmem>>
      %dma_start3A_130 = arith.constant 0 : i32
      %dma_start3A_131 = tpu.memref_slice %arg5[%dma_start3A_124, %dma_start3A_130] : memref<200x128xi32, #tpu.memory_space<vmem>> -> memref<1x128xi32, #tpu.memory_space<vmem>>
      %dma_start3A_132 = tpu.memref_squeeze %dma_start3A_131 : memref<1x128xi32, #tpu.memory_space<vmem>> -> memref<128xi32, #tpu.memory_space<vmem>>
      %dma_start3A_133 = arith.constant 0 : i32
      %dma_start3A_134 = arith.constant 0 : i32
      %dma_start3A_135 = tpu.memref_slice %arg3[%dma_start3A_133, %dma_start3A_134] : memref<1000000x64xf32, #tpu.memory_space<hbm>> -> memref<1000000x64xf32, #tpu.memory_space<hbm>>
      tpu.enqueue_indirect_dma source(%dma_start3A_135 : memref<1000000x64xf32, #tpu.memory_space<hbm>>) target(%dma_start3A_129 : memref<128x64xf32, #tpu.memory_space<vmem>>) offsets(%dma_start3A_132 : memref<128xi32, #tpu.memory_space<vmem>>) semaphore(%arg20 : memref<!tpu.dma_semaphore, #tpu.memory_space<semaphore_mem>>)
      %scan3A_136 = arith.constant 0 : i32
      %scan3A_137 = arith.constant 0 : i32
      %scan3A_138 = arith.constant 20 : i32
      %scan3A_139 = arith.addi %scan3A_137, %scan3A_138 : i32
      %scan3A_140 = arith.constant 1 : i32
      %scan3A_141 = scf.for %scan3A_326 = %scan3A_137 to %scan3A_139 step %scan3A_140 iter_args(%scan3A_327 = %scan3A_136) -> (i32)  : i32 {
        %mul3A_328 = arith.constant 10 : i32
        %mul3A_329 = arith.muli %scan3A_326, %mul3A_328 : i32
        %add3A_330 = arith.constant 0 : i32
        %add3A_331 = arith.addi %mul3A_329, %add3A_330 : i32
        %dma_wait3A = arith.constant 0 : i32
        %dma_wait3A_332 = arith.constant 0 : i32
        %dma_wait3A_333 = arith.constant 0 : i32
        %dma_wait3A_334 = tpu.memref_slice %arg6[%dma_wait3A, %dma_wait3A_332, %dma_wait3A_333] : memref<10x128x64xf32, #tpu.memory_space<vmem>> -> memref<1x128x64xf32, #tpu.memory_space<vmem>>
        %dma_wait3A_335 = tpu.memref_squeeze %dma_wait3A_334 : memref<1x128x64xf32, #tpu.memory_space<vmem>> -> memref<128x64xf32, #tpu.memory_space<vmem>>
        %dma_wait3A_336 = arith.constant 0 : i32
        %dma_wait3A_337 = tpu.memref_slice %arg5[%add3A_331, %dma_wait3A_336] : memref<200x128xi32, #tpu.memory_space<vmem>> -> memref<1x128xi32, #tpu.memory_space<vmem>>
        %dma_wait3A_338 = tpu.memref_squeeze %dma_wait3A_337 : memref<1x128xi32, #tpu.memory_space<vmem>> -> memref<128xi32, #tpu.memory_space<vmem>>
        %dma_wait3A_339 = arith.constant 0 : i32
        %dma_wait3A_340 = arith.constant 0 : i32
        %dma_wait3A_341 = tpu.memref_slice %arg3[%dma_wait3A_339, %dma_wait3A_340] : memref<1000000x64xf32, #tpu.memory_space<hbm>> -> memref<1000000x64xf32, #tpu.memory_space<hbm>>
        tpu.wait_indirect_dma semaphore(%arg11 : memref<!tpu.dma_semaphore, #tpu.memory_space<semaphore_mem>>) src(%dma_wait3A_341 : memref<1000000x64xf32, #tpu.memory_space<hbm>>) dst(%dma_wait3A_335 : memref<128x64xf32, #tpu.memory_space<vmem>>)
        %add3A_342 = arith.constant 1 : i32
        %add3A_343 = arith.addi %mul3A_329, %add3A_342 : i32
        %dma_wait3A_344 = arith.constant 1 : i32
        %dma_wait3A_345 = arith.constant 0 : i32
        %dma_wait3A_346 = arith.constant 0 : i32
        %dma_wait3A_347 = tpu.memref_slice %arg6[%dma_wait3A_344, %dma_wait3A_345, %dma_wait3A_346] : memref<10x128x64xf32, #tpu.memory_space<vmem>> -> memref<1x128x64xf32, #tpu.memory_space<vmem>>
        %dma_wait3A_348 = tpu.memref_squeeze %dma_wait3A_347 : memref<1x128x64xf32, #tpu.memory_space<vmem>> -> memref<128x64xf32, #tpu.memory_space<vmem>>
        %dma_wait3A_349 = arith.constant 0 : i32
        %dma_wait3A_350 = tpu.memref_slice %arg5[%add3A_343, %dma_wait3A_349] : memref<200x128xi32, #tpu.memory_space<vmem>> -> memref<1x128xi32, #tpu.memory_space<vmem>>
        %dma_wait3A_351 = tpu.memref_squeeze %dma_wait3A_350 : memref<1x128xi32, #tpu.memory_space<vmem>> -> memref<128xi32, #tpu.memory_space<vmem>>
        %dma_wait3A_352 = arith.constant 0 : i32
        %dma_wait3A_353 = arith.constant 0 : i32
        %dma_wait3A_354 = tpu.memref_slice %arg3[%dma_wait3A_352, %dma_wait3A_353] : memref<1000000x64xf32, #tpu.memory_space<hbm>> -> memref<1000000x64xf32, #tpu.memory_space<hbm>>
        tpu.wait_indirect_dma semaphore(%arg12 : memref<!tpu.dma_semaphore, #tpu.memory_space<semaphore_mem>>) src(%dma_wait3A_354 : memref<1000000x64xf32, #tpu.memory_space<hbm>>) dst(%dma_wait3A_348 : memref<128x64xf32, #tpu.memory_space<vmem>>)
        %add3A_355 = arith.constant 2 : i32
        %add3A_356 = arith.addi %mul3A_329, %add3A_355 : i32
        %dma_wait3A_357 = arith.constant 2 : i32
        %dma_wait3A_358 = arith.constant 0 : i32
        %dma_wait3A_359 = arith.constant 0 : i32
        %dma_wait3A_360 = tpu.memref_slice %arg6[%dma_wait3A_357, %dma_wait3A_358, %dma_wait3A_359] : memref<10x128x64xf32, #tpu.memory_space<vmem>> -> memref<1x128x64xf32, #tpu.memory_space<vmem>>
        %dma_wait3A_361 = tpu.memref_squeeze %dma_wait3A_360 : memref<1x128x64xf32, #tpu.memory_space<vmem>> -> memref<128x64xf32, #tpu.memory_space<vmem>>
        %dma_wait3A_362 = arith.constant 0 : i32
        %dma_wait3A_363 = tpu.memref_slice %arg5[%add3A_356, %dma_wait3A_362] : memref<200x128xi32, #tpu.memory_space<vmem>> -> memref<1x128xi32, #tpu.memory_space<vmem>>
        %dma_wait3A_364 = tpu.memref_squeeze %dma_wait3A_363 : memref<1x128xi32, #tpu.memory_space<vmem>> -> memref<128xi32, #tpu.memory_space<vmem>>
        %dma_wait3A_365 = arith.constant 0 : i32
        %dma_wait3A_366 = arith.constant 0 : i32
        %dma_wait3A_367 = tpu.memref_slice %arg3[%dma_wait3A_365, %dma_wait3A_366] : memref<1000000x64xf32, #tpu.memory_space<hbm>> -> memref<1000000x64xf32, #tpu.memory_space<hbm>>
        tpu.wait_indirect_dma semaphore(%arg13 : memref<!tpu.dma_semaphore, #tpu.memory_space<semaphore_mem>>) src(%dma_wait3A_367 : memref<1000000x64xf32, #tpu.memory_space<hbm>>) dst(%dma_wait3A_361 : memref<128x64xf32, #tpu.memory_space<vmem>>)
        %add3A_368 = arith.constant 3 : i32
        %add3A_369 = arith.addi %mul3A_329, %add3A_368 : i32
        %dma_wait3A_370 = arith.constant 3 : i32
        %dma_wait3A_371 = arith.constant 0 : i32
        %dma_wait3A_372 = arith.constant 0 : i32
        %dma_wait3A_373 = tpu.memref_slice %arg6[%dma_wait3A_370, %dma_wait3A_371, %dma_wait3A_372] : memref<10x128x64xf32, #tpu.memory_space<vmem>> -> memref<1x128x64xf32, #tpu.memory_space<vmem>>
        %dma_wait3A_374 = tpu.memref_squeeze %dma_wait3A_373 : memref<1x128x64xf32, #tpu.memory_space<vmem>> -> memref<128x64xf32, #tpu.memory_space<vmem>>
        %dma_wait3A_375 = arith.constant 0 : i32
        %dma_wait3A_376 = tpu.memref_slice %arg5[%add3A_369, %dma_wait3A_375] : memref<200x128xi32, #tpu.memory_space<vmem>> -> memref<1x128xi32, #tpu.memory_space<vmem>>
        %dma_wait3A_377 = tpu.memref_squeeze %dma_wait3A_376 : memref<1x128xi32, #tpu.memory_space<vmem>> -> memref<128xi32, #tpu.memory_space<vmem>>
        %dma_wait3A_378 = arith.constant 0 : i32
        %dma_wait3A_379 = arith.constant 0 : i32
        %dma_wait3A_380 = tpu.memref_slice %arg3[%dma_wait3A_378, %dma_wait3A_379] : memref<1000000x64xf32, #tpu.memory_space<hbm>> -> memref<1000000x64xf32, #tpu.memory_space<hbm>>
        tpu.wait_indirect_dma semaphore(%arg14 : memref<!tpu.dma_semaphore, #tpu.memory_space<semaphore_mem>>) src(%dma_wait3A_380 : memref<1000000x64xf32, #tpu.memory_space<hbm>>) dst(%dma_wait3A_374 : memref<128x64xf32, #tpu.memory_space<vmem>>)
        %add3A_381 = arith.constant 4 : i32
        %add3A_382 = arith.addi %mul3A_329, %add3A_381 : i32
        %dma_wait3A_383 = arith.constant 4 : i32
        %dma_wait3A_384 = arith.constant 0 : i32
        %dma_wait3A_385 = arith.constant 0 : i32
        %dma_wait3A_386 = tpu.memref_slice %arg6[%dma_wait3A_383, %dma_wait3A_384, %dma_wait3A_385] : memref<10x128x64xf32, #tpu.memory_space<vmem>> -> memref<1x128x64xf32, #tpu.memory_space<vmem>>
        %dma_wait3A_387 = tpu.memref_squeeze %dma_wait3A_386 : memref<1x128x64xf32, #tpu.memory_space<vmem>> -> memref<128x64xf32, #tpu.memory_space<vmem>>
        %dma_wait3A_388 = arith.constant 0 : i32
        %dma_wait3A_389 = tpu.memref_slice %arg5[%add3A_382, %dma_wait3A_388] : memref<200x128xi32, #tpu.memory_space<vmem>> -> memref<1x128xi32, #tpu.memory_space<vmem>>
        %dma_wait3A_390 = tpu.memref_squeeze %dma_wait3A_389 : memref<1x128xi32, #tpu.memory_space<vmem>> -> memref<128xi32, #tpu.memory_space<vmem>>
        %dma_wait3A_391 = arith.constant 0 : i32
        %dma_wait3A_392 = arith.constant 0 : i32
        %dma_wait3A_393 = tpu.memref_slice %arg3[%dma_wait3A_391, %dma_wait3A_392] : memref<1000000x64xf32, #tpu.memory_space<hbm>> -> memref<1000000x64xf32, #tpu.memory_space<hbm>>
        tpu.wait_indirect_dma semaphore(%arg15 : memref<!tpu.dma_semaphore, #tpu.memory_space<semaphore_mem>>) src(%dma_wait3A_393 : memref<1000000x64xf32, #tpu.memory_space<hbm>>) dst(%dma_wait3A_387 : memref<128x64xf32, #tpu.memory_space<vmem>>)
        %scan3A_394 = arith.constant 0 : i32
        %scan3A_395 = arith.constant 0 : i32
        %scan3A_396 = arith.constant 32 : i32
        %scan3A_397 = arith.addi %scan3A_395, %scan3A_396 : i32
        %scan3A_398 = arith.constant 1 : i32
        %scan3A_399 = scf.for %scan3A_565 = %scan3A_395 to %scan3A_397 step %scan3A_398 iter_args(%scan3A_566 = %scan3A_394) -> (i32)  : i32 {
          %mul3A_567 = arith.constant 4 : i32
          %mul3A_568 = arith.muli %scan3A_565, %mul3A_567 : i32
          %add3A_569 = arith.constant 0 : i32
          %add3A_570 = arith.addi %mul3A_568, %add3A_569 : i32
          %get3A_571 = arith.index_cast %add3A_570 : i32 to index
          %get3A_572 = arith.constant 0 : index
          %get3A_573 = tpu.vector_load %arg7[%get3A_571, %get3A_572] {strides = array<i32>} : memref<128x64xf32, #tpu.memory_space<vmem>>, vector<16xf32>,
          %add3A_574 = arith.constant 0 : i32
          %add3A_575 = arith.addi %mul3A_568, %add3A_574 : i32
          %get3A_576 = arith.index_cast %add3A_575 : i32 to index
          %get3A_577 = arith.constant 16 : index
          %get3A_578 = tpu.vector_load %arg7[%get3A_576, %get3A_577] {strides = array<i32>} : memref<128x64xf32, #tpu.memory_space<vmem>>, vector<16xf32>,
          %add3A_579 = arith.constant 0 : i32
          %add3A_580 = arith.addi %mul3A_568, %add3A_579 : i32
          %get3A_581 = arith.index_cast %add3A_580 : i32 to index
          %get3A_582 = arith.constant 32 : index
          %get3A_583 = tpu.vector_load %arg7[%get3A_581, %get3A_582] {strides = array<i32>} : memref<128x64xf32, #tpu.memory_space<vmem>>, vector<16xf32>,
          %add3A_584 = arith.constant 0 : i32
          %add3A_585 = arith.addi %mul3A_568, %add3A_584 : i32
          %get3A_586 = arith.index_cast %add3A_585 : i32 to index
          %get3A_587 = arith.constant 48 : index
          %get3A_588 = tpu.vector_load %arg7[%get3A_586, %get3A_587] {strides = array<i32>} : memref<128x64xf32, #tpu.memory_space<vmem>>, vector<16xf32>,
          %add3A_589 = arith.constant 1 : i32
          %add3A_590 = arith.addi %mul3A_568, %add3A_589 : i32
          %get3A_591 = arith.index_cast %add3A_590 : i32 to index
          %get3A_592 = arith.constant 0 : index
          %get3A_593 = tpu.vector_load %arg7[%get3A_591, %get3A_592] {strides = array<i32>} : memref<128x64xf32, #tpu.memory_space<vmem>>, vector<16xf32>,
          %add3A_594 = arith.constant 1 : i32
          %add3A_595 = arith.addi %mul3A_568, %add3A_594 : i32
          %get3A_596 = arith.index_cast %add3A_595 : i32 to index
          %get3A_597 = arith.constant 16 : index
          %get3A_598 = tpu.vector_load %arg7[%get3A_596, %get3A_597] {strides = array<i32>} : memref<128x64xf32, #tpu.memory_space<vmem>>, vector<16xf32>,
          %add3A_599 = arith.constant 1 : i32
          %add3A_600 = arith.addi %mul3A_568, %add3A_599 : i32
          %get3A_601 = arith.index_cast %add3A_600 : i32 to index
          %get3A_602 = arith.constant 32 : index
          %get3A_603 = tpu.vector_load %arg7[%get3A_601, %get3A_602] {strides = array<i32>} : memref<128x64xf32, #tpu.memory_space<vmem>>, vector<16xf32>,
          %add3A_604 = arith.constant 1 : i32
          %add3A_605 = arith.addi %mul3A_568, %add3A_604 : i32
          %get3A_606 = arith.index_cast %add3A_605 : i32 to index
          %get3A_607 = arith.constant 48 : index
          %get3A_608 = tpu.vector_load %arg7[%get3A_606, %get3A_607] {strides = array<i32>} : memref<128x64xf32, #tpu.memory_space<vmem>>, vector<16xf32>,
          %add3A_609 = arith.constant 2 : i32
          %add3A_610 = arith.addi %mul3A_568, %add3A_609 : i32
          %get3A_611 = arith.index_cast %add3A_610 : i32 to index
          %get3A_612 = arith.constant 0 : index
          %get3A_613 = tpu.vector_load %arg7[%get3A_611, %get3A_612] {strides = array<i32>} : memref<128x64xf32, #tpu.memory_space<vmem>>, vector<16xf32>,
          %add3A_614 = arith.constant 2 : i32
          %add3A_615 = arith.addi %mul3A_568, %add3A_614 : i32
          %get3A_616 = arith.index_cast %add3A_615 : i32 to index
          %get3A_617 = arith.constant 16 : index
          %get3A_618 = tpu.vector_load %arg7[%get3A_616, %get3A_617] {strides = array<i32>} : memref<128x64xf32, #tpu.memory_space<vmem>>, vector<16xf32>,
          %add3A_619 = arith.constant 2 : i32
          %add3A_620 = arith.addi %mul3A_568, %add3A_619 : i32
          %get3A_621 = arith.index_cast %add3A_620 : i32 to index
          %get3A_622 = arith.constant 32 : index
          %get3A_623 = tpu.vector_load %arg7[%get3A_621, %get3A_622] {strides = array<i32>} : memref<128x64xf32, #tpu.memory_space<vmem>>, vector<16xf32>,
          %add3A_624 = arith.constant 2 : i32
          %add3A_625 = arith.addi %mul3A_568, %add3A_624 : i32
          %get3A_626 = arith.index_cast %add3A_625 : i32 to index
          %get3A_627 = arith.constant 48 : index
          %get3A_628 = tpu.vector_load %arg7[%get3A_626, %get3A_627] {strides = array<i32>} : memref<128x64xf32, #tpu.memory_space<vmem>>, vector<16xf32>,
          %add3A_629 = arith.constant 3 : i32
          %add3A_630 = arith.addi %mul3A_568, %add3A_629 : i32
          %get3A_631 = arith.index_cast %add3A_630 : i32 to index
          %get3A_632 = arith.constant 0 : index
          %get3A_633 = tpu.vector_load %arg7[%get3A_631, %get3A_632] {strides = array<i32>} : memref<128x64xf32, #tpu.memory_space<vmem>>, vector<16xf32>,
          %add3A_634 = arith.constant 3 : i32
          %add3A_635 = arith.addi %mul3A_568, %add3A_634 : i32
          %get3A_636 = arith.index_cast %add3A_635 : i32 to index
          %get3A_637 = arith.constant 16 : index
          %get3A_638 = tpu.vector_load %arg7[%get3A_636, %get3A_637] {strides = array<i32>} : memref<128x64xf32, #tpu.memory_space<vmem>>, vector<16xf32>,
          %add3A_639 = arith.constant 3 : i32
          %add3A_640 = arith.addi %mul3A_568, %add3A_639 : i32
          %get3A_641 = arith.index_cast %add3A_640 : i32 to index
          %get3A_642 = arith.constant 32 : index
          %get3A_643 = tpu.vector_load %arg7[%get3A_641, %get3A_642] {strides = array<i32>} : memref<128x64xf32, #tpu.memory_space<vmem>>, vector<16xf32>,
          %add3A_644 = arith.constant 3 : i32
          %add3A_645 = arith.addi %mul3A_568, %add3A_644 : i32
          %get3A_646 = arith.index_cast %add3A_645 : i32 to index
          %get3A_647 = arith.constant 48 : index
          %get3A_648 = tpu.vector_load %arg7[%get3A_646, %get3A_647] {strides = array<i32>} : memref<128x64xf32, #tpu.memory_space<vmem>>, vector<16xf32>,
          %add3A_649 = arith.constant 0 : i32
          %add3A_650 = arith.addi %mul3A_568, %add3A_649 : i32
          %get3A_651 = arith.constant 0 : i32
          %get3A_652 = arith.index_cast %get3A_651 : i32 to index
          %get3A_653 = arith.index_cast %add3A_650 : i32 to index
          %get3A_654 = arith.constant 0 : index
          %get3A_655 = tpu.vector_load %arg6[%get3A_652, %get3A_653, %get3A_654] {strides = array<i32>} : memref<10x128x64xf32, #tpu.memory_space<vmem>>, vector<16xf32>,
          %add3A_656 = arith.addf %get3A_573, %get3A_655 : vector<16xf32>
          %add3A_657 = arith.constant 0 : i32
          %add3A_658 = arith.addi %mul3A_568, %add3A_657 : i32
          %get3A_659 = arith.constant 0 : i32
          %get3A_660 = arith.index_cast %get3A_659 : i32 to index
          %get3A_661 = arith.index_cast %add3A_658 : i32 to index
          %get3A_662 = arith.constant 16 : index
          %get3A_663 = tpu.vector_load %arg6[%get3A_660, %get3A_661, %get3A_662] {strides = array<i32>} : memref<10x128x64xf32, #tpu.memory_space<vmem>>, vector<16xf32>,
          %add3A_664 = arith.addf %get3A_578, %get3A_663 : vector<16xf32>
          %add3A_665 = arith.constant 0 : i32
          %add3A_666 = arith.addi %mul3A_568, %add3A_665 : i32
          %get3A_667 = arith.constant 0 : i32
          %get3A_668 = arith.index_cast %get3A_667 : i32 to index
          %get3A_669 = arith.index_cast %add3A_666 : i32 to index
          %get3A_670 = arith.constant 32 : index
          %get3A_671 = tpu.vector_load %arg6[%get3A_668, %get3A_669, %get3A_670] {strides = array<i32>} : memref<10x128x64xf32, #tpu.memory_space<vmem>>, vector<16xf32>,
          %add3A_672 = arith.addf %get3A_583, %get3A_671 : vector<16xf32>
          %add3A_673 = arith.constant 0 : i32
          %add3A_674 = arith.addi %mul3A_568, %add3A_673 : i32
          %get3A_675 = arith.constant 0 : i32
          %get3A_676 = arith.index_cast %get3A_675 : i32 to index
          %get3A_677 = arith.index_cast %add3A_674 : i32 to index
          %get3A_678 = arith.constant 48 : index
          %get3A_679 = tpu.vector_load %arg6[%get3A_676, %get3A_677, %get3A_678] {strides = array<i32>} : memref<10x128x64xf32, #tpu.memory_space<vmem>>, vector<16xf32>,
          %add3A_680 = arith.addf %get3A_588, %get3A_679 : vector<16xf32>
          %add3A_681 = arith.constant 1 : i32
          %add3A_682 = arith.addi %mul3A_568, %add3A_681 : i32
          %get3A_683 = arith.constant 0 : i32
          %get3A_684 = arith.index_cast %get3A_683 : i32 to index
          %get3A_685 = arith.index_cast %add3A_682 : i32 to index
          %get3A_686 = arith.constant 0 : index
          %get3A_687 = tpu.vector_load %arg6[%get3A_684, %get3A_685, %get3A_686] {strides = array<i32>} : memref<10x128x64xf32, #tpu.memory_space<vmem>>, vector<16xf32>,
          %add3A_688 = arith.addf %get3A_593, %get3A_687 : vector<16xf32>
          %add3A_689 = arith.constant 1 : i32
          %add3A_690 = arith.addi %mul3A_568, %add3A_689 : i32
          %get3A_691 = arith.constant 0 : i32
          %get3A_692 = arith.index_cast %get3A_691 : i32 to index
          %get3A_693 = arith.index_cast %add3A_690 : i32 to index
          %get3A_694 = arith.constant 16 : index
          %get3A_695 = tpu.vector_load %arg6[%get3A_692, %get3A_693, %get3A_694] {strides = array<i32>} : memref<10x128x64xf32, #tpu.memory_space<vmem>>, vector<16xf32>,
          %add3A_696 = arith.addf %get3A_598, %get3A_695 : vector<16xf32>
          %add3A_697 = arith.constant 1 : i32
          %add3A_698 = arith.addi %mul3A_568, %add3A_697 : i32
          %get3A_699 = arith.constant 0 : i32
          %get3A_700 = arith.index_cast %get3A_699 : i32 to index
          %get3A_701 = arith.index_cast %add3A_698 : i32 to index
          %get3A_702 = arith.constant 32 : index
          %get3A_703 = tpu.vector_load %arg6[%get3A_700, %get3A_701, %get3A_702] {strides = array<i32>} : memref<10x128x64xf32, #tpu.memory_space<vmem>>, vector<16xf32>,
          %add3A_704 = arith.addf %get3A_603, %get3A_703 : vector<16xf32>
          %add3A_705 = arith.constant 1 : i32
          %add3A_706 = arith.addi %mul3A_568, %add3A_705 : i32
          %get3A_707 = arith.constant 0 : i32
          %get3A_708 = arith.index_cast %get3A_707 : i32 to index
          %get3A_709 = arith.index_cast %add3A_706 : i32 to index
          %get3A_710 = arith.constant 48 : index
          %get3A_711 = tpu.vector_load %arg6[%get3A_708, %get3A_709, %get3A_710] {strides = array<i32>} : memref<10x128x64xf32, #tpu.memory_space<vmem>>, vector<16xf32>,
          %add3A_712 = arith.addf %get3A_608, %get3A_711 : vector<16xf32>
          %add3A_713 = arith.constant 2 : i32
          %add3A_714 = arith.addi %mul3A_568, %add3A_713 : i32
          %get3A_715 = arith.constant 0 : i32
          %get3A_716 = arith.index_cast %get3A_715 : i32 to index
          %get3A_717 = arith.index_cast %add3A_714 : i32 to index
          %get3A_718 = arith.constant 0 : index
          %get3A_719 = tpu.vector_load %arg6[%get3A_716, %get3A_717, %get3A_718] {strides = array<i32>} : memref<10x128x64xf32, #tpu.memory_space<vmem>>, vector<16xf32>,
          %add3A_720 = arith.addf %get3A_613, %get3A_719 : vector<16xf32>
          %add3A_721 = arith.constant 2 : i32
          %add3A_722 = arith.addi %mul3A_568, %add3A_721 : i32
          %get3A_723 = arith.constant 0 : i32
          %get3A_724 = arith.index_cast %get3A_723 : i32 to index
          %get3A_725 = arith.index_cast %add3A_722 : i32 to index
          %get3A_726 = arith.constant 16 : index
          %get3A_727 = tpu.vector_load %arg6[%get3A_724, %get3A_725, %get3A_726] {strides = array<i32>} : memref<10x128x64xf32, #tpu.memory_space<vmem>>, vector<16xf32>,
          %add3A_728 = arith.addf %get3A_618, %get3A_727 : vector<16xf32>
          %add3A_729 = arith.constant 2 : i32
          %add3A_730 = arith.addi %mul3A_568, %add3A_729 : i32
          %get3A_731 = arith.constant 0 : i32
          %get3A_732 = arith.index_cast %get3A_731 : i32 to index
          %get3A_733 = arith.index_cast %add3A_730 : i32 to index
          %get3A_734 = arith.constant 32 : index
          %get3A_735 = tpu.vector_load %arg6[%get3A_732, %get3A_733, %get3A_734] {strides = array<i32>} : memref<10x128x64xf32, #tpu.memory_space<vmem>>, vector<16xf32>,
          %add3A_736 = arith.addf %get3A_623, %get3A_735 : vector<16xf32>
          %add3A_737 = arith.constant 2 : i32
          %add3A_738 = arith.addi %mul3A_568, %add3A_737 : i32
          %get3A_739 = arith.constant 0 : i32
          %get3A_740 = arith.index_cast %get3A_739 : i32 to index
          %get3A_741 = arith.index_cast %add3A_738 : i32 to index
          %get3A_742 = arith.constant 48 : index
          %get3A_743 = tpu.vector_load %arg6[%get3A_740, %get3A_741, %get3A_742] {strides = array<i32>} : memref<10x128x64xf32, #tpu.memory_space<vmem>>, vector<16xf32>,
          %add3A_744 = arith.addf %get3A_628, %get3A_743 : vector<16xf32>
          %add3A_745 = arith.constant 3 : i32
          %add3A_746 = arith.addi %mul3A_568, %add3A_745 : i32
          %get3A_747 = arith.constant 0 : i32
          %get3A_748 = arith.index_cast %get3A_747 : i32 to index
          %get3A_749 = arith.index_cast %add3A_746 : i32 to index
          %get3A_750 = arith.constant 0 : index
          %get3A_751 = tpu.vector_load %arg6[%get3A_748, %get3A_749, %get3A_750] {strides = array<i32>} : memref<10x128x64xf32, #tpu.memory_space<vmem>>, vector<16xf32>,
          %add3A_752 = arith.addf %get3A_633, %get3A_751 : vector<16xf32>
          %add3A_753 = arith.constant 3 : i32
          %add3A_754 = arith.addi %mul3A_568, %add3A_753 : i32
          %get3A_755 = arith.constant 0 : i32
          %get3A_756 = arith.index_cast %get3A_755 : i32 to index
          %get3A_757 = arith.index_cast %add3A_754 : i32 to index
          %get3A_758 = arith.constant 16 : index
          %get3A_759 = tpu.vector_load %arg6[%get3A_756, %get3A_757, %get3A_758] {strides = array<i32>} : memref<10x128x64xf32, #tpu.memory_space<vmem>>, vector<16xf32>,
          %add3A_760 = arith.addf %get3A_638, %get3A_759 : vector<16xf32>
          %add3A_761 = arith.constant 3 : i32
          %add3A_762 = arith.addi %mul3A_568, %add3A_761 : i32
          %get3A_763 = arith.constant 0 : i32
          %get3A_764 = arith.index_cast %get3A_763 : i32 to index
          %get3A_765 = arith.index_cast %add3A_762 : i32 to index
          %get3A_766 = arith.constant 32 : index
          %get3A_767 = tpu.vector_load %arg6[%get3A_764, %get3A_765, %get3A_766] {strides = array<i32>} : memref<10x128x64xf32, #tpu.memory_space<vmem>>, vector<16xf32>,
          %add3A_768 = arith.addf %get3A_643, %get3A_767 : vector<16xf32>
          %add3A_769 = arith.constant 3 : i32
          %add3A_770 = arith.addi %mul3A_568, %add3A_769 : i32
          %get3A_771 = arith.constant 0 : i32
          %get3A_772 = arith.index_cast %get3A_771 : i32 to index
          %get3A_773 = arith.index_cast %add3A_770 : i32 to index
          %get3A_774 = arith.constant 48 : index
          %get3A_775 = tpu.vector_load %arg6[%get3A_772, %get3A_773, %get3A_774] {strides = array<i32>} : memref<10x128x64xf32, #tpu.memory_space<vmem>>, vector<16xf32>,
          %add3A_776 = arith.addf %get3A_648, %get3A_775 : vector<16xf32>
          %add3A_777 = arith.constant 0 : i32
          %add3A_778 = arith.addi %mul3A_568, %add3A_777 : i32
          %get3A_779 = arith.constant 1 : i32
          %get3A_780 = arith.index_cast %get3A_779 : i32 to index
          %get3A_781 = arith.index_cast %add3A_778 : i32 to index
          %get3A_782 = arith.constant 0 : index
          %get3A_783 = tpu.vector_load %arg6[%get3A_780, %get3A_781, %get3A_782] {strides = array<i32>} : memref<10x128x64xf32, #tpu.memory_space<vmem>>, vector<16xf32>,
          %add3A_784 = arith.addf %add3A_656, %get3A_783 : vector<16xf32>
          %add3A_785 = arith.constant 0 : i32
          %add3A_786 = arith.addi %mul3A_568, %add3A_785 : i32
          %get3A_787 = arith.constant 1 : i32
          %get3A_788 = arith.index_cast %get3A_787 : i32 to index
          %get3A_789 = arith.index_cast %add3A_786 : i32 to index
          %get3A_790 = arith.constant 16 : index
          %get3A_791 = tpu.vector_load %arg6[%get3A_788, %get3A_789, %get3A_790] {strides = array<i32>} : memref<10x128x64xf32, #tpu.memory_space<vmem>>, vector<16xf32>,
          %add3A_792 = arith.addf %add3A_664, %get3A_791 : vector<16xf32>
          %add3A_793 = arith.constant 0 : i32
          %add3A_794 = arith.addi %mul3A_568, %add3A_793 : i32
          %get3A_795 = arith.constant 1 : i32
          %get3A_796 = arith.index_cast %get3A_795 : i32 to index
          %get3A_797 = arith.index_cast %add3A_794 : i32 to index
          %get3A_798 = arith.constant 32 : index
          %get3A_799 = tpu.vector_load %arg6[%get3A_796, %get3A_797, %get3A_798] {strides = array<i32>} : memref<10x128x64xf32, #tpu.memory_space<vmem>>, vector<16xf32>,
          %add3A_800 = arith.addf %add3A_672, %get3A_799 : vector<16xf32>
          %add3A_801 = arith.constant 0 : i32
          %add3A_802 = arith.addi %mul3A_568, %add3A_801 : i32
          %get3A_803 = arith.constant 1 : i32
          %get3A_804 = arith.index_cast %get3A_803 : i32 to index
          %get3A_805 = arith.index_cast %add3A_802 : i32 to index
          %get3A_806 = arith.constant 48 : index
          %get3A_807 = tpu.vector_load %arg6[%get3A_804, %get3A_805, %get3A_806] {strides = array<i32>} : memref<10x128x64xf32, #tpu.memory_space<vmem>>, vector<16xf32>,
          %add3A_808 = arith.addf %add3A_680, %get3A_807 : vector<16xf32>
          %add3A_809 = arith.constant 1 : i32
          %add3A_810 = arith.addi %mul3A_568, %add3A_809 : i32
          %get3A_811 = arith.constant 1 : i32
          %get3A_812 = arith.index_cast %get3A_811 : i32 to index
          %get3A_813 = arith.index_cast %add3A_810 : i32 to index
          %get3A_814 = arith.constant 0 : index
          %get3A_815 = tpu.vector_load %arg6[%get3A_812, %get3A_813, %get3A_814] {strides = array<i32>} : memref<10x128x64xf32, #tpu.memory_space<vmem>>, vector<16xf32>,
          %add3A_816 = arith.addf %add3A_688, %get3A_815 : vector<16xf32>
          %add3A_817 = arith.constant 1 : i32
          %add3A_818 = arith.addi %mul3A_568, %add3A_817 : i32
          %get3A_819 = arith.constant 1 : i32
          %get3A_820 = arith.index_cast %get3A_819 : i32 to index
          %get3A_821 = arith.index_cast %add3A_818 : i32 to index
          %get3A_822 = arith.constant 16 : index
          %get3A_823 = tpu.vector_load %arg6[%get3A_820, %get3A_821, %get3A_822] {strides = array<i32>} : memref<10x128x64xf32, #tpu.memory_space<vmem>>, vector<16xf32>,
          %add3A_824 = arith.addf %add3A_696, %get3A_823 : vector<16xf32>
          %add3A_825 = arith.constant 1 : i32
          %add3A_826 = arith.addi %mul3A_568, %add3A_825 : i32
          %get3A_827 = arith.constant 1 : i32
          %get3A_828 = arith.index_cast %get3A_827 : i32 to index
          %get3A_829 = arith.index_cast %add3A_826 : i32 to index
          %get3A_830 = arith.constant 32 : index
          %get3A_831 = tpu.vector_load %arg6[%get3A_828, %get3A_829, %get3A_830] {strides = array<i32>} : memref<10x128x64xf32, #tpu.memory_space<vmem>>, vector<16xf32>,
          %add3A_832 = arith.addf %add3A_704, %get3A_831 : vector<16xf32>
          %add3A_833 = arith.constant 1 : i32
          %add3A_834 = arith.addi %mul3A_568, %add3A_833 : i32
          %get3A_835 = arith.constant 1 : i32
          %get3A_836 = arith.index_cast %get3A_835 : i32 to index
          %get3A_837 = arith.index_cast %add3A_834 : i32 to index
          %get3A_838 = arith.constant 48 : index
          %get3A_839 = tpu.vector_load %arg6[%get3A_836, %get3A_837, %get3A_838] {strides = array<i32>} : memref<10x128x64xf32, #tpu.memory_space<vmem>>, vector<16xf32>,
          %add3A_840 = arith.addf %add3A_712, %get3A_839 : vector<16xf32>
          %add3A_841 = arith.constant 2 : i32
          %add3A_842 = arith.addi %mul3A_568, %add3A_841 : i32
          %get3A_843 = arith.constant 1 : i32
          %get3A_844 = arith.index_cast %get3A_843 : i32 to index
          %get3A_845 = arith.index_cast %add3A_842 : i32 to index
          %get3A_846 = arith.constant 0 : index
          %get3A_847 = tpu.vector_load %arg6[%get3A_844, %get3A_845, %get3A_846] {strides = array<i32>} : memref<10x128x64xf32, #tpu.memory_space<vmem>>, vector<16xf32>,
          %add3A_848 = arith.addf %add3A_720, %get3A_847 : vector<16xf32>
          %add3A_849 = arith.constant 2 : i32
          %add3A_850 = arith.addi %mul3A_568, %add3A_849 : i32
          %get3A_851 = arith.constant 1 : i32
          %get3A_852 = arith.index_cast %get3A_851 : i32 to index
          %get3A_853 = arith.index_cast %add3A_850 : i32 to index
          %get3A_854 = arith.constant 16 : index
          %get3A_855 = tpu.vector_load %arg6[%get3A_852, %get3A_853, %get3A_854] {strides = array<i32>} : memref<10x128x64xf32, #tpu.memory_space<vmem>>, vector<16xf32>,
          %add3A_856 = arith.addf %add3A_728, %get3A_855 : vector<16xf32>
          %add3A_857 = arith.constant 2 : i32
          %add3A_858 = arith.addi %mul3A_568, %add3A_857 : i32
          %get3A_859 = arith.constant 1 : i32
          %get3A_860 = arith.index_cast %get3A_859 : i32 to index
          %get3A_861 = arith.index_cast %add3A_858 : i32 to index
          %get3A_862 = arith.constant 32 : index
          %get3A_863 = tpu.vector_load %arg6[%get3A_860, %get3A_861, %get3A_862] {strides = array<i32>} : memref<10x128x64xf32, #tpu.memory_space<vmem>>, vector<16xf32>,
          %add3A_864 = arith.addf %add3A_736, %get3A_863 : vector<16xf32>
          %add3A_865 = arith.constant 2 : i32
          %add3A_866 = arith.addi %mul3A_568, %add3A_865 : i32
          %get3A_867 = arith.constant 1 : i32
          %get3A_868 = arith.index_cast %get3A_867 : i32 to index
          %get3A_869 = arith.index_cast %add3A_866 : i32 to index
          %get3A_870 = arith.constant 48 : index
          %get3A_871 = tpu.vector_load %arg6[%get3A_868, %get3A_869, %get3A_870] {strides = array<i32>} : memref<10x128x64xf32, #tpu.memory_space<vmem>>, vector<16xf32>,
          %add3A_872 = arith.addf %add3A_744, %get3A_871 : vector<16xf32>
          %add3A_873 = arith.constant 3 : i32
          %add3A_874 = arith.addi %mul3A_568, %add3A_873 : i32
          %get3A_875 = arith.constant 1 : i32
          %get3A_876 = arith.index_cast %get3A_875 : i32 to index
          %get3A_877 = arith.index_cast %add3A_874 : i32 to index
          %get3A_878 = arith.constant 0 : index
          %get3A_879 = tpu.vector_load %arg6[%get3A_876, %get3A_877, %get3A_878] {strides = array<i32>} : memref<10x128x64xf32, #tpu.memory_space<vmem>>, vector<16xf32>,
          %add3A_880 = arith.addf %add3A_752, %get3A_879 : vector<16xf32>
          %add3A_881 = arith.constant 3 : i32
          %add3A_882 = arith.addi %mul3A_568, %add3A_881 : i32
          %get3A_883 = arith.constant 1 : i32
          %get3A_884 = arith.index_cast %get3A_883 : i32 to index
          %get3A_885 = arith.index_cast %add3A_882 : i32 to index
          %get3A_886 = arith.constant 16 : index
          %get3A_887 = tpu.vector_load %arg6[%get3A_884, %get3A_885, %get3A_886] {strides = array<i32>} : memref<10x128x64xf32, #tpu.memory_space<vmem>>, vector<16xf32>,
          %add3A_888 = arith.addf %add3A_760, %get3A_887 : vector<16xf32>
          %add3A_889 = arith.constant 3 : i32
          %add3A_890 = arith.addi %mul3A_568, %add3A_889 : i32
          %get3A_891 = arith.constant 1 : i32
          %get3A_892 = arith.index_cast %get3A_891 : i32 to index
          %get3A_893 = arith.index_cast %add3A_890 : i32 to index
          %get3A_894 = arith.constant 32 : index
          %get3A_895 = tpu.vector_load %arg6[%get3A_892, %get3A_893, %get3A_894] {strides = array<i32>} : memref<10x128x64xf32, #tpu.memory_space<vmem>>, vector<16xf32>,
          %add3A_896 = arith.addf %add3A_768, %get3A_895 : vector<16xf32>
          %add3A_897 = arith.constant 3 : i32
          %add3A_898 = arith.addi %mul3A_568, %add3A_897 : i32
          %get3A_899 = arith.constant 1 : i32
          %get3A_900 = arith.index_cast %get3A_899 : i32 to index
          %get3A_901 = arith.index_cast %add3A_898 : i32 to index
          %get3A_902 = arith.constant 48 : index
          %get3A_903 = tpu.vector_load %arg6[%get3A_900, %get3A_901, %get3A_902] {strides = array<i32>} : memref<10x128x64xf32, #tpu.memory_space<vmem>>, vector<16xf32>,
          %add3A_904 = arith.addf %add3A_776, %get3A_903 : vector<16xf32>
          %add3A_905 = arith.constant 0 : i32
          %add3A_906 = arith.addi %mul3A_568, %add3A_905 : i32
          %get3A_907 = arith.constant 2 : i32
          %get3A_908 = arith.index_cast %get3A_907 : i32 to index
          %get3A_909 = arith.index_cast %add3A_906 : i32 to index
          %get3A_910 = arith.constant 0 : index
          %get3A_911 = tpu.vector_load %arg6[%get3A_908, %get3A_909, %get3A_910] {strides = array<i32>} : memref<10x128x64xf32, #tpu.memory_space<vmem>>, vector<16xf32>,
          %add3A_912 = arith.addf %add3A_784, %get3A_911 : vector<16xf32>
          %add3A_913 = arith.constant 0 : i32
          %add3A_914 = arith.addi %mul3A_568, %add3A_913 : i32
          %get3A_915 = arith.constant 2 : i32
          %get3A_916 = arith.index_cast %get3A_915 : i32 to index
          %get3A_917 = arith.index_cast %add3A_914 : i32 to index
          %get3A_918 = arith.constant 16 : index
          %get3A_919 = tpu.vector_load %arg6[%get3A_916, %get3A_917, %get3A_918] {strides = array<i32>} : memref<10x128x64xf32, #tpu.memory_space<vmem>>, vector<16xf32>,
          %add3A_920 = arith.addf %add3A_792, %get3A_919 : vector<16xf32>
          %add3A_921 = arith.constant 0 : i32
          %add3A_922 = arith.addi %mul3A_568, %add3A_921 : i32
          %get3A_923 = arith.constant 2 : i32
          %get3A_924 = arith.index_cast %get3A_923 : i32 to index
          %get3A_925 = arith.index_cast %add3A_922 : i32 to index
          %get3A_926 = arith.constant 32 : index
          %get3A_927 = tpu.vector_load %arg6[%get3A_924, %get3A_925, %get3A_926] {strides = array<i32>} : memref<10x128x64xf32, #tpu.memory_space<vmem>>, vector<16xf32>,
          %add3A_928 = arith.addf %add3A_800, %get3A_927 : vector<16xf32>
          %add3A_929 = arith.constant 0 : i32
          %add3A_930 = arith.addi %mul3A_568, %add3A_929 : i32
          %get3A_931 = arith.constant 2 : i32
          %get3A_932 = arith.index_cast %get3A_931 : i32 to index
          %get3A_933 = arith.index_cast %add3A_930 : i32 to index
          %get3A_934 = arith.constant 48 : index
          %get3A_935 = tpu.vector_load %arg6[%get3A_932, %get3A_933, %get3A_934] {strides = array<i32>} : memref<10x128x64xf32, #tpu.memory_space<vmem>>, vector<16xf32>,
          %add3A_936 = arith.addf %add3A_808, %get3A_935 : vector<16xf32>
          %add3A_937 = arith.constant 1 : i32
          %add3A_938 = arith.addi %mul3A_568, %add3A_937 : i32
          %get3A_939 = arith.constant 2 : i32
          %get3A_940 = arith.index_cast %get3A_939 : i32 to index
          %get3A_941 = arith.index_cast %add3A_938 : i32 to index
          %get3A_942 = arith.constant 0 : index
          %get3A_943 = tpu.vector_load %arg6[%get3A_940, %get3A_941, %get3A_942] {strides = array<i32>} : memref<10x128x64xf32, #tpu.memory_space<vmem>>, vector<16xf32>,
          %add3A_944 = arith.addf %add3A_816, %get3A_943 : vector<16xf32>
          %add3A_945 = arith.constant 1 : i32
          %add3A_946 = arith.addi %mul3A_568, %add3A_945 : i32
          %get3A_947 = arith.constant 2 : i32
          %get3A_948 = arith.index_cast %get3A_947 : i32 to index
          %get3A_949 = arith.index_cast %add3A_946 : i32 to index
          %get3A_950 = arith.constant 16 : index
          %get3A_951 = tpu.vector_load %arg6[%get3A_948, %get3A_949, %get3A_950] {strides = array<i32>} : memref<10x128x64xf32, #tpu.memory_space<vmem>>, vector<16xf32>,
          %add3A_952 = arith.addf %add3A_824, %get3A_951 : vector<16xf32>
          %add3A_953 = arith.constant 1 : i32
          %add3A_954 = arith.addi %mul3A_568, %add3A_953 : i32
          %get3A_955 = arith.constant 2 : i32
          %get3A_956 = arith.index_cast %get3A_955 : i32 to index
          %get3A_957 = arith.index_cast %add3A_954 : i32 to index
          %get3A_958 = arith.constant 32 : index
          %get3A_959 = tpu.vector_load %arg6[%get3A_956, %get3A_957, %get3A_958] {strides = array<i32>} : memref<10x128x64xf32, #tpu.memory_space<vmem>>, vector<16xf32>,
          %add3A_960 = arith.addf %add3A_832, %get3A_959 : vector<16xf32>
          %add3A_961 = arith.constant 1 : i32
          %add3A_962 = arith.addi %mul3A_568, %add3A_961 : i32
          %get3A_963 = arith.constant 2 : i32
          %get3A_964 = arith.index_cast %get3A_963 : i32 to index
          %get3A_965 = arith.index_cast %add3A_962 : i32 to index
          %get3A_966 = arith.constant 48 : index
          %get3A_967 = tpu.vector_load %arg6[%get3A_964, %get3A_965, %get3A_966] {strides = array<i32>} : memref<10x128x64xf32, #tpu.memory_space<vmem>>, vector<16xf32>,
          %add3A_968 = arith.addf %add3A_840, %get3A_967 : vector<16xf32>
          %add3A_969 = arith.constant 2 : i32
          %add3A_970 = arith.addi %mul3A_568, %add3A_969 : i32
          %get3A_971 = arith.constant 2 : i32
          %get3A_972 = arith.index_cast %get3A_971 : i32 to index
          %get3A_973 = arith.index_cast %add3A_970 : i32 to index
          %get3A_974 = arith.constant 0 : index
          %get3A_975 = tpu.vector_load %arg6[%get3A_972, %get3A_973, %get3A_974] {strides = array<i32>} : memref<10x128x64xf32, #tpu.memory_space<vmem>>, vector<16xf32>,
          %add3A_976 = arith.addf %add3A_848, %get3A_975 : vector<16xf32>
          %add3A_977 = arith.constant 2 : i32
          %add3A_978 = arith.addi %mul3A_568, %add3A_977 : i32
          %get3A_979 = arith.constant 2 : i32
          %get3A_980 = arith.index_cast %get3A_979 : i32 to index
          %get3A_981 = arith.index_cast %add3A_978 : i32 to index
          %get3A_982 = arith.constant 16 : index
          %get3A_983 = tpu.vector_load %arg6[%get3A_980, %get3A_981, %get3A_982] {strides = array<i32>} : memref<10x128x64xf32, #tpu.memory_space<vmem>>, vector<16xf32>,
          %add3A_984 = arith.addf %add3A_856, %get3A_983 : vector<16xf32>
          %add3A_985 = arith.constant 2 : i32
          %add3A_986 = arith.addi %mul3A_568, %add3A_985 : i32
          %get3A_987 = arith.constant 2 : i32
          %get3A_988 = arith.index_cast %get3A_987 : i32 to index
          %get3A_989 = arith.index_cast %add3A_986 : i32 to index
          %get3A_990 = arith.constant 32 : index
          %get3A_991 = tpu.vector_load %arg6[%get3A_988, %get3A_989, %get3A_990] {strides = array<i32>} : memref<10x128x64xf32, #tpu.memory_space<vmem>>, vector<16xf32>,
          %add3A_992 = arith.addf %add3A_864, %get3A_991 : vector<16xf32>
          %add3A_993 = arith.constant 2 : i32
          %add3A_994 = arith.addi %mul3A_568, %add3A_993 : i32
          %get3A_995 = arith.constant 2 : i32
          %get3A_996 = arith.index_cast %get3A_995 : i32 to index
          %get3A_997 = arith.index_cast %add3A_994 : i32 to index
          %get3A_998 = arith.constant 48 : index
          %get3A_999 = tpu.vector_load %arg6[%get3A_996, %get3A_997, %get3A_998] {strides = array<i32>} : memref<10x128x64xf32, #tpu.memory_space<vmem>>, vector<16xf32>,
          %add3A_1000 = arith.addf %add3A_872, %get3A_999 : vector<16xf32>
          %add3A_1001 = arith.constant 3 : i32
          %add3A_1002 = arith.addi %mul3A_568, %add3A_1001 : i32
          %get3A_1003 = arith.constant 2 : i32
          %get3A_1004 = arith.index_cast %get3A_1003 : i32 to index
          %get3A_1005 = arith.index_cast %add3A_1002 : i32 to index
          %get3A_1006 = arith.constant 0 : index
          %get3A_1007 = tpu.vector_load %arg6[%get3A_1004, %get3A_1005, %get3A_1006] {strides = array<i32>} : memref<10x128x64xf32, #tpu.memory_space<vmem>>, vector<16xf32>,
          %add3A_1008 = arith.addf %add3A_880, %get3A_1007 : vector<16xf32>
          %add3A_1009 = arith.constant 3 : i32
          %add3A_1010 = arith.addi %mul3A_568, %add3A_1009 : i32
          %get3A_1011 = arith.constant 2 : i32
          %get3A_1012 = arith.index_cast %get3A_1011 : i32 to index
          %get3A_1013 = arith.index_cast %add3A_1010 : i32 to index
          %get3A_1014 = arith.constant 16 : index
          %get3A_1015 = tpu.vector_load %arg6[%get3A_1012, %get3A_1013, %get3A_1014] {strides = array<i32>} : memref<10x128x64xf32, #tpu.memory_space<vmem>>, vector<16xf32>,
          %add3A_1016 = arith.addf %add3A_888, %get3A_1015 : vector<16xf32>
          %add3A_1017 = arith.constant 3 : i32
          %add3A_1018 = arith.addi %mul3A_568, %add3A_1017 : i32
          %get3A_1019 = arith.constant 2 : i32
          %get3A_1020 = arith.index_cast %get3A_1019 : i32 to index
          %get3A_1021 = arith.index_cast %add3A_1018 : i32 to index
          %get3A_1022 = arith.constant 32 : index
          %get3A_1023 = tpu.vector_load %arg6[%get3A_1020, %get3A_1021, %get3A_1022] {strides = array<i32>} : memref<10x128x64xf32, #tpu.memory_space<vmem>>, vector<16xf32>,
          %add3A_1024 = arith.addf %add3A_896, %get3A_1023 : vector<16xf32>
          %add3A_1025 = arith.constant 3 : i32
          %add3A_1026 = arith.addi %mul3A_568, %add3A_1025 : i32
          %get3A_1027 = arith.constant 2 : i32
          %get3A_1028 = arith.index_cast %get3A_1027 : i32 to index
          %get3A_1029 = arith.index_cast %add3A_1026 : i32 to index
          %get3A_1030 = arith.constant 48 : index
          %get3A_1031 = tpu.vector_load %arg6[%get3A_1028, %get3A_1029, %get3A_1030] {strides = array<i32>} : memref<10x128x64xf32, #tpu.memory_space<vmem>>, vector<16xf32>,
          %add3A_1032 = arith.addf %add3A_904, %get3A_1031 : vector<16xf32>
          %add3A_1033 = arith.constant 0 : i32
          %add3A_1034 = arith.addi %mul3A_568, %add3A_1033 : i32
          %get3A_1035 = arith.constant 3 : i32
          %get3A_1036 = arith.index_cast %get3A_1035 : i32 to index
          %get3A_1037 = arith.index_cast %add3A_1034 : i32 to index
          %get3A_1038 = arith.constant 0 : index
          %get3A_1039 = tpu.vector_load %arg6[%get3A_1036, %get3A_1037, %get3A_1038] {strides = array<i32>} : memref<10x128x64xf32, #tpu.memory_space<vmem>>, vector<16xf32>,
          %add3A_1040 = arith.addf %add3A_912, %get3A_1039 : vector<16xf32>
          %add3A_1041 = arith.constant 0 : i32
          %add3A_1042 = arith.addi %mul3A_568, %add3A_1041 : i32
          %get3A_1043 = arith.constant 3 : i32
          %get3A_1044 = arith.index_cast %get3A_1043 : i32 to index
          %get3A_1045 = arith.index_cast %add3A_1042 : i32 to index
          %get3A_1046 = arith.constant 16 : index
          %get3A_1047 = tpu.vector_load %arg6[%get3A_1044, %get3A_1045, %get3A_1046] {strides = array<i32>} : memref<10x128x64xf32, #tpu.memory_space<vmem>>, vector<16xf32>,
          %add3A_1048 = arith.addf %add3A_920, %get3A_1047 : vector<16xf32>
          %add3A_1049 = arith.constant 0 : i32
          %add3A_1050 = arith.addi %mul3A_568, %add3A_1049 : i32
          %get3A_1051 = arith.constant 3 : i32
          %get3A_1052 = arith.index_cast %get3A_1051 : i32 to index
          %get3A_1053 = arith.index_cast %add3A_1050 : i32 to index
          %get3A_1054 = arith.constant 32 : index
          %get3A_1055 = tpu.vector_load %arg6[%get3A_1052, %get3A_1053, %get3A_1054] {strides = array<i32>} : memref<10x128x64xf32, #tpu.memory_space<vmem>>, vector<16xf32>,
          %add3A_1056 = arith.addf %add3A_928, %get3A_1055 : vector<16xf32>
          %add3A_1057 = arith.constant 0 : i32
          %add3A_1058 = arith.addi %mul3A_568, %add3A_1057 : i32
          %get3A_1059 = arith.constant 3 : i32
          %get3A_1060 = arith.index_cast %get3A_1059 : i32 to index
          %get3A_1061 = arith.index_cast %add3A_1058 : i32 to index
          %get3A_1062 = arith.constant 48 : index
          %get3A_1063 = tpu.vector_load %arg6[%get3A_1060, %get3A_1061, %get3A_1062] {strides = array<i32>} : memref<10x128x64xf32, #tpu.memory_space<vmem>>, vector<16xf32>,
          %add3A_1064 = arith.addf %add3A_936, %get3A_1063 : vector<16xf32>
          %add3A_1065 = arith.constant 1 : i32
          %add3A_1066 = arith.addi %mul3A_568, %add3A_1065 : i32
          %get3A_1067 = arith.constant 3 : i32
          %get3A_1068 = arith.index_cast %get3A_1067 : i32 to index
          %get3A_1069 = arith.index_cast %add3A_1066 : i32 to index
          %get3A_1070 = arith.constant 0 : index
          %get3A_1071 = tpu.vector_load %arg6[%get3A_1068, %get3A_1069, %get3A_1070] {strides = array<i32>} : memref<10x128x64xf32, #tpu.memory_space<vmem>>, vector<16xf32>,
          %add3A_1072 = arith.addf %add3A_944, %get3A_1071 : vector<16xf32>
          %add3A_1073 = arith.constant 1 : i32
          %add3A_1074 = arith.addi %mul3A_568, %add3A_1073 : i32
          %get3A_1075 = arith.constant 3 : i32
          %get3A_1076 = arith.index_cast %get3A_1075 : i32 to index
          %get3A_1077 = arith.index_cast %add3A_1074 : i32 to index
          %get3A_1078 = arith.constant 16 : index
          %get3A_1079 = tpu.vector_load %arg6[%get3A_1076, %get3A_1077, %get3A_1078] {strides = array<i32>} : memref<10x128x64xf32, #tpu.memory_space<vmem>>, vector<16xf32>,
          %add3A_1080 = arith.addf %add3A_952, %get3A_1079 : vector<16xf32>
          %add3A_1081 = arith.constant 1 : i32
          %add3A_1082 = arith.addi %mul3A_568, %add3A_1081 : i32
          %get3A_1083 = arith.constant 3 : i32
          %get3A_1084 = arith.index_cast %get3A_1083 : i32 to index
          %get3A_1085 = arith.index_cast %add3A_1082 : i32 to index
          %get3A_1086 = arith.constant 32 : index
          %get3A_1087 = tpu.vector_load %arg6[%get3A_1084, %get3A_1085, %get3A_1086] {strides = array<i32>} : memref<10x128x64xf32, #tpu.memory_space<vmem>>, vector<16xf32>,
          %add3A_1088 = arith.addf %add3A_960, %get3A_1087 : vector<16xf32>
          %add3A_1089 = arith.constant 1 : i32
          %add3A_1090 = arith.addi %mul3A_568, %add3A_1089 : i32
          %get3A_1091 = arith.constant 3 : i32
          %get3A_1092 = arith.index_cast %get3A_1091 : i32 to index
          %get3A_1093 = arith.index_cast %add3A_1090 : i32 to index
          %get3A_1094 = arith.constant 48 : index
          %get3A_1095 = tpu.vector_load %arg6[%get3A_1092, %get3A_1093, %get3A_1094] {strides = array<i32>} : memref<10x128x64xf32, #tpu.memory_space<vmem>>, vector<16xf32>,
          %add3A_1096 = arith.addf %add3A_968, %get3A_1095 : vector<16xf32>
          %add3A_1097 = arith.constant 2 : i32
          %add3A_1098 = arith.addi %mul3A_568, %add3A_1097 : i32
          %get3A_1099 = arith.constant 3 : i32
          %get3A_1100 = arith.index_cast %get3A_1099 : i32 to index
          %get3A_1101 = arith.index_cast %add3A_1098 : i32 to index
          %get3A_1102 = arith.constant 0 : index
          %get3A_1103 = tpu.vector_load %arg6[%get3A_1100, %get3A_1101, %get3A_1102] {strides = array<i32>} : memref<10x128x64xf32, #tpu.memory_space<vmem>>, vector<16xf32>,
          %add3A_1104 = arith.addf %add3A_976, %get3A_1103 : vector<16xf32>
          %add3A_1105 = arith.constant 2 : i32
          %add3A_1106 = arith.addi %mul3A_568, %add3A_1105 : i32
          %get3A_1107 = arith.constant 3 : i32
          %get3A_1108 = arith.index_cast %get3A_1107 : i32 to index
          %get3A_1109 = arith.index_cast %add3A_1106 : i32 to index
          %get3A_1110 = arith.constant 16 : index
          %get3A_1111 = tpu.vector_load %arg6[%get3A_1108, %get3A_1109, %get3A_1110] {strides = array<i32>} : memref<10x128x64xf32, #tpu.memory_space<vmem>>, vector<16xf32>,
          %add3A_1112 = arith.addf %add3A_984, %get3A_1111 : vector<16xf32>
          %add3A_1113 = arith.constant 2 : i32
          %add3A_1114 = arith.addi %mul3A_568, %add3A_1113 : i32
          %get3A_1115 = arith.constant 3 : i32
          %get3A_1116 = arith.index_cast %get3A_1115 : i32 to index
          %get3A_1117 = arith.index_cast %add3A_1114 : i32 to index
          %get3A_1118 = arith.constant 32 : index
          %get3A_1119 = tpu.vector_load %arg6[%get3A_1116, %get3A_1117, %get3A_1118] {strides = array<i32>} : memref<10x128x64xf32, #tpu.memory_space<vmem>>, vector<16xf32>,
          %add3A_1120 = arith.addf %add3A_992, %get3A_1119 : vector<16xf32>
          %add3A_1121 = arith.constant 2 : i32
          %add3A_1122 = arith.addi %mul3A_568, %add3A_1121 : i32
          %get3A_1123 = arith.constant 3 : i32
          %get3A_1124 = arith.index_cast %get3A_1123 : i32 to index
          %get3A_1125 = arith.index_cast %add3A_1122 : i32 to index
          %get3A_1126 = arith.constant 48 : index
          %get3A_1127 = tpu.vector_load %arg6[%get3A_1124, %get3A_1125, %get3A_1126] {strides = array<i32>} : memref<10x128x64xf32, #tpu.memory_space<vmem>>, vector<16xf32>,
          %add3A_1128 = arith.addf %add3A_1000, %get3A_1127 : vector<16xf32>
          %add3A_1129 = arith.constant 3 : i32
          %add3A_1130 = arith.addi %mul3A_568, %add3A_1129 : i32
          %get3A_1131 = arith.constant 3 : i32
          %get3A_1132 = arith.index_cast %get3A_1131 : i32 to index
          %get3A_1133 = arith.index_cast %add3A_1130 : i32 to index
          %get3A_1134 = arith.constant 0 : index
          %get3A_1135 = tpu.vector_load %arg6[%get3A_1132, %get3A_1133, %get3A_1134] {strides = array<i32>} : memref<10x128x64xf32, #tpu.memory_space<vmem>>, vector<16xf32>,
          %add3A_1136 = arith.addf %add3A_1008, %get3A_1135 : vector<16xf32>
          %add3A_1137 = arith.constant 3 : i32
          %add3A_1138 = arith.addi %mul3A_568, %add3A_1137 : i32
          %get3A_1139 = arith.constant 3 : i32
          %get3A_1140 = arith.index_cast %get3A_1139 : i32 to index
          %get3A_1141 = arith.index_cast %add3A_1138 : i32 to index
          %get3A_1142 = arith.constant 16 : index
          %get3A_1143 = tpu.vector_load %arg6[%get3A_1140, %get3A_1141, %get3A_1142] {strides = array<i32>} : memref<10x128x64xf32, #tpu.memory_space<vmem>>, vector<16xf32>,
          %add3A_1144 = arith.addf %add3A_1016, %get3A_1143 : vector<16xf32>
          %add3A_1145 = arith.constant 3 : i32
          %add3A_1146 = arith.addi %mul3A_568, %add3A_1145 : i32
          %get3A_1147 = arith.constant 3 : i32
          %get3A_1148 = arith.index_cast %get3A_1147 : i32 to index
          %get3A_1149 = arith.index_cast %add3A_1146 : i32 to index
          %get3A_1150 = arith.constant 32 : index
          %get3A_1151 = tpu.vector_load %arg6[%get3A_1148, %get3A_1149, %get3A_1150] {strides = array<i32>} : memref<10x128x64xf32, #tpu.memory_space<vmem>>, vector<16xf32>,
          %add3A_1152 = arith.addf %add3A_1024, %get3A_1151 : vector<16xf32>
          %add3A_1153 = arith.constant 3 : i32
          %add3A_1154 = arith.addi %mul3A_568, %add3A_1153 : i32
          %get3A_1155 = arith.constant 3 : i32
          %get3A_1156 = arith.index_cast %get3A_1155 : i32 to index
          %get3A_1157 = arith.index_cast %add3A_1154 : i32 to index
          %get3A_1158 = arith.constant 48 : index
          %get3A_1159 = tpu.vector_load %arg6[%get3A_1156, %get3A_1157, %get3A_1158] {strides = array<i32>} : memref<10x128x64xf32, #tpu.memory_space<vmem>>, vector<16xf32>,
          %add3A_1160 = arith.addf %add3A_1032, %get3A_1159 : vector<16xf32>
          %add3A_1161 = arith.constant 0 : i32
          %add3A_1162 = arith.addi %mul3A_568, %add3A_1161 : i32
          %get3A_1163 = arith.constant 4 : i32
          %get3A_1164 = arith.index_cast %get3A_1163 : i32 to index
          %get3A_1165 = arith.index_cast %add3A_1162 : i32 to index
          %get3A_1166 = arith.constant 0 : index
          %get3A_1167 = tpu.vector_load %arg6[%get3A_1164, %get3A_1165, %get3A_1166] {strides = array<i32>} : memref<10x128x64xf32, #tpu.memory_space<vmem>>, vector<16xf32>,
          %add3A_1168 = arith.addf %add3A_1040, %get3A_1167 : vector<16xf32>
          %add3A_1169 = arith.constant 0 : i32
          %add3A_1170 = arith.addi %mul3A_568, %add3A_1169 : i32
          %get3A_1171 = arith.constant 4 : i32
          %get3A_1172 = arith.index_cast %get3A_1171 : i32 to index
          %get3A_1173 = arith.index_cast %add3A_1170 : i32 to index
          %get3A_1174 = arith.constant 16 : index
          %get3A_1175 = tpu.vector_load %arg6[%get3A_1172, %get3A_1173, %get3A_1174] {strides = array<i32>} : memref<10x128x64xf32, #tpu.memory_space<vmem>>, vector<16xf32>,
          %add3A_1176 = arith.addf %add3A_1048, %get3A_1175 : vector<16xf32>
          %add3A_1177 = arith.constant 0 : i32
          %add3A_1178 = arith.addi %mul3A_568, %add3A_1177 : i32
          %get3A_1179 = arith.constant 4 : i32
          %get3A_1180 = arith.index_cast %get3A_1179 : i32 to index
          %get3A_1181 = arith.index_cast %add3A_1178 : i32 to index
          %get3A_1182 = arith.constant 32 : index
          %get3A_1183 = tpu.vector_load %arg6[%get3A_1180, %get3A_1181, %get3A_1182] {strides = array<i32>} : memref<10x128x64xf32, #tpu.memory_space<vmem>>, vector<16xf32>,
          %add3A_1184 = arith.addf %add3A_1056, %get3A_1183 : vector<16xf32>
          %add3A_1185 = arith.constant 0 : i32
          %add3A_1186 = arith.addi %mul3A_568, %add3A_1185 : i32
          %get3A_1187 = arith.constant 4 : i32
          %get3A_1188 = arith.index_cast %get3A_1187 : i32 to index
          %get3A_1189 = arith.index_cast %add3A_1186 : i32 to index
          %get3A_1190 = arith.constant 48 : index
          %get3A_1191 = tpu.vector_load %arg6[%get3A_1188, %get3A_1189, %get3A_1190] {strides = array<i32>} : memref<10x128x64xf32, #tpu.memory_space<vmem>>, vector<16xf32>,
          %add3A_1192 = arith.addf %add3A_1064, %get3A_1191 : vector<16xf32>
          %add3A_1193 = arith.constant 1 : i32
          %add3A_1194 = arith.addi %mul3A_568, %add3A_1193 : i32
          %get3A_1195 = arith.constant 4 : i32
          %get3A_1196 = arith.index_cast %get3A_1195 : i32 to index
          %get3A_1197 = arith.index_cast %add3A_1194 : i32 to index
          %get3A_1198 = arith.constant 0 : index
          %get3A_1199 = tpu.vector_load %arg6[%get3A_1196, %get3A_1197, %get3A_1198] {strides = array<i32>} : memref<10x128x64xf32, #tpu.memory_space<vmem>>, vector<16xf32>,
          %add3A_1200 = arith.addf %add3A_1072, %get3A_1199 : vector<16xf32>
          %add3A_1201 = arith.constant 1 : i32
          %add3A_1202 = arith.addi %mul3A_568, %add3A_1201 : i32
          %get3A_1203 = arith.constant 4 : i32
          %get3A_1204 = arith.index_cast %get3A_1203 : i32 to index
          %get3A_1205 = arith.index_cast %add3A_1202 : i32 to index
          %get3A_1206 = arith.constant 16 : index
          %get3A_1207 = tpu.vector_load %arg6[%get3A_1204, %get3A_1205, %get3A_1206] {strides = array<i32>} : memref<10x128x64xf32, #tpu.memory_space<vmem>>, vector<16xf32>,
          %add3A_1208 = arith.addf %add3A_1080, %get3A_1207 : vector<16xf32>
          %add3A_1209 = arith.constant 1 : i32
          %add3A_1210 = arith.addi %mul3A_568, %add3A_1209 : i32
          %get3A_1211 = arith.constant 4 : i32
          %get3A_1212 = arith.index_cast %get3A_1211 : i32 to index
          %get3A_1213 = arith.index_cast %add3A_1210 : i32 to index
          %get3A_1214 = arith.constant 32 : index
          %get3A_1215 = tpu.vector_load %arg6[%get3A_1212, %get3A_1213, %get3A_1214] {strides = array<i32>} : memref<10x128x64xf32, #tpu.memory_space<vmem>>, vector<16xf32>,
          %add3A_1216 = arith.addf %add3A_1088, %get3A_1215 : vector<16xf32>
          %add3A_1217 = arith.constant 1 : i32
          %add3A_1218 = arith.addi %mul3A_568, %add3A_1217 : i32
          %get3A_1219 = arith.constant 4 : i32
          %get3A_1220 = arith.index_cast %get3A_1219 : i32 to index
          %get3A_1221 = arith.index_cast %add3A_1218 : i32 to index
          %get3A_1222 = arith.constant 48 : index
          %get3A_1223 = tpu.vector_load %arg6[%get3A_1220, %get3A_1221, %get3A_1222] {strides = array<i32>} : memref<10x128x64xf32, #tpu.memory_space<vmem>>, vector<16xf32>,
          %add3A_1224 = arith.addf %add3A_1096, %get3A_1223 : vector<16xf32>
          %add3A_1225 = arith.constant 2 : i32
          %add3A_1226 = arith.addi %mul3A_568, %add3A_1225 : i32
          %get3A_1227 = arith.constant 4 : i32
          %get3A_1228 = arith.index_cast %get3A_1227 : i32 to index
          %get3A_1229 = arith.index_cast %add3A_1226 : i32 to index
          %get3A_1230 = arith.constant 0 : index
          %get3A_1231 = tpu.vector_load %arg6[%get3A_1228, %get3A_1229, %get3A_1230] {strides = array<i32>} : memref<10x128x64xf32, #tpu.memory_space<vmem>>, vector<16xf32>,
          %add3A_1232 = arith.addf %add3A_1104, %get3A_1231 : vector<16xf32>
          %add3A_1233 = arith.constant 2 : i32
          %add3A_1234 = arith.addi %mul3A_568, %add3A_1233 : i32
          %get3A_1235 = arith.constant 4 : i32
          %get3A_1236 = arith.index_cast %get3A_1235 : i32 to index
          %get3A_1237 = arith.index_cast %add3A_1234 : i32 to index
          %get3A_1238 = arith.constant 16 : index
          %get3A_1239 = tpu.vector_load %arg6[%get3A_1236, %get3A_1237, %get3A_1238] {strides = array<i32>} : memref<10x128x64xf32, #tpu.memory_space<vmem>>, vector<16xf32>,
          %add3A_1240 = arith.addf %add3A_1112, %get3A_1239 : vector<16xf32>
          %add3A_1241 = arith.constant 2 : i32
          %add3A_1242 = arith.addi %mul3A_568, %add3A_1241 : i32
          %get3A_1243 = arith.constant 4 : i32
          %get3A_1244 = arith.index_cast %get3A_1243 : i32 to index
          %get3A_1245 = arith.index_cast %add3A_1242 : i32 to index
          %get3A_1246 = arith.constant 32 : index
          %get3A_1247 = tpu.vector_load %arg6[%get3A_1244, %get3A_1245, %get3A_1246] {strides = array<i32>} : memref<10x128x64xf32, #tpu.memory_space<vmem>>, vector<16xf32>,
          %add3A_1248 = arith.addf %add3A_1120, %get3A_1247 : vector<16xf32>
          %add3A_1249 = arith.constant 2 : i32
          %add3A_1250 = arith.addi %mul3A_568, %add3A_1249 : i32
          %get3A_1251 = arith.constant 4 : i32
          %get3A_1252 = arith.index_cast %get3A_1251 : i32 to index
          %get3A_1253 = arith.index_cast %add3A_1250 : i32 to index
          %get3A_1254 = arith.constant 48 : index
          %get3A_1255 = tpu.vector_load %arg6[%get3A_1252, %get3A_1253, %get3A_1254] {strides = array<i32>} : memref<10x128x64xf32, #tpu.memory_space<vmem>>, vector<16xf32>,
          %add3A_1256 = arith.addf %add3A_1128, %get3A_1255 : vector<16xf32>
          %add3A_1257 = arith.constant 3 : i32
          %add3A_1258 = arith.addi %mul3A_568, %add3A_1257 : i32
          %get3A_1259 = arith.constant 4 : i32
          %get3A_1260 = arith.index_cast %get3A_1259 : i32 to index
          %get3A_1261 = arith.index_cast %add3A_1258 : i32 to index
          %get3A_1262 = arith.constant 0 : index
          %get3A_1263 = tpu.vector_load %arg6[%get3A_1260, %get3A_1261, %get3A_1262] {strides = array<i32>} : memref<10x128x64xf32, #tpu.memory_space<vmem>>, vector<16xf32>,
          %add3A_1264 = arith.addf %add3A_1136, %get3A_1263 : vector<16xf32>
          %add3A_1265 = arith.constant 3 : i32
          %add3A_1266 = arith.addi %mul3A_568, %add3A_1265 : i32
          %get3A_1267 = arith.constant 4 : i32
          %get3A_1268 = arith.index_cast %get3A_1267 : i32 to index
          %get3A_1269 = arith.index_cast %add3A_1266 : i32 to index
          %get3A_1270 = arith.constant 16 : index
          %get3A_1271 = tpu.vector_load %arg6[%get3A_1268, %get3A_1269, %get3A_1270] {strides = array<i32>} : memref<10x128x64xf32, #tpu.memory_space<vmem>>, vector<16xf32>,
          %add3A_1272 = arith.addf %add3A_1144, %get3A_1271 : vector<16xf32>
          %add3A_1273 = arith.constant 3 : i32
          %add3A_1274 = arith.addi %mul3A_568, %add3A_1273 : i32
          %get3A_1275 = arith.constant 4 : i32
          %get3A_1276 = arith.index_cast %get3A_1275 : i32 to index
          %get3A_1277 = arith.index_cast %add3A_1274 : i32 to index
          %get3A_1278 = arith.constant 32 : index
          %get3A_1279 = tpu.vector_load %arg6[%get3A_1276, %get3A_1277, %get3A_1278] {strides = array<i32>} : memref<10x128x64xf32, #tpu.memory_space<vmem>>, vector<16xf32>,
          %add3A_1280 = arith.addf %add3A_1152, %get3A_1279 : vector<16xf32>
          %add3A_1281 = arith.constant 3 : i32
          %add3A_1282 = arith.addi %mul3A_568, %add3A_1281 : i32
          %get3A_1283 = arith.constant 4 : i32
          %get3A_1284 = arith.index_cast %get3A_1283 : i32 to index
          %get3A_1285 = arith.index_cast %add3A_1282 : i32 to index
          %get3A_1286 = arith.constant 48 : index
          %get3A_1287 = tpu.vector_load %arg6[%get3A_1284, %get3A_1285, %get3A_1286] {strides = array<i32>} : memref<10x128x64xf32, #tpu.memory_space<vmem>>, vector<16xf32>,
          %add3A_1288 = arith.addf %add3A_1160, %get3A_1287 : vector<16xf32>
          %add3A_1289 = arith.constant 0 : i32
          %add3A_1290 = arith.addi %mul3A_568, %add3A_1289 : i32
          %swap3A_1291 = arith.index_cast %add3A_1290 : i32 to index
          %swap3A_1292 = arith.constant 0 : index
          %swap3A_1293 = tpu.vector_load %arg7[%swap3A_1291, %swap3A_1292] {strides = array<i32>} : memref<128x64xf32, #tpu.memory_space<vmem>>, vector<16xf32>,
          tpu.vector_store %arg7[%swap3A_1291, %swap3A_1292], %add3A_1168 {strides = array<i32>} : memref<128x64xf32, #tpu.memory_space<vmem>>, vector<16xf32>,
          %add3A_1294 = arith.constant 0 : i32
          %add3A_1295 = arith.addi %mul3A_568, %add3A_1294 : i32
          %swap3A_1296 = arith.index_cast %add3A_1295 : i32 to index
          %swap3A_1297 = arith.constant 16 : index
          %swap3A_1298 = tpu.vector_load %arg7[%swap3A_1296, %swap3A_1297] {strides = array<i32>} : memref<128x64xf32, #tpu.memory_space<vmem>>, vector<16xf32>,
          tpu.vector_store %arg7[%swap3A_1296, %swap3A_1297], %add3A_1176 {strides = array<i32>} : memref<128x64xf32, #tpu.memory_space<vmem>>, vector<16xf32>,
          %add3A_1299 = arith.constant 0 : i32
          %add3A_1300 = arith.addi %mul3A_568, %add3A_1299 : i32
          %swap3A_1301 = arith.index_cast %add3A_1300 : i32 to index
          %swap3A_1302 = arith.constant 32 : index
          %swap3A_1303 = tpu.vector_load %arg7[%swap3A_1301, %swap3A_1302] {strides = array<i32>} : memref<128x64xf32, #tpu.memory_space<vmem>>, vector<16xf32>,
          tpu.vector_store %arg7[%swap3A_1301, %swap3A_1302], %add3A_1184 {strides = array<i32>} : memref<128x64xf32, #tpu.memory_space<vmem>>, vector<16xf32>,
          %add3A_1304 = arith.constant 0 : i32
          %add3A_1305 = arith.addi %mul3A_568, %add3A_1304 : i32
          %swap3A_1306 = arith.index_cast %add3A_1305 : i32 to index
          %swap3A_1307 = arith.constant 48 : index
          %swap3A_1308 = tpu.vector_load %arg7[%swap3A_1306, %swap3A_1307] {strides = array<i32>} : memref<128x64xf32, #tpu.memory_space<vmem>>, vector<16xf32>,
          tpu.vector_store %arg7[%swap3A_1306, %swap3A_1307], %add3A_1192 {strides = array<i32>} : memref<128x64xf32, #tpu.memory_space<vmem>>, vector<16xf32>,
          %add3A_1309 = arith.constant 1 : i32
          %add3A_1310 = arith.addi %mul3A_568, %add3A_1309 : i32
          %swap3A_1311 = arith.index_cast %add3A_1310 : i32 to index
          %swap3A_1312 = arith.constant 0 : index
          %swap3A_1313 = tpu.vector_load %arg7[%swap3A_1311, %swap3A_1312] {strides = array<i32>} : memref<128x64xf32, #tpu.memory_space<vmem>>, vector<16xf32>,
          tpu.vector_store %arg7[%swap3A_1311, %swap3A_1312], %add3A_1200 {strides = array<i32>} : memref<128x64xf32, #tpu.memory_space<vmem>>, vector<16xf32>,
          %add3A_1314 = arith.constant 1 : i32
          %add3A_1315 = arith.addi %mul3A_568, %add3A_1314 : i32
          %swap3A_1316 = arith.index_cast %add3A_1315 : i32 to index
          %swap3A_1317 = arith.constant 16 : index
          %swap3A_1318 = tpu.vector_load %arg7[%swap3A_1316, %swap3A_1317] {strides = array<i32>} : memref<128x64xf32, #tpu.memory_space<vmem>>, vector<16xf32>,
          tpu.vector_store %arg7[%swap3A_1316, %swap3A_1317], %add3A_1208 {strides = array<i32>} : memref<128x64xf32, #tpu.memory_space<vmem>>, vector<16xf32>,
          %add3A_1319 = arith.constant 1 : i32
          %add3A_1320 = arith.addi %mul3A_568, %add3A_1319 : i32
          %swap3A_1321 = arith.index_cast %add3A_1320 : i32 to index
          %swap3A_1322 = arith.constant 32 : index
          %swap3A_1323 = tpu.vector_load %arg7[%swap3A_1321, %swap3A_1322] {strides = array<i32>} : memref<128x64xf32, #tpu.memory_space<vmem>>, vector<16xf32>,
          tpu.vector_store %arg7[%swap3A_1321, %swap3A_1322], %add3A_1216 {strides = array<i32>} : memref<128x64xf32, #tpu.memory_space<vmem>>, vector<16xf32>,
          %add3A_1324 = arith.constant 1 : i32
          %add3A_1325 = arith.addi %mul3A_568, %add3A_1324 : i32
          %swap3A_1326 = arith.index_cast %add3A_1325 : i32 to index
          %swap3A_1327 = arith.constant 48 : index
          %swap3A_1328 = tpu.vector_load %arg7[%swap3A_1326, %swap3A_1327] {strides = array<i32>} : memref<128x64xf32, #tpu.memory_space<vmem>>, vector<16xf32>,
          tpu.vector_store %arg7[%swap3A_1326, %swap3A_1327], %add3A_1224 {strides = array<i32>} : memref<128x64xf32, #tpu.memory_space<vmem>>, vector<16xf32>,
          %add3A_1329 = arith.constant 2 : i32
          %add3A_1330 = arith.addi %mul3A_568, %add3A_1329 : i32
          %swap3A_1331 = arith.index_cast %add3A_1330 : i32 to index
          %swap3A_1332 = arith.constant 0 : index
          %swap3A_1333 = tpu.vector_load %arg7[%swap3A_1331, %swap3A_1332] {strides = array<i32>} : memref<128x64xf32, #tpu.memory_space<vmem>>, vector<16xf32>,
          tpu.vector_store %arg7[%swap3A_1331, %swap3A_1332], %add3A_1232 {strides = array<i32>} : memref<128x64xf32, #tpu.memory_space<vmem>>, vector<16xf32>,
          %add3A_1334 = arith.constant 2 : i32
          %add3A_1335 = arith.addi %mul3A_568, %add3A_1334 : i32
          %swap3A_1336 = arith.index_cast %add3A_1335 : i32 to index
          %swap3A_1337 = arith.constant 16 : index
          %swap3A_1338 = tpu.vector_load %arg7[%swap3A_1336, %swap3A_1337] {strides = array<i32>} : memref<128x64xf32, #tpu.memory_space<vmem>>, vector<16xf32>,
          tpu.vector_store %arg7[%swap3A_1336, %swap3A_1337], %add3A_1240 {strides = array<i32>} : memref<128x64xf32, #tpu.memory_space<vmem>>, vector<16xf32>,
          %add3A_1339 = arith.constant 2 : i32
          %add3A_1340 = arith.addi %mul3A_568, %add3A_1339 : i32
          %swap3A_1341 = arith.index_cast %add3A_1340 : i32 to index
          %swap3A_1342 = arith.constant 32 : index
          %swap3A_1343 = tpu.vector_load %arg7[%swap3A_1341, %swap3A_1342] {strides = array<i32>} : memref<128x64xf32, #tpu.memory_space<vmem>>, vector<16xf32>,
          tpu.vector_store %arg7[%swap3A_1341, %swap3A_1342], %add3A_1248 {strides = array<i32>} : memref<128x64xf32, #tpu.memory_space<vmem>>, vector<16xf32>,
          %add3A_1344 = arith.constant 2 : i32
          %add3A_1345 = arith.addi %mul3A_568, %add3A_1344 : i32
          %swap3A_1346 = arith.index_cast %add3A_1345 : i32 to index
          %swap3A_1347 = arith.constant 48 : index
          %swap3A_1348 = tpu.vector_load %arg7[%swap3A_1346, %swap3A_1347] {strides = array<i32>} : memref<128x64xf32, #tpu.memory_space<vmem>>, vector<16xf32>,
          tpu.vector_store %arg7[%swap3A_1346, %swap3A_1347], %add3A_1256 {strides = array<i32>} : memref<128x64xf32, #tpu.memory_space<vmem>>, vector<16xf32>,
          %add3A_1349 = arith.constant 3 : i32
          %add3A_1350 = arith.addi %mul3A_568, %add3A_1349 : i32
          %swap3A_1351 = arith.index_cast %add3A_1350 : i32 to index
          %swap3A_1352 = arith.constant 0 : index
          %swap3A_1353 = tpu.vector_load %arg7[%swap3A_1351, %swap3A_1352] {strides = array<i32>} : memref<128x64xf32, #tpu.memory_space<vmem>>, vector<16xf32>,
          tpu.vector_store %arg7[%swap3A_1351, %swap3A_1352], %add3A_1264 {strides = array<i32>} : memref<128x64xf32, #tpu.memory_space<vmem>>, vector<16xf32>,
          %add3A_1354 = arith.constant 3 : i32
          %add3A_1355 = arith.addi %mul3A_568, %add3A_1354 : i32
          %swap3A_1356 = arith.index_cast %add3A_1355 : i32 to index
          %swap3A_1357 = arith.constant 16 : index
          %swap3A_1358 = tpu.vector_load %arg7[%swap3A_1356, %swap3A_1357] {strides = array<i32>} : memref<128x64xf32, #tpu.memory_space<vmem>>, vector<16xf32>,
          tpu.vector_store %arg7[%swap3A_1356, %swap3A_1357], %add3A_1272 {strides = array<i32>} : memref<128x64xf32, #tpu.memory_space<vmem>>, vector<16xf32>,
          %add3A_1359 = arith.constant 3 : i32
          %add3A_1360 = arith.addi %mul3A_568, %add3A_1359 : i32
          %swap3A_1361 = arith.index_cast %add3A_1360 : i32 to index
          %swap3A_1362 = arith.constant 32 : index
          %swap3A_1363 = tpu.vector_load %arg7[%swap3A_1361, %swap3A_1362] {strides = array<i32>} : memref<128x64xf32, #tpu.memory_space<vmem>>, vector<16xf32>,
          tpu.vector_store %arg7[%swap3A_1361, %swap3A_1362], %add3A_1280 {strides = array<i32>} : memref<128x64xf32, #tpu.memory_space<vmem>>, vector<16xf32>,
          %add3A_1364 = arith.constant 3 : i32
          %add3A_1365 = arith.addi %mul3A_568, %add3A_1364 : i32
          %swap3A_1366 = arith.index_cast %add3A_1365 : i32 to index
          %swap3A_1367 = arith.constant 48 : index
          %swap3A_1368 = tpu.vector_load %arg7[%swap3A_1366, %swap3A_1367] {strides = array<i32>} : memref<128x64xf32, #tpu.memory_space<vmem>>, vector<16xf32>,
          tpu.vector_store %arg7[%swap3A_1366, %swap3A_1367], %add3A_1288 {strides = array<i32>} : memref<128x64xf32, #tpu.memory_space<vmem>>, vector<16xf32>,
          %scan3A_1369 = arith.constant 0 : i32
          scf.yield %scan3A_1369 : i32
        }
        %scan3A_400 = arith.constant 32 : i32
        %add3A_401 = arith.constant 0 : i32
        %add3A_402 = arith.addi %mul3A_329, %add3A_401 : i32
        %add3A_403 = arith.constant 10 : i32
        %add3A_404 = arith.addi %add3A_402, %add3A_403 : i32
        %lt3A = arith.constant 200 : i32
        %lt3A_405 = arith.cmpi slt, %add3A_404, %lt3A : i32
        %convert_element_type3A = arith.extui %lt3A_405 : i1 to i32
        %cond3A = arith.constant 0 : i32
        %cond3A_406 = arith.cmpi ne, %convert_element_type3A, %cond3A : i32
        scf.if %cond3A_406 {
          %dma_start3A_565 = arith.constant 0 : i32
          %dma_start3A_566 = arith.constant 0 : i32
          %dma_start3A_567 = arith.constant 0 : i32
          %dma_start3A_568 = tpu.memref_slice %arg6[%dma_start3A_565, %dma_start3A_566, %dma_start3A_567] : memref<10x128x64xf32, #tpu.memory_space<vmem>> -> memref<1x128x64xf32, #tpu.memory_space<vmem>>
          %dma_start3A_569 = tpu.memref_squeeze %dma_start3A_568 : memref<1x128x64xf32, #tpu.memory_space<vmem>> -> memref<128x64xf32, #tpu.memory_space<vmem>>
          %dma_start3A_570 = arith.constant 0 : i32
          %dma_start3A_571 = tpu.memref_slice %arg5[%add3A_404, %dma_start3A_570] : memref<200x128xi32, #tpu.memory_space<vmem>> -> memref<1x128xi32, #tpu.memory_space<vmem>>
          %dma_start3A_572 = tpu.memref_squeeze %dma_start3A_571 : memref<1x128xi32, #tpu.memory_space<vmem>> -> memref<128xi32, #tpu.memory_space<vmem>>
          %dma_start3A_573 = arith.constant 0 : i32
          %dma_start3A_574 = arith.constant 0 : i32
          %dma_start3A_575 = tpu.memref_slice %arg3[%dma_start3A_573, %dma_start3A_574] : memref<1000000x64xf32, #tpu.memory_space<hbm>> -> memref<1000000x64xf32, #tpu.memory_space<hbm>>
          tpu.enqueue_indirect_dma source(%dma_start3A_575 : memref<1000000x64xf32, #tpu.memory_space<hbm>>) target(%dma_start3A_569 : memref<128x64xf32, #tpu.memory_space<vmem>>) offsets(%dma_start3A_572 : memref<128xi32, #tpu.memory_space<vmem>>) semaphore(%arg11 : memref<!tpu.dma_semaphore, #tpu.memory_space<semaphore_mem>>)
        } else {
        }
        %add3A_407 = arith.constant 1 : i32
        %add3A_408 = arith.addi %mul3A_329, %add3A_407 : i32
        %add3A_409 = arith.constant 10 : i32
        %add3A_410 = arith.addi %add3A_408, %add3A_409 : i32
        %lt3A_411 = arith.constant 200 : i32
        %lt3A_412 = arith.cmpi slt, %add3A_410, %lt3A_411 : i32
        %convert_element_type3A_413 = arith.extui %lt3A_412 : i1 to i32
        %cond3A_414 = arith.constant 0 : i32
        %cond3A_415 = arith.cmpi ne, %convert_element_type3A_413, %cond3A_414 : i32
        scf.if %cond3A_415 {
          %dma_start3A_565 = arith.constant 1 : i32
          %dma_start3A_566 = arith.constant 0 : i32
          %dma_start3A_567 = arith.constant 0 : i32
          %dma_start3A_568 = tpu.memref_slice %arg6[%dma_start3A_565, %dma_start3A_566, %dma_start3A_567] : memref<10x128x64xf32, #tpu.memory_space<vmem>> -> memref<1x128x64xf32, #tpu.memory_space<vmem>>
          %dma_start3A_569 = tpu.memref_squeeze %dma_start3A_568 : memref<1x128x64xf32, #tpu.memory_space<vmem>> -> memref<128x64xf32, #tpu.memory_space<vmem>>
          %dma_start3A_570 = arith.constant 0 : i32
          %dma_start3A_571 = tpu.memref_slice %arg5[%add3A_410, %dma_start3A_570] : memref<200x128xi32, #tpu.memory_space<vmem>> -> memref<1x128xi32, #tpu.memory_space<vmem>>
          %dma_start3A_572 = tpu.memref_squeeze %dma_start3A_571 : memref<1x128xi32, #tpu.memory_space<vmem>> -> memref<128xi32, #tpu.memory_space<vmem>>
          %dma_start3A_573 = arith.constant 0 : i32
          %dma_start3A_574 = arith.constant 0 : i32
          %dma_start3A_575 = tpu.memref_slice %arg3[%dma_start3A_573, %dma_start3A_574] : memref<1000000x64xf32, #tpu.memory_space<hbm>> -> memref<1000000x64xf32, #tpu.memory_space<hbm>>
          tpu.enqueue_indirect_dma source(%dma_start3A_575 : memref<1000000x64xf32, #tpu.memory_space<hbm>>) target(%dma_start3A_569 : memref<128x64xf32, #tpu.memory_space<vmem>>) offsets(%dma_start3A_572 : memref<128xi32, #tpu.memory_space<vmem>>) semaphore(%arg12 : memref<!tpu.dma_semaphore, #tpu.memory_space<semaphore_mem>>)
        } else {
        }
        %add3A_416 = arith.constant 2 : i32
        %add3A_417 = arith.addi %mul3A_329, %add3A_416 : i32
        %add3A_418 = arith.constant 10 : i32
        %add3A_419 = arith.addi %add3A_417, %add3A_418 : i32
        %lt3A_420 = arith.constant 200 : i32
        %lt3A_421 = arith.cmpi slt, %add3A_419, %lt3A_420 : i32
        %convert_element_type3A_422 = arith.extui %lt3A_421 : i1 to i32
        %cond3A_423 = arith.constant 0 : i32
        %cond3A_424 = arith.cmpi ne, %convert_element_type3A_422, %cond3A_423 : i32
        scf.if %cond3A_424 {
          %dma_start3A_565 = arith.constant 2 : i32
          %dma_start3A_566 = arith.constant 0 : i32
          %dma_start3A_567 = arith.constant 0 : i32
          %dma_start3A_568 = tpu.memref_slice %arg6[%dma_start3A_565, %dma_start3A_566, %dma_start3A_567] : memref<10x128x64xf32, #tpu.memory_space<vmem>> -> memref<1x128x64xf32, #tpu.memory_space<vmem>>
          %dma_start3A_569 = tpu.memref_squeeze %dma_start3A_568 : memref<1x128x64xf32, #tpu.memory_space<vmem>> -> memref<128x64xf32, #tpu.memory_space<vmem>>
          %dma_start3A_570 = arith.constant 0 : i32
          %dma_start3A_571 = tpu.memref_slice %arg5[%add3A_419, %dma_start3A_570] : memref<200x128xi32, #tpu.memory_space<vmem>> -> memref<1x128xi32, #tpu.memory_space<vmem>>
          %dma_start3A_572 = tpu.memref_squeeze %dma_start3A_571 : memref<1x128xi32, #tpu.memory_space<vmem>> -> memref<128xi32, #tpu.memory_space<vmem>>
          %dma_start3A_573 = arith.constant 0 : i32
          %dma_start3A_574 = arith.constant 0 : i32
          %dma_start3A_575 = tpu.memref_slice %arg3[%dma_start3A_573, %dma_start3A_574] : memref<1000000x64xf32, #tpu.memory_space<hbm>> -> memref<1000000x64xf32, #tpu.memory_space<hbm>>
          tpu.enqueue_indirect_dma source(%dma_start3A_575 : memref<1000000x64xf32, #tpu.memory_space<hbm>>) target(%dma_start3A_569 : memref<128x64xf32, #tpu.memory_space<vmem>>) offsets(%dma_start3A_572 : memref<128xi32, #tpu.memory_space<vmem>>) semaphore(%arg13 : memref<!tpu.dma_semaphore, #tpu.memory_space<semaphore_mem>>)
        } else {
        }
        %add3A_425 = arith.constant 3 : i32
        %add3A_426 = arith.addi %mul3A_329, %add3A_425 : i32
        %add3A_427 = arith.constant 10 : i32
        %add3A_428 = arith.addi %add3A_426, %add3A_427 : i32
        %lt3A_429 = arith.constant 200 : i32
        %lt3A_430 = arith.cmpi slt, %add3A_428, %lt3A_429 : i32
        %convert_element_type3A_431 = arith.extui %lt3A_430 : i1 to i32
        %cond3A_432 = arith.constant 0 : i32
        %cond3A_433 = arith.cmpi ne, %convert_element_type3A_431, %cond3A_432 : i32
        scf.if %cond3A_433 {
          %dma_start3A_565 = arith.constant 3 : i32
          %dma_start3A_566 = arith.constant 0 : i32
          %dma_start3A_567 = arith.constant 0 : i32
          %dma_start3A_568 = tpu.memref_slice %arg6[%dma_start3A_565, %dma_start3A_566, %dma_start3A_567] : memref<10x128x64xf32, #tpu.memory_space<vmem>> -> memref<1x128x64xf32, #tpu.memory_space<vmem>>
          %dma_start3A_569 = tpu.memref_squeeze %dma_start3A_568 : memref<1x128x64xf32, #tpu.memory_space<vmem>> -> memref<128x64xf32, #tpu.memory_space<vmem>>
          %dma_start3A_570 = arith.constant 0 : i32
          %dma_start3A_571 = tpu.memref_slice %arg5[%add3A_428, %dma_start3A_570] : memref<200x128xi32, #tpu.memory_space<vmem>> -> memref<1x128xi32, #tpu.memory_space<vmem>>
          %dma_start3A_572 = tpu.memref_squeeze %dma_start3A_571 : memref<1x128xi32, #tpu.memory_space<vmem>> -> memref<128xi32, #tpu.memory_space<vmem>>
          %dma_start3A_573 = arith.constant 0 : i32
          %dma_start3A_574 = arith.constant 0 : i32
          %dma_start3A_575 = tpu.memref_slice %arg3[%dma_start3A_573, %dma_start3A_574] : memref<1000000x64xf32, #tpu.memory_space<hbm>> -> memref<1000000x64xf32, #tpu.memory_space<hbm>>
          tpu.enqueue_indirect_dma source(%dma_start3A_575 : memref<1000000x64xf32, #tpu.memory_space<hbm>>) target(%dma_start3A_569 : memref<128x64xf32, #tpu.memory_space<vmem>>) offsets(%dma_start3A_572 : memref<128xi32, #tpu.memory_space<vmem>>) semaphore(%arg14 : memref<!tpu.dma_semaphore, #tpu.memory_space<semaphore_mem>>)
        } else {
        }
        %add3A_434 = arith.constant 4 : i32
        %add3A_435 = arith.addi %mul3A_329, %add3A_434 : i32
        %add3A_436 = arith.constant 10 : i32
        %add3A_437 = arith.addi %add3A_435, %add3A_436 : i32
        %lt3A_438 = arith.constant 200 : i32
        %lt3A_439 = arith.cmpi slt, %add3A_437, %lt3A_438 : i32
        %convert_element_type3A_440 = arith.extui %lt3A_439 : i1 to i32
        %cond3A_441 = arith.constant 0 : i32
        %cond3A_442 = arith.cmpi ne, %convert_element_type3A_440, %cond3A_441 : i32
        scf.if %cond3A_442 {
          %dma_start3A_565 = arith.constant 4 : i32
          %dma_start3A_566 = arith.constant 0 : i32
          %dma_start3A_567 = arith.constant 0 : i32
          %dma_start3A_568 = tpu.memref_slice %arg6[%dma_start3A_565, %dma_start3A_566, %dma_start3A_567] : memref<10x128x64xf32, #tpu.memory_space<vmem>> -> memref<1x128x64xf32, #tpu.memory_space<vmem>>
          %dma_start3A_569 = tpu.memref_squeeze %dma_start3A_568 : memref<1x128x64xf32, #tpu.memory_space<vmem>> -> memref<128x64xf32, #tpu.memory_space<vmem>>
          %dma_start3A_570 = arith.constant 0 : i32
          %dma_start3A_571 = tpu.memref_slice %arg5[%add3A_437, %dma_start3A_570] : memref<200x128xi32, #tpu.memory_space<vmem>> -> memref<1x128xi32, #tpu.memory_space<vmem>>
          %dma_start3A_572 = tpu.memref_squeeze %dma_start3A_571 : memref<1x128xi32, #tpu.memory_space<vmem>> -> memref<128xi32, #tpu.memory_space<vmem>>
          %dma_start3A_573 = arith.constant 0 : i32
          %dma_start3A_574 = arith.constant 0 : i32
          %dma_start3A_575 = tpu.memref_slice %arg3[%dma_start3A_573, %dma_start3A_574] : memref<1000000x64xf32, #tpu.memory_space<hbm>> -> memref<1000000x64xf32, #tpu.memory_space<hbm>>
          tpu.enqueue_indirect_dma source(%dma_start3A_575 : memref<1000000x64xf32, #tpu.memory_space<hbm>>) target(%dma_start3A_569 : memref<128x64xf32, #tpu.memory_space<vmem>>) offsets(%dma_start3A_572 : memref<128xi32, #tpu.memory_space<vmem>>) semaphore(%arg15 : memref<!tpu.dma_semaphore, #tpu.memory_space<semaphore_mem>>)
        } else {
        }
        %mul3A_443 = arith.constant 10 : i32
        %mul3A_444 = arith.muli %scan3A_326, %mul3A_443 : i32
        %add3A_445 = arith.constant 5 : i32
        %add3A_446 = arith.addi %mul3A_444, %add3A_445 : i32
        %add3A_447 = arith.constant 0 : i32
        %add3A_448 = arith.addi %add3A_446, %add3A_447 : i32
        %dma_wait3A_449 = arith.constant 5 : i32
        %dma_wait3A_450 = arith.constant 0 : i32
        %dma_wait3A_451 = arith.constant 0 : i32
        %dma_wait3A_452 = tpu.memref_slice %arg6[%dma_wait3A_449, %dma_wait3A_450, %dma_wait3A_451] : memref<10x128x64xf32, #tpu.memory_space<vmem>> -> memref<1x128x64xf32, #tpu.memory_space<vmem>>
        %dma_wait3A_453 = tpu.memref_squeeze %dma_wait3A_452 : memref<1x128x64xf32, #tpu.memory_space<vmem>> -> memref<128x64xf32, #tpu.memory_space<vmem>>
        %dma_wait3A_454 = arith.constant 0 : i32
        %dma_wait3A_455 = tpu.memref_slice %arg5[%add3A_448, %dma_wait3A_454] : memref<200x128xi32, #tpu.memory_space<vmem>> -> memref<1x128xi32, #tpu.memory_space<vmem>>
        %dma_wait3A_456 = tpu.memref_squeeze %dma_wait3A_455 : memref<1x128xi32, #tpu.memory_space<vmem>> -> memref<128xi32, #tpu.memory_space<vmem>>
        %dma_wait3A_457 = arith.constant 0 : i32
        %dma_wait3A_458 = arith.constant 0 : i32
        %dma_wait3A_459 = tpu.memref_slice %arg3[%dma_wait3A_457, %dma_wait3A_458] : memref<1000000x64xf32, #tpu.memory_space<hbm>> -> memref<1000000x64xf32, #tpu.memory_space<hbm>>
        tpu.wait_indirect_dma semaphore(%arg16 : memref<!tpu.dma_semaphore, #tpu.memory_space<semaphore_mem>>) src(%dma_wait3A_459 : memref<1000000x64xf32, #tpu.memory_space<hbm>>) dst(%dma_wait3A_453 : memref<128x64xf32, #tpu.memory_space<vmem>>)
        %add3A_460 = arith.constant 1 : i32
        %add3A_461 = arith.addi %add3A_446, %add3A_460 : i32
        %dma_wait3A_462 = arith.constant 6 : i32
        %dma_wait3A_463 = arith.constant 0 : i32
        %dma_wait3A_464 = arith.constant 0 : i32
        %dma_wait3A_465 = tpu.memref_slice %arg6[%dma_wait3A_462, %dma_wait3A_463, %dma_wait3A_464] : memref<10x128x64xf32, #tpu.memory_space<vmem>> -> memref<1x128x64xf32, #tpu.memory_space<vmem>>
        %dma_wait3A_466 = tpu.memref_squeeze %dma_wait3A_465 : memref<1x128x64xf32, #tpu.memory_space<vmem>> -> memref<128x64xf32, #tpu.memory_space<vmem>>
        %dma_wait3A_467 = arith.constant 0 : i32
        %dma_wait3A_468 = tpu.memref_slice %arg5[%add3A_461, %dma_wait3A_467] : memref<200x128xi32, #tpu.memory_space<vmem>> -> memref<1x128xi32, #tpu.memory_space<vmem>>
        %dma_wait3A_469 = tpu.memref_squeeze %dma_wait3A_468 : memref<1x128xi32, #tpu.memory_space<vmem>> -> memref<128xi32, #tpu.memory_space<vmem>>
        %dma_wait3A_470 = arith.constant 0 : i32
        %dma_wait3A_471 = arith.constant 0 : i32
        %dma_wait3A_472 = tpu.memref_slice %arg3[%dma_wait3A_470, %dma_wait3A_471] : memref<1000000x64xf32, #tpu.memory_space<hbm>> -> memref<1000000x64xf32, #tpu.memory_space<hbm>>
        tpu.wait_indirect_dma semaphore(%arg17 : memref<!tpu.dma_semaphore, #tpu.memory_space<semaphore_mem>>) src(%dma_wait3A_472 : memref<1000000x64xf32, #tpu.memory_space<hbm>>) dst(%dma_wait3A_466 : memref<128x64xf32, #tpu.memory_space<vmem>>)
        %add3A_473 = arith.constant 2 : i32
        %add3A_474 = arith.addi %add3A_446, %add3A_473 : i32
        %dma_wait3A_475 = arith.constant 7 : i32
        %dma_wait3A_476 = arith.constant 0 : i32
        %dma_wait3A_477 = arith.constant 0 : i32
        %dma_wait3A_478 = tpu.memref_slice %arg6[%dma_wait3A_475, %dma_wait3A_476, %dma_wait3A_477] : memref<10x128x64xf32, #tpu.memory_space<vmem>> -> memref<1x128x64xf32, #tpu.memory_space<vmem>>
        %dma_wait3A_479 = tpu.memref_squeeze %dma_wait3A_478 : memref<1x128x64xf32, #tpu.memory_space<vmem>> -> memref<128x64xf32, #tpu.memory_space<vmem>>
        %dma_wait3A_480 = arith.constant 0 : i32
        %dma_wait3A_481 = tpu.memref_slice %arg5[%add3A_474, %dma_wait3A_480] : memref<200x128xi32, #tpu.memory_space<vmem>> -> memref<1x128xi32, #tpu.memory_space<vmem>>
        %dma_wait3A_482 = tpu.memref_squeeze %dma_wait3A_481 : memref<1x128xi32, #tpu.memory_space<vmem>> -> memref<128xi32, #tpu.memory_space<vmem>>
        %dma_wait3A_483 = arith.constant 0 : i32
        %dma_wait3A_484 = arith.constant 0 : i32
        %dma_wait3A_485 = tpu.memref_slice %arg3[%dma_wait3A_483, %dma_wait3A_484] : memref<1000000x64xf32, #tpu.memory_space<hbm>> -> memref<1000000x64xf32, #tpu.memory_space<hbm>>
        tpu.wait_indirect_dma semaphore(%arg18 : memref<!tpu.dma_semaphore, #tpu.memory_space<semaphore_mem>>) src(%dma_wait3A_485 : memref<1000000x64xf32, #tpu.memory_space<hbm>>) dst(%dma_wait3A_479 : memref<128x64xf32, #tpu.memory_space<vmem>>)
        %add3A_486 = arith.constant 3 : i32
        %add3A_487 = arith.addi %add3A_446, %add3A_486 : i32
        %dma_wait3A_488 = arith.constant 8 : i32
        %dma_wait3A_489 = arith.constant 0 : i32
        %dma_wait3A_490 = arith.constant 0 : i32
        %dma_wait3A_491 = tpu.memref_slice %arg6[%dma_wait3A_488, %dma_wait3A_489, %dma_wait3A_490] : memref<10x128x64xf32, #tpu.memory_space<vmem>> -> memref<1x128x64xf32, #tpu.memory_space<vmem>>
        %dma_wait3A_492 = tpu.memref_squeeze %dma_wait3A_491 : memref<1x128x64xf32, #tpu.memory_space<vmem>> -> memref<128x64xf32, #tpu.memory_space<vmem>>
        %dma_wait3A_493 = arith.constant 0 : i32
        %dma_wait3A_494 = tpu.memref_slice %arg5[%add3A_487, %dma_wait3A_493] : memref<200x128xi32, #tpu.memory_space<vmem>> -> memref<1x128xi32, #tpu.memory_space<vmem>>
        %dma_wait3A_495 = tpu.memref_squeeze %dma_wait3A_494 : memref<1x128xi32, #tpu.memory_space<vmem>> -> memref<128xi32, #tpu.memory_space<vmem>>
        %dma_wait3A_496 = arith.constant 0 : i32
        %dma_wait3A_497 = arith.constant 0 : i32
        %dma_wait3A_498 = tpu.memref_slice %arg3[%dma_wait3A_496, %dma_wait3A_497] : memref<1000000x64xf32, #tpu.memory_space<hbm>> -> memref<1000000x64xf32, #tpu.memory_space<hbm>>
        tpu.wait_indirect_dma semaphore(%arg19 : memref<!tpu.dma_semaphore, #tpu.memory_space<semaphore_mem>>) src(%dma_wait3A_498 : memref<1000000x64xf32, #tpu.memory_space<hbm>>) dst(%dma_wait3A_492 : memref<128x64xf32, #tpu.memory_space<vmem>>)
        %add3A_499 = arith.constant 4 : i32
        %add3A_500 = arith.addi %add3A_446, %add3A_499 : i32
        %dma_wait3A_501 = arith.constant 9 : i32
        %dma_wait3A_502 = arith.constant 0 : i32
        %dma_wait3A_503 = arith.constant 0 : i32
        %dma_wait3A_504 = tpu.memref_slice %arg6[%dma_wait3A_501, %dma_wait3A_502, %dma_wait3A_503] : memref<10x128x64xf32, #tpu.memory_space<vmem>> -> memref<1x128x64xf32, #tpu.memory_space<vmem>>
        %dma_wait3A_505 = tpu.memref_squeeze %dma_wait3A_504 : memref<1x128x64xf32, #tpu.memory_space<vmem>> -> memref<128x64xf32, #tpu.memory_space<vmem>>
        %dma_wait3A_506 = arith.constant 0 : i32
        %dma_wait3A_507 = tpu.memref_slice %arg5[%add3A_500, %dma_wait3A_506] : memref<200x128xi32, #tpu.memory_space<vmem>> -> memref<1x128xi32, #tpu.memory_space<vmem>>
        %dma_wait3A_508 = tpu.memref_squeeze %dma_wait3A_507 : memref<1x128xi32, #tpu.memory_space<vmem>> -> memref<128xi32, #tpu.memory_space<vmem>>
        %dma_wait3A_509 = arith.constant 0 : i32
        %dma_wait3A_510 = arith.constant 0 : i32
        %dma_wait3A_511 = tpu.memref_slice %arg3[%dma_wait3A_509, %dma_wait3A_510] : memref<1000000x64xf32, #tpu.memory_space<hbm>> -> memref<1000000x64xf32, #tpu.memory_space<hbm>>
        tpu.wait_indirect_dma semaphore(%arg20 : memref<!tpu.dma_semaphore, #tpu.memory_space<semaphore_mem>>) src(%dma_wait3A_511 : memref<1000000x64xf32, #tpu.memory_space<hbm>>) dst(%dma_wait3A_505 : memref<128x64xf32, #tpu.memory_space<vmem>>)
        %scan3A_512 = arith.constant 0 : i32
        %scan3A_513 = arith.constant 0 : i32
        %scan3A_514 = arith.constant 32 : i32
        %scan3A_515 = arith.addi %scan3A_513, %scan3A_514 : i32
        %scan3A_516 = arith.constant 1 : i32
        %scan3A_517 = scf.for %scan3A_565 = %scan3A_513 to %scan3A_515 step %scan3A_516 iter_args(%scan3A_566 = %scan3A_512) -> (i32)  : i32 {
          %mul3A_567 = arith.constant 4 : i32
          %mul3A_568 = arith.muli %scan3A_565, %mul3A_567 : i32
          %add3A_569 = arith.constant 0 : i32
          %add3A_570 = arith.addi %mul3A_568, %add3A_569 : i32
          %get3A_571 = arith.index_cast %add3A_570 : i32 to index
          %get3A_572 = arith.constant 0 : index
          %get3A_573 = tpu.vector_load %arg7[%get3A_571, %get3A_572] {strides = array<i32>} : memref<128x64xf32, #tpu.memory_space<vmem>>, vector<16xf32>,
          %add3A_574 = arith.constant 0 : i32
          %add3A_575 = arith.addi %mul3A_568, %add3A_574 : i32
          %get3A_576 = arith.index_cast %add3A_575 : i32 to index
          %get3A_577 = arith.constant 16 : index
          %get3A_578 = tpu.vector_load %arg7[%get3A_576, %get3A_577] {strides = array<i32>} : memref<128x64xf32, #tpu.memory_space<vmem>>, vector<16xf32>,
          %add3A_579 = arith.constant 0 : i32
          %add3A_580 = arith.addi %mul3A_568, %add3A_579 : i32
          %get3A_581 = arith.index_cast %add3A_580 : i32 to index
          %get3A_582 = arith.constant 32 : index
          %get3A_583 = tpu.vector_load %arg7[%get3A_581, %get3A_582] {strides = array<i32>} : memref<128x64xf32, #tpu.memory_space<vmem>>, vector<16xf32>,
          %add3A_584 = arith.constant 0 : i32
          %add3A_585 = arith.addi %mul3A_568, %add3A_584 : i32
          %get3A_586 = arith.index_cast %add3A_585 : i32 to index
          %get3A_587 = arith.constant 48 : index
          %get3A_588 = tpu.vector_load %arg7[%get3A_586, %get3A_587] {strides = array<i32>} : memref<128x64xf32, #tpu.memory_space<vmem>>, vector<16xf32>,
          %add3A_589 = arith.constant 1 : i32
          %add3A_590 = arith.addi %mul3A_568, %add3A_589 : i32
          %get3A_591 = arith.index_cast %add3A_590 : i32 to index
          %get3A_592 = arith.constant 0 : index
          %get3A_593 = tpu.vector_load %arg7[%get3A_591, %get3A_592] {strides = array<i32>} : memref<128x64xf32, #tpu.memory_space<vmem>>, vector<16xf32>,
          %add3A_594 = arith.constant 1 : i32
          %add3A_595 = arith.addi %mul3A_568, %add3A_594 : i32
          %get3A_596 = arith.index_cast %add3A_595 : i32 to index
          %get3A_597 = arith.constant 16 : index
          %get3A_598 = tpu.vector_load %arg7[%get3A_596, %get3A_597] {strides = array<i32>} : memref<128x64xf32, #tpu.memory_space<vmem>>, vector<16xf32>,
          %add3A_599 = arith.constant 1 : i32
          %add3A_600 = arith.addi %mul3A_568, %add3A_599 : i32
          %get3A_601 = arith.index_cast %add3A_600 : i32 to index
          %get3A_602 = arith.constant 32 : index
          %get3A_603 = tpu.vector_load %arg7[%get3A_601, %get3A_602] {strides = array<i32>} : memref<128x64xf32, #tpu.memory_space<vmem>>, vector<16xf32>,
          %add3A_604 = arith.constant 1 : i32
          %add3A_605 = arith.addi %mul3A_568, %add3A_604 : i32
          %get3A_606 = arith.index_cast %add3A_605 : i32 to index
          %get3A_607 = arith.constant 48 : index
          %get3A_608 = tpu.vector_load %arg7[%get3A_606, %get3A_607] {strides = array<i32>} : memref<128x64xf32, #tpu.memory_space<vmem>>, vector<16xf32>,
          %add3A_609 = arith.constant 2 : i32
          %add3A_610 = arith.addi %mul3A_568, %add3A_609 : i32
          %get3A_611 = arith.index_cast %add3A_610 : i32 to index
          %get3A_612 = arith.constant 0 : index
          %get3A_613 = tpu.vector_load %arg7[%get3A_611, %get3A_612] {strides = array<i32>} : memref<128x64xf32, #tpu.memory_space<vmem>>, vector<16xf32>,
          %add3A_614 = arith.constant 2 : i32
          %add3A_615 = arith.addi %mul3A_568, %add3A_614 : i32
          %get3A_616 = arith.index_cast %add3A_615 : i32 to index
          %get3A_617 = arith.constant 16 : index
          %get3A_618 = tpu.vector_load %arg7[%get3A_616, %get3A_617] {strides = array<i32>} : memref<128x64xf32, #tpu.memory_space<vmem>>, vector<16xf32>,
          %add3A_619 = arith.constant 2 : i32
          %add3A_620 = arith.addi %mul3A_568, %add3A_619 : i32
          %get3A_621 = arith.index_cast %add3A_620 : i32 to index
          %get3A_622 = arith.constant 32 : index
          %get3A_623 = tpu.vector_load %arg7[%get3A_621, %get3A_622] {strides = array<i32>} : memref<128x64xf32, #tpu.memory_space<vmem>>, vector<16xf32>,
          %add3A_624 = arith.constant 2 : i32
          %add3A_625 = arith.addi %mul3A_568, %add3A_624 : i32
          %get3A_626 = arith.index_cast %add3A_625 : i32 to index
          %get3A_627 = arith.constant 48 : index
          %get3A_628 = tpu.vector_load %arg7[%get3A_626, %get3A_627] {strides = array<i32>} : memref<128x64xf32, #tpu.memory_space<vmem>>, vector<16xf32>,
          %add3A_629 = arith.constant 3 : i32
          %add3A_630 = arith.addi %mul3A_568, %add3A_629 : i32
          %get3A_631 = arith.index_cast %add3A_630 : i32 to index
          %get3A_632 = arith.constant 0 : index
          %get3A_633 = tpu.vector_load %arg7[%get3A_631, %get3A_632] {strides = array<i32>} : memref<128x64xf32, #tpu.memory_space<vmem>>, vector<16xf32>,
          %add3A_634 = arith.constant 3 : i32
          %add3A_635 = arith.addi %mul3A_568, %add3A_634 : i32
          %get3A_636 = arith.index_cast %add3A_635 : i32 to index
          %get3A_637 = arith.constant 16 : index
          %get3A_638 = tpu.vector_load %arg7[%get3A_636, %get3A_637] {strides = array<i32>} : memref<128x64xf32, #tpu.memory_space<vmem>>, vector<16xf32>,
          %add3A_639 = arith.constant 3 : i32
          %add3A_640 = arith.addi %mul3A_568, %add3A_639 : i32
          %get3A_641 = arith.index_cast %add3A_640 : i32 to index
          %get3A_642 = arith.constant 32 : index
          %get3A_643 = tpu.vector_load %arg7[%get3A_641, %get3A_642] {strides = array<i32>} : memref<128x64xf32, #tpu.memory_space<vmem>>, vector<16xf32>,
          %add3A_644 = arith.constant 3 : i32
          %add3A_645 = arith.addi %mul3A_568, %add3A_644 : i32
          %get3A_646 = arith.index_cast %add3A_645 : i32 to index
          %get3A_647 = arith.constant 48 : index
          %get3A_648 = tpu.vector_load %arg7[%get3A_646, %get3A_647] {strides = array<i32>} : memref<128x64xf32, #tpu.memory_space<vmem>>, vector<16xf32>,
          %add3A_649 = arith.constant 0 : i32
          %add3A_650 = arith.addi %mul3A_568, %add3A_649 : i32
          %get3A_651 = arith.constant 5 : i32
          %get3A_652 = arith.index_cast %get3A_651 : i32 to index
          %get3A_653 = arith.index_cast %add3A_650 : i32 to index
          %get3A_654 = arith.constant 0 : index
          %get3A_655 = tpu.vector_load %arg6[%get3A_652, %get3A_653, %get3A_654] {strides = array<i32>} : memref<10x128x64xf32, #tpu.memory_space<vmem>>, vector<16xf32>,
          %add3A_656 = arith.addf %get3A_573, %get3A_655 : vector<16xf32>
          %add3A_657 = arith.constant 0 : i32
          %add3A_658 = arith.addi %mul3A_568, %add3A_657 : i32
          %get3A_659 = arith.constant 5 : i32
          %get3A_660 = arith.index_cast %get3A_659 : i32 to index
          %get3A_661 = arith.index_cast %add3A_658 : i32 to index
          %get3A_662 = arith.constant 16 : index
          %get3A_663 = tpu.vector_load %arg6[%get3A_660, %get3A_661, %get3A_662] {strides = array<i32>} : memref<10x128x64xf32, #tpu.memory_space<vmem>>, vector<16xf32>,
          %add3A_664 = arith.addf %get3A_578, %get3A_663 : vector<16xf32>
          %add3A_665 = arith.constant 0 : i32
          %add3A_666 = arith.addi %mul3A_568, %add3A_665 : i32
          %get3A_667 = arith.constant 5 : i32
          %get3A_668 = arith.index_cast %get3A_667 : i32 to index
          %get3A_669 = arith.index_cast %add3A_666 : i32 to index
          %get3A_670 = arith.constant 32 : index
          %get3A_671 = tpu.vector_load %arg6[%get3A_668, %get3A_669, %get3A_670] {strides = array<i32>} : memref<10x128x64xf32, #tpu.memory_space<vmem>>, vector<16xf32>,
          %add3A_672 = arith.addf %get3A_583, %get3A_671 : vector<16xf32>
          %add3A_673 = arith.constant 0 : i32
          %add3A_674 = arith.addi %mul3A_568, %add3A_673 : i32
          %get3A_675 = arith.constant 5 : i32
          %get3A_676 = arith.index_cast %get3A_675 : i32 to index
          %get3A_677 = arith.index_cast %add3A_674 : i32 to index
          %get3A_678 = arith.constant 48 : index
          %get3A_679 = tpu.vector_load %arg6[%get3A_676, %get3A_677, %get3A_678] {strides = array<i32>} : memref<10x128x64xf32, #tpu.memory_space<vmem>>, vector<16xf32>,
          %add3A_680 = arith.addf %get3A_588, %get3A_679 : vector<16xf32>
          %add3A_681 = arith.constant 1 : i32
          %add3A_682 = arith.addi %mul3A_568, %add3A_681 : i32
          %get3A_683 = arith.constant 5 : i32
          %get3A_684 = arith.index_cast %get3A_683 : i32 to index
          %get3A_685 = arith.index_cast %add3A_682 : i32 to index
          %get3A_686 = arith.constant 0 : index
          %get3A_687 = tpu.vector_load %arg6[%get3A_684, %get3A_685, %get3A_686] {strides = array<i32>} : memref<10x128x64xf32, #tpu.memory_space<vmem>>, vector<16xf32>,
          %add3A_688 = arith.addf %get3A_593, %get3A_687 : vector<16xf32>
          %add3A_689 = arith.constant 1 : i32
          %add3A_690 = arith.addi %mul3A_568, %add3A_689 : i32
          %get3A_691 = arith.constant 5 : i32
          %get3A_692 = arith.index_cast %get3A_691 : i32 to index
          %get3A_693 = arith.index_cast %add3A_690 : i32 to index
          %get3A_694 = arith.constant 16 : index
          %get3A_695 = tpu.vector_load %arg6[%get3A_692, %get3A_693, %get3A_694] {strides = array<i32>} : memref<10x128x64xf32, #tpu.memory_space<vmem>>, vector<16xf32>,
          %add3A_696 = arith.addf %get3A_598, %get3A_695 : vector<16xf32>
          %add3A_697 = arith.constant 1 : i32
          %add3A_698 = arith.addi %mul3A_568, %add3A_697 : i32
          %get3A_699 = arith.constant 5 : i32
          %get3A_700 = arith.index_cast %get3A_699 : i32 to index
          %get3A_701 = arith.index_cast %add3A_698 : i32 to index
          %get3A_702 = arith.constant 32 : index
          %get3A_703 = tpu.vector_load %arg6[%get3A_700, %get3A_701, %get3A_702] {strides = array<i32>} : memref<10x128x64xf32, #tpu.memory_space<vmem>>, vector<16xf32>,
          %add3A_704 = arith.addf %get3A_603, %get3A_703 : vector<16xf32>
          %add3A_705 = arith.constant 1 : i32
          %add3A_706 = arith.addi %mul3A_568, %add3A_705 : i32
          %get3A_707 = arith.constant 5 : i32
          %get3A_708 = arith.index_cast %get3A_707 : i32 to index
          %get3A_709 = arith.index_cast %add3A_706 : i32 to index
          %get3A_710 = arith.constant 48 : index
          %get3A_711 = tpu.vector_load %arg6[%get3A_708, %get3A_709, %get3A_710] {strides = array<i32>} : memref<10x128x64xf32, #tpu.memory_space<vmem>>, vector<16xf32>,
          %add3A_712 = arith.addf %get3A_608, %get3A_711 : vector<16xf32>
          %add3A_713 = arith.constant 2 : i32
          %add3A_714 = arith.addi %mul3A_568, %add3A_713 : i32
          %get3A_715 = arith.constant 5 : i32
          %get3A_716 = arith.index_cast %get3A_715 : i32 to index
          %get3A_717 = arith.index_cast %add3A_714 : i32 to index
          %get3A_718 = arith.constant 0 : index
          %get3A_719 = tpu.vector_load %arg6[%get3A_716, %get3A_717, %get3A_718] {strides = array<i32>} : memref<10x128x64xf32, #tpu.memory_space<vmem>>, vector<16xf32>,
          %add3A_720 = arith.addf %get3A_613, %get3A_719 : vector<16xf32>
          %add3A_721 = arith.constant 2 : i32
          %add3A_722 = arith.addi %mul3A_568, %add3A_721 : i32
          %get3A_723 = arith.constant 5 : i32
          %get3A_724 = arith.index_cast %get3A_723 : i32 to index
          %get3A_725 = arith.index_cast %add3A_722 : i32 to index
          %get3A_726 = arith.constant 16 : index
          %get3A_727 = tpu.vector_load %arg6[%get3A_724, %get3A_725, %get3A_726] {strides = array<i32>} : memref<10x128x64xf32, #tpu.memory_space<vmem>>, vector<16xf32>,
          %add3A_728 = arith.addf %get3A_618, %get3A_727 : vector<16xf32>
          %add3A_729 = arith.constant 2 : i32
          %add3A_730 = arith.addi %mul3A_568, %add3A_729 : i32
          %get3A_731 = arith.constant 5 : i32
          %get3A_732 = arith.index_cast %get3A_731 : i32 to index
          %get3A_733 = arith.index_cast %add3A_730 : i32 to index
          %get3A_734 = arith.constant 32 : index
          %get3A_735 = tpu.vector_load %arg6[%get3A_732, %get3A_733, %get3A_734] {strides = array<i32>} : memref<10x128x64xf32, #tpu.memory_space<vmem>>, vector<16xf32>,
          %add3A_736 = arith.addf %get3A_623, %get3A_735 : vector<16xf32>
          %add3A_737 = arith.constant 2 : i32
          %add3A_738 = arith.addi %mul3A_568, %add3A_737 : i32
          %get3A_739 = arith.constant 5 : i32
          %get3A_740 = arith.index_cast %get3A_739 : i32 to index
          %get3A_741 = arith.index_cast %add3A_738 : i32 to index
          %get3A_742 = arith.constant 48 : index
          %get3A_743 = tpu.vector_load %arg6[%get3A_740, %get3A_741, %get3A_742] {strides = array<i32>} : memref<10x128x64xf32, #tpu.memory_space<vmem>>, vector<16xf32>,
          %add3A_744 = arith.addf %get3A_628, %get3A_743 : vector<16xf32>
          %add3A_745 = arith.constant 3 : i32
          %add3A_746 = arith.addi %mul3A_568, %add3A_745 : i32
          %get3A_747 = arith.constant 5 : i32
          %get3A_748 = arith.index_cast %get3A_747 : i32 to index
          %get3A_749 = arith.index_cast %add3A_746 : i32 to index
          %get3A_750 = arith.constant 0 : index
          %get3A_751 = tpu.vector_load %arg6[%get3A_748, %get3A_749, %get3A_750] {strides = array<i32>} : memref<10x128x64xf32, #tpu.memory_space<vmem>>, vector<16xf32>,
          %add3A_752 = arith.addf %get3A_633, %get3A_751 : vector<16xf32>
          %add3A_753 = arith.constant 3 : i32
          %add3A_754 = arith.addi %mul3A_568, %add3A_753 : i32
          %get3A_755 = arith.constant 5 : i32
          %get3A_756 = arith.index_cast %get3A_755 : i32 to index
          %get3A_757 = arith.index_cast %add3A_754 : i32 to index
          %get3A_758 = arith.constant 16 : index
          %get3A_759 = tpu.vector_load %arg6[%get3A_756, %get3A_757, %get3A_758] {strides = array<i32>} : memref<10x128x64xf32, #tpu.memory_space<vmem>>, vector<16xf32>,
          %add3A_760 = arith.addf %get3A_638, %get3A_759 : vector<16xf32>
          %add3A_761 = arith.constant 3 : i32
          %add3A_762 = arith.addi %mul3A_568, %add3A_761 : i32
          %get3A_763 = arith.constant 5 : i32
          %get3A_764 = arith.index_cast %get3A_763 : i32 to index
          %get3A_765 = arith.index_cast %add3A_762 : i32 to index
          %get3A_766 = arith.constant 32 : index
          %get3A_767 = tpu.vector_load %arg6[%get3A_764, %get3A_765, %get3A_766] {strides = array<i32>} : memref<10x128x64xf32, #tpu.memory_space<vmem>>, vector<16xf32>,
          %add3A_768 = arith.addf %get3A_643, %get3A_767 : vector<16xf32>
          %add3A_769 = arith.constant 3 : i32
          %add3A_770 = arith.addi %mul3A_568, %add3A_769 : i32
          %get3A_771 = arith.constant 5 : i32
          %get3A_772 = arith.index_cast %get3A_771 : i32 to index
          %get3A_773 = arith.index_cast %add3A_770 : i32 to index
          %get3A_774 = arith.constant 48 : index
          %get3A_775 = tpu.vector_load %arg6[%get3A_772, %get3A_773, %get3A_774] {strides = array<i32>} : memref<10x128x64xf32, #tpu.memory_space<vmem>>, vector<16xf32>,
          %add3A_776 = arith.addf %get3A_648, %get3A_775 : vector<16xf32>
          %add3A_777 = arith.constant 0 : i32
          %add3A_778 = arith.addi %mul3A_568, %add3A_777 : i32
          %get3A_779 = arith.constant 6 : i32
          %get3A_780 = arith.index_cast %get3A_779 : i32 to index
          %get3A_781 = arith.index_cast %add3A_778 : i32 to index
          %get3A_782 = arith.constant 0 : index
          %get3A_783 = tpu.vector_load %arg6[%get3A_780, %get3A_781, %get3A_782] {strides = array<i32>} : memref<10x128x64xf32, #tpu.memory_space<vmem>>, vector<16xf32>,
          %add3A_784 = arith.addf %add3A_656, %get3A_783 : vector<16xf32>
          %add3A_785 = arith.constant 0 : i32
          %add3A_786 = arith.addi %mul3A_568, %add3A_785 : i32
          %get3A_787 = arith.constant 6 : i32
          %get3A_788 = arith.index_cast %get3A_787 : i32 to index
          %get3A_789 = arith.index_cast %add3A_786 : i32 to index
          %get3A_790 = arith.constant 16 : index
          %get3A_791 = tpu.vector_load %arg6[%get3A_788, %get3A_789, %get3A_790] {strides = array<i32>} : memref<10x128x64xf32, #tpu.memory_space<vmem>>, vector<16xf32>,
          %add3A_792 = arith.addf %add3A_664, %get3A_791 : vector<16xf32>
          %add3A_793 = arith.constant 0 : i32
          %add3A_794 = arith.addi %mul3A_568, %add3A_793 : i32
          %get3A_795 = arith.constant 6 : i32
          %get3A_796 = arith.index_cast %get3A_795 : i32 to index
          %get3A_797 = arith.index_cast %add3A_794 : i32 to index
          %get3A_798 = arith.constant 32 : index
          %get3A_799 = tpu.vector_load %arg6[%get3A_796, %get3A_797, %get3A_798] {strides = array<i32>} : memref<10x128x64xf32, #tpu.memory_space<vmem>>, vector<16xf32>,
          %add3A_800 = arith.addf %add3A_672, %get3A_799 : vector<16xf32>
          %add3A_801 = arith.constant 0 : i32
          %add3A_802 = arith.addi %mul3A_568, %add3A_801 : i32
          %get3A_803 = arith.constant 6 : i32
          %get3A_804 = arith.index_cast %get3A_803 : i32 to index
          %get3A_805 = arith.index_cast %add3A_802 : i32 to index
          %get3A_806 = arith.constant 48 : index
          %get3A_807 = tpu.vector_load %arg6[%get3A_804, %get3A_805, %get3A_806] {strides = array<i32>} : memref<10x128x64xf32, #tpu.memory_space<vmem>>, vector<16xf32>,
          %add3A_808 = arith.addf %add3A_680, %get3A_807 : vector<16xf32>
          %add3A_809 = arith.constant 1 : i32
          %add3A_810 = arith.addi %mul3A_568, %add3A_809 : i32
          %get3A_811 = arith.constant 6 : i32
          %get3A_812 = arith.index_cast %get3A_811 : i32 to index
          %get3A_813 = arith.index_cast %add3A_810 : i32 to index
          %get3A_814 = arith.constant 0 : index
          %get3A_815 = tpu.vector_load %arg6[%get3A_812, %get3A_813, %get3A_814] {strides = array<i32>} : memref<10x128x64xf32, #tpu.memory_space<vmem>>, vector<16xf32>,
          %add3A_816 = arith.addf %add3A_688, %get3A_815 : vector<16xf32>
          %add3A_817 = arith.constant 1 : i32
          %add3A_818 = arith.addi %mul3A_568, %add3A_817 : i32
          %get3A_819 = arith.constant 6 : i32
          %get3A_820 = arith.index_cast %get3A_819 : i32 to index
          %get3A_821 = arith.index_cast %add3A_818 : i32 to index
          %get3A_822 = arith.constant 16 : index
          %get3A_823 = tpu.vector_load %arg6[%get3A_820, %get3A_821, %get3A_822] {strides = array<i32>} : memref<10x128x64xf32, #tpu.memory_space<vmem>>, vector<16xf32>,
          %add3A_824 = arith.addf %add3A_696, %get3A_823 : vector<16xf32>
          %add3A_825 = arith.constant 1 : i32
          %add3A_826 = arith.addi %mul3A_568, %add3A_825 : i32
          %get3A_827 = arith.constant 6 : i32
          %get3A_828 = arith.index_cast %get3A_827 : i32 to index
          %get3A_829 = arith.index_cast %add3A_826 : i32 to index
          %get3A_830 = arith.constant 32 : index
          %get3A_831 = tpu.vector_load %arg6[%get3A_828, %get3A_829, %get3A_830] {strides = array<i32>} : memref<10x128x64xf32, #tpu.memory_space<vmem>>, vector<16xf32>,
          %add3A_832 = arith.addf %add3A_704, %get3A_831 : vector<16xf32>
          %add3A_833 = arith.constant 1 : i32
          %add3A_834 = arith.addi %mul3A_568, %add3A_833 : i32
          %get3A_835 = arith.constant 6 : i32
          %get3A_836 = arith.index_cast %get3A_835 : i32 to index
          %get3A_837 = arith.index_cast %add3A_834 : i32 to index
          %get3A_838 = arith.constant 48 : index
          %get3A_839 = tpu.vector_load %arg6[%get3A_836, %get3A_837, %get3A_838] {strides = array<i32>} : memref<10x128x64xf32, #tpu.memory_space<vmem>>, vector<16xf32>,
          %add3A_840 = arith.addf %add3A_712, %get3A_839 : vector<16xf32>
          %add3A_841 = arith.constant 2 : i32
          %add3A_842 = arith.addi %mul3A_568, %add3A_841 : i32
          %get3A_843 = arith.constant 6 : i32
          %get3A_844 = arith.index_cast %get3A_843 : i32 to index
          %get3A_845 = arith.index_cast %add3A_842 : i32 to index
          %get3A_846 = arith.constant 0 : index
          %get3A_847 = tpu.vector_load %arg6[%get3A_844, %get3A_845, %get3A_846] {strides = array<i32>} : memref<10x128x64xf32, #tpu.memory_space<vmem>>, vector<16xf32>,
          %add3A_848 = arith.addf %add3A_720, %get3A_847 : vector<16xf32>
          %add3A_849 = arith.constant 2 : i32
          %add3A_850 = arith.addi %mul3A_568, %add3A_849 : i32
          %get3A_851 = arith.constant 6 : i32
          %get3A_852 = arith.index_cast %get3A_851 : i32 to index
          %get3A_853 = arith.index_cast %add3A_850 : i32 to index
          %get3A_854 = arith.constant 16 : index
          %get3A_855 = tpu.vector_load %arg6[%get3A_852, %get3A_853, %get3A_854] {strides = array<i32>} : memref<10x128x64xf32, #tpu.memory_space<vmem>>, vector<16xf32>,
          %add3A_856 = arith.addf %add3A_728, %get3A_855 : vector<16xf32>
          %add3A_857 = arith.constant 2 : i32
          %add3A_858 = arith.addi %mul3A_568, %add3A_857 : i32
          %get3A_859 = arith.constant 6 : i32
          %get3A_860 = arith.index_cast %get3A_859 : i32 to index
          %get3A_861 = arith.index_cast %add3A_858 : i32 to index
          %get3A_862 = arith.constant 32 : index
          %get3A_863 = tpu.vector_load %arg6[%get3A_860, %get3A_861, %get3A_862] {strides = array<i32>} : memref<10x128x64xf32, #tpu.memory_space<vmem>>, vector<16xf32>,
          %add3A_864 = arith.addf %add3A_736, %get3A_863 : vector<16xf32>
          %add3A_865 = arith.constant 2 : i32
          %add3A_866 = arith.addi %mul3A_568, %add3A_865 : i32
          %get3A_867 = arith.constant 6 : i32
          %get3A_868 = arith.index_cast %get3A_867 : i32 to index
          %get3A_869 = arith.index_cast %add3A_866 : i32 to index
          %get3A_870 = arith.constant 48 : index
          %get3A_871 = tpu.vector_load %arg6[%get3A_868, %get3A_869, %get3A_870] {strides = array<i32>} : memref<10x128x64xf32, #tpu.memory_space<vmem>>, vector<16xf32>,
          %add3A_872 = arith.addf %add3A_744, %get3A_871 : vector<16xf32>
          %add3A_873 = arith.constant 3 : i32
          %add3A_874 = arith.addi %mul3A_568, %add3A_873 : i32
          %get3A_875 = arith.constant 6 : i32
          %get3A_876 = arith.index_cast %get3A_875 : i32 to index
          %get3A_877 = arith.index_cast %add3A_874 : i32 to index
          %get3A_878 = arith.constant 0 : index
          %get3A_879 = tpu.vector_load %arg6[%get3A_876, %get3A_877, %get3A_878] {strides = array<i32>} : memref<10x128x64xf32, #tpu.memory_space<vmem>>, vector<16xf32>,
          %add3A_880 = arith.addf %add3A_752, %get3A_879 : vector<16xf32>
          %add3A_881 = arith.constant 3 : i32
          %add3A_882 = arith.addi %mul3A_568, %add3A_881 : i32
          %get3A_883 = arith.constant 6 : i32
          %get3A_884 = arith.index_cast %get3A_883 : i32 to index
          %get3A_885 = arith.index_cast %add3A_882 : i32 to index
          %get3A_886 = arith.constant 16 : index
          %get3A_887 = tpu.vector_load %arg6[%get3A_884, %get3A_885, %get3A_886] {strides = array<i32>} : memref<10x128x64xf32, #tpu.memory_space<vmem>>, vector<16xf32>,
          %add3A_888 = arith.addf %add3A_760, %get3A_887 : vector<16xf32>
          %add3A_889 = arith.constant 3 : i32
          %add3A_890 = arith.addi %mul3A_568, %add3A_889 : i32
          %get3A_891 = arith.constant 6 : i32
          %get3A_892 = arith.index_cast %get3A_891 : i32 to index
          %get3A_893 = arith.index_cast %add3A_890 : i32 to index
          %get3A_894 = arith.constant 32 : index
          %get3A_895 = tpu.vector_load %arg6[%get3A_892, %get3A_893, %get3A_894] {strides = array<i32>} : memref<10x128x64xf32, #tpu.memory_space<vmem>>, vector<16xf32>,
          %add3A_896 = arith.addf %add3A_768, %get3A_895 : vector<16xf32>
          %add3A_897 = arith.constant 3 : i32
          %add3A_898 = arith.addi %mul3A_568, %add3A_897 : i32
          %get3A_899 = arith.constant 6 : i32
          %get3A_900 = arith.index_cast %get3A_899 : i32 to index
          %get3A_901 = arith.index_cast %add3A_898 : i32 to index
          %get3A_902 = arith.constant 48 : index
          %get3A_903 = tpu.vector_load %arg6[%get3A_900, %get3A_901, %get3A_902] {strides = array<i32>} : memref<10x128x64xf32, #tpu.memory_space<vmem>>, vector<16xf32>,
          %add3A_904 = arith.addf %add3A_776, %get3A_903 : vector<16xf32>
          %add3A_905 = arith.constant 0 : i32
          %add3A_906 = arith.addi %mul3A_568, %add3A_905 : i32
          %get3A_907 = arith.constant 7 : i32
          %get3A_908 = arith.index_cast %get3A_907 : i32 to index
          %get3A_909 = arith.index_cast %add3A_906 : i32 to index
          %get3A_910 = arith.constant 0 : index
          %get3A_911 = tpu.vector_load %arg6[%get3A_908, %get3A_909, %get3A_910] {strides = array<i32>} : memref<10x128x64xf32, #tpu.memory_space<vmem>>, vector<16xf32>,
          %add3A_912 = arith.addf %add3A_784, %get3A_911 : vector<16xf32>
          %add3A_913 = arith.constant 0 : i32
          %add3A_914 = arith.addi %mul3A_568, %add3A_913 : i32
          %get3A_915 = arith.constant 7 : i32
          %get3A_916 = arith.index_cast %get3A_915 : i32 to index
          %get3A_917 = arith.index_cast %add3A_914 : i32 to index
          %get3A_918 = arith.constant 16 : index
          %get3A_919 = tpu.vector_load %arg6[%get3A_916, %get3A_917, %get3A_918] {strides = array<i32>} : memref<10x128x64xf32, #tpu.memory_space<vmem>>, vector<16xf32>,
          %add3A_920 = arith.addf %add3A_792, %get3A_919 : vector<16xf32>
          %add3A_921 = arith.constant 0 : i32
          %add3A_922 = arith.addi %mul3A_568, %add3A_921 : i32
          %get3A_923 = arith.constant 7 : i32
          %get3A_924 = arith.index_cast %get3A_923 : i32 to index
          %get3A_925 = arith.index_cast %add3A_922 : i32 to index
          %get3A_926 = arith.constant 32 : index
          %get3A_927 = tpu.vector_load %arg6[%get3A_924, %get3A_925, %get3A_926] {strides = array<i32>} : memref<10x128x64xf32, #tpu.memory_space<vmem>>, vector<16xf32>,
          %add3A_928 = arith.addf %add3A_800, %get3A_927 : vector<16xf32>
          %add3A_929 = arith.constant 0 : i32
          %add3A_930 = arith.addi %mul3A_568, %add3A_929 : i32
          %get3A_931 = arith.constant 7 : i32
          %get3A_932 = arith.index_cast %get3A_931 : i32 to index
          %get3A_933 = arith.index_cast %add3A_930 : i32 to index
          %get3A_934 = arith.constant 48 : index
          %get3A_935 = tpu.vector_load %arg6[%get3A_932, %get3A_933, %get3A_934] {strides = array<i32>} : memref<10x128x64xf32, #tpu.memory_space<vmem>>, vector<16xf32>,
          %add3A_936 = arith.addf %add3A_808, %get3A_935 : vector<16xf32>
          %add3A_937 = arith.constant 1 : i32
          %add3A_938 = arith.addi %mul3A_568, %add3A_937 : i32
          %get3A_939 = arith.constant 7 : i32
          %get3A_940 = arith.index_cast %get3A_939 : i32 to index
          %get3A_941 = arith.index_cast %add3A_938 : i32 to index
          %get3A_942 = arith.constant 0 : index
          %get3A_943 = tpu.vector_load %arg6[%get3A_940, %get3A_941, %get3A_942] {strides = array<i32>} : memref<10x128x64xf32, #tpu.memory_space<vmem>>, vector<16xf32>,
          %add3A_944 = arith.addf %add3A_816, %get3A_943 : vector<16xf32>
          %add3A_945 = arith.constant 1 : i32
          %add3A_946 = arith.addi %mul3A_568, %add3A_945 : i32
          %get3A_947 = arith.constant 7 : i32
          %get3A_948 = arith.index_cast %get3A_947 : i32 to index
          %get3A_949 = arith.index_cast %add3A_946 : i32 to index
          %get3A_950 = arith.constant 16 : index
          %get3A_951 = tpu.vector_load %arg6[%get3A_948, %get3A_949, %get3A_950] {strides = array<i32>} : memref<10x128x64xf32, #tpu.memory_space<vmem>>, vector<16xf32>,
          %add3A_952 = arith.addf %add3A_824, %get3A_951 : vector<16xf32>
          %add3A_953 = arith.constant 1 : i32
          %add3A_954 = arith.addi %mul3A_568, %add3A_953 : i32
          %get3A_955 = arith.constant 7 : i32
          %get3A_956 = arith.index_cast %get3A_955 : i32 to index
          %get3A_957 = arith.index_cast %add3A_954 : i32 to index
          %get3A_958 = arith.constant 32 : index
          %get3A_959 = tpu.vector_load %arg6[%get3A_956, %get3A_957, %get3A_958] {strides = array<i32>} : memref<10x128x64xf32, #tpu.memory_space<vmem>>, vector<16xf32>,
          %add3A_960 = arith.addf %add3A_832, %get3A_959 : vector<16xf32>
          %add3A_961 = arith.constant 1 : i32
          %add3A_962 = arith.addi %mul3A_568, %add3A_961 : i32
          %get3A_963 = arith.constant 7 : i32
          %get3A_964 = arith.index_cast %get3A_963 : i32 to index
          %get3A_965 = arith.index_cast %add3A_962 : i32 to index
          %get3A_966 = arith.constant 48 : index
          %get3A_967 = tpu.vector_load %arg6[%get3A_964, %get3A_965, %get3A_966] {strides = array<i32>} : memref<10x128x64xf32, #tpu.memory_space<vmem>>, vector<16xf32>,
          %add3A_968 = arith.addf %add3A_840, %get3A_967 : vector<16xf32>
          %add3A_969 = arith.constant 2 : i32
          %add3A_970 = arith.addi %mul3A_568, %add3A_969 : i32
          %get3A_971 = arith.constant 7 : i32
          %get3A_972 = arith.index_cast %get3A_971 : i32 to index
          %get3A_973 = arith.index_cast %add3A_970 : i32 to index
          %get3A_974 = arith.constant 0 : index
          %get3A_975 = tpu.vector_load %arg6[%get3A_972, %get3A_973, %get3A_974] {strides = array<i32>} : memref<10x128x64xf32, #tpu.memory_space<vmem>>, vector<16xf32>,
          %add3A_976 = arith.addf %add3A_848, %get3A_975 : vector<16xf32>
          %add3A_977 = arith.constant 2 : i32
          %add3A_978 = arith.addi %mul3A_568, %add3A_977 : i32
          %get3A_979 = arith.constant 7 : i32
          %get3A_980 = arith.index_cast %get3A_979 : i32 to index
          %get3A_981 = arith.index_cast %add3A_978 : i32 to index
          %get3A_982 = arith.constant 16 : index
          %get3A_983 = tpu.vector_load %arg6[%get3A_980, %get3A_981, %get3A_982] {strides = array<i32>} : memref<10x128x64xf32, #tpu.memory_space<vmem>>, vector<16xf32>,
          %add3A_984 = arith.addf %add3A_856, %get3A_983 : vector<16xf32>
          %add3A_985 = arith.constant 2 : i32
          %add3A_986 = arith.addi %mul3A_568, %add3A_985 : i32
          %get3A_987 = arith.constant 7 : i32
          %get3A_988 = arith.index_cast %get3A_987 : i32 to index
          %get3A_989 = arith.index_cast %add3A_986 : i32 to index
          %get3A_990 = arith.constant 32 : index
          %get3A_991 = tpu.vector_load %arg6[%get3A_988, %get3A_989, %get3A_990] {strides = array<i32>} : memref<10x128x64xf32, #tpu.memory_space<vmem>>, vector<16xf32>,
          %add3A_992 = arith.addf %add3A_864, %get3A_991 : vector<16xf32>
          %add3A_993 = arith.constant 2 : i32
          %add3A_994 = arith.addi %mul3A_568, %add3A_993 : i32
          %get3A_995 = arith.constant 7 : i32
          %get3A_996 = arith.index_cast %get3A_995 : i32 to index
          %get3A_997 = arith.index_cast %add3A_994 : i32 to index
          %get3A_998 = arith.constant 48 : index
          %get3A_999 = tpu.vector_load %arg6[%get3A_996, %get3A_997, %get3A_998] {strides = array<i32>} : memref<10x128x64xf32, #tpu.memory_space<vmem>>, vector<16xf32>,
          %add3A_1000 = arith.addf %add3A_872, %get3A_999 : vector<16xf32>
          %add3A_1001 = arith.constant 3 : i32
          %add3A_1002 = arith.addi %mul3A_568, %add3A_1001 : i32
          %get3A_1003 = arith.constant 7 : i32
          %get3A_1004 = arith.index_cast %get3A_1003 : i32 to index
          %get3A_1005 = arith.index_cast %add3A_1002 : i32 to index
          %get3A_1006 = arith.constant 0 : index
          %get3A_1007 = tpu.vector_load %arg6[%get3A_1004, %get3A_1005, %get3A_1006] {strides = array<i32>} : memref<10x128x64xf32, #tpu.memory_space<vmem>>, vector<16xf32>,
          %add3A_1008 = arith.addf %add3A_880, %get3A_1007 : vector<16xf32>
          %add3A_1009 = arith.constant 3 : i32
          %add3A_1010 = arith.addi %mul3A_568, %add3A_1009 : i32
          %get3A_1011 = arith.constant 7 : i32
          %get3A_1012 = arith.index_cast %get3A_1011 : i32 to index
          %get3A_1013 = arith.index_cast %add3A_1010 : i32 to index
          %get3A_1014 = arith.constant 16 : index
          %get3A_1015 = tpu.vector_load %arg6[%get3A_1012, %get3A_1013, %get3A_1014] {strides = array<i32>} : memref<10x128x64xf32, #tpu.memory_space<vmem>>, vector<16xf32>,
          %add3A_1016 = arith.addf %add3A_888, %get3A_1015 : vector<16xf32>
          %add3A_1017 = arith.constant 3 : i32
          %add3A_1018 = arith.addi %mul3A_568, %add3A_1017 : i32
          %get3A_1019 = arith.constant 7 : i32
          %get3A_1020 = arith.index_cast %get3A_1019 : i32 to index
          %get3A_1021 = arith.index_cast %add3A_1018 : i32 to index
          %get3A_1022 = arith.constant 32 : index
          %get3A_1023 = tpu.vector_load %arg6[%get3A_1020, %get3A_1021, %get3A_1022] {strides = array<i32>} : memref<10x128x64xf32, #tpu.memory_space<vmem>>, vector<16xf32>,
          %add3A_1024 = arith.addf %add3A_896, %get3A_1023 : vector<16xf32>
          %add3A_1025 = arith.constant 3 : i32
          %add3A_1026 = arith.addi %mul3A_568, %add3A_1025 : i32
          %get3A_1027 = arith.constant 7 : i32
          %get3A_1028 = arith.index_cast %get3A_1027 : i32 to index
          %get3A_1029 = arith.index_cast %add3A_1026 : i32 to index
          %get3A_1030 = arith.constant 48 : index
          %get3A_1031 = tpu.vector_load %arg6[%get3A_1028, %get3A_1029, %get3A_1030] {strides = array<i32>} : memref<10x128x64xf32, #tpu.memory_space<vmem>>, vector<16xf32>,
          %add3A_1032 = arith.addf %add3A_904, %get3A_1031 : vector<16xf32>
          %add3A_1033 = arith.constant 0 : i32
          %add3A_1034 = arith.addi %mul3A_568, %add3A_1033 : i32
          %get3A_1035 = arith.constant 8 : i32
          %get3A_1036 = arith.index_cast %get3A_1035 : i32 to index
          %get3A_1037 = arith.index_cast %add3A_1034 : i32 to index
          %get3A_1038 = arith.constant 0 : index
          %get3A_1039 = tpu.vector_load %arg6[%get3A_1036, %get3A_1037, %get3A_1038] {strides = array<i32>} : memref<10x128x64xf32, #tpu.memory_space<vmem>>, vector<16xf32>,
          %add3A_1040 = arith.addf %add3A_912, %get3A_1039 : vector<16xf32>
          %add3A_1041 = arith.constant 0 : i32
          %add3A_1042 = arith.addi %mul3A_568, %add3A_1041 : i32
          %get3A_1043 = arith.constant 8 : i32
          %get3A_1044 = arith.index_cast %get3A_1043 : i32 to index
          %get3A_1045 = arith.index_cast %add3A_1042 : i32 to index
          %get3A_1046 = arith.constant 16 : index
          %get3A_1047 = tpu.vector_load %arg6[%get3A_1044, %get3A_1045, %get3A_1046] {strides = array<i32>} : memref<10x128x64xf32, #tpu.memory_space<vmem>>, vector<16xf32>,
          %add3A_1048 = arith.addf %add3A_920, %get3A_1047 : vector<16xf32>
          %add3A_1049 = arith.constant 0 : i32
          %add3A_1050 = arith.addi %mul3A_568, %add3A_1049 : i32
          %get3A_1051 = arith.constant 8 : i32
          %get3A_1052 = arith.index_cast %get3A_1051 : i32 to index
          %get3A_1053 = arith.index_cast %add3A_1050 : i32 to index
          %get3A_1054 = arith.constant 32 : index
          %get3A_1055 = tpu.vector_load %arg6[%get3A_1052, %get3A_1053, %get3A_1054] {strides = array<i32>} : memref<10x128x64xf32, #tpu.memory_space<vmem>>, vector<16xf32>,
          %add3A_1056 = arith.addf %add3A_928, %get3A_1055 : vector<16xf32>
          %add3A_1057 = arith.constant 0 : i32
          %add3A_1058 = arith.addi %mul3A_568, %add3A_1057 : i32
          %get3A_1059 = arith.constant 8 : i32
          %get3A_1060 = arith.index_cast %get3A_1059 : i32 to index
          %get3A_1061 = arith.index_cast %add3A_1058 : i32 to index
          %get3A_1062 = arith.constant 48 : index
          %get3A_1063 = tpu.vector_load %arg6[%get3A_1060, %get3A_1061, %get3A_1062] {strides = array<i32>} : memref<10x128x64xf32, #tpu.memory_space<vmem>>, vector<16xf32>,
          %add3A_1064 = arith.addf %add3A_936, %get3A_1063 : vector<16xf32>
          %add3A_1065 = arith.constant 1 : i32
          %add3A_1066 = arith.addi %mul3A_568, %add3A_1065 : i32
          %get3A_1067 = arith.constant 8 : i32
          %get3A_1068 = arith.index_cast %get3A_1067 : i32 to index
          %get3A_1069 = arith.index_cast %add3A_1066 : i32 to index
          %get3A_1070 = arith.constant 0 : index
          %get3A_1071 = tpu.vector_load %arg6[%get3A_1068, %get3A_1069, %get3A_1070] {strides = array<i32>} : memref<10x128x64xf32, #tpu.memory_space<vmem>>, vector<16xf32>,
          %add3A_1072 = arith.addf %add3A_944, %get3A_1071 : vector<16xf32>
          %add3A_1073 = arith.constant 1 : i32
          %add3A_1074 = arith.addi %mul3A_568, %add3A_1073 : i32
          %get3A_1075 = arith.constant 8 : i32
          %get3A_1076 = arith.index_cast %get3A_1075 : i32 to index
          %get3A_1077 = arith.index_cast %add3A_1074 : i32 to index
          %get3A_1078 = arith.constant 16 : index
          %get3A_1079 = tpu.vector_load %arg6[%get3A_1076, %get3A_1077, %get3A_1078] {strides = array<i32>} : memref<10x128x64xf32, #tpu.memory_space<vmem>>, vector<16xf32>,
          %add3A_1080 = arith.addf %add3A_952, %get3A_1079 : vector<16xf32>
          %add3A_1081 = arith.constant 1 : i32
          %add3A_1082 = arith.addi %mul3A_568, %add3A_1081 : i32
          %get3A_1083 = arith.constant 8 : i32
          %get3A_1084 = arith.index_cast %get3A_1083 : i32 to index
          %get3A_1085 = arith.index_cast %add3A_1082 : i32 to index
          %get3A_1086 = arith.constant 32 : index
          %get3A_1087 = tpu.vector_load %arg6[%get3A_1084, %get3A_1085, %get3A_1086] {strides = array<i32>} : memref<10x128x64xf32, #tpu.memory_space<vmem>>, vector<16xf32>,
          %add3A_1088 = arith.addf %add3A_960, %get3A_1087 : vector<16xf32>
          %add3A_1089 = arith.constant 1 : i32
          %add3A_1090 = arith.addi %mul3A_568, %add3A_1089 : i32
          %get3A_1091 = arith.constant 8 : i32
          %get3A_1092 = arith.index_cast %get3A_1091 : i32 to index
          %get3A_1093 = arith.index_cast %add3A_1090 : i32 to index
          %get3A_1094 = arith.constant 48 : index
          %get3A_1095 = tpu.vector_load %arg6[%get3A_1092, %get3A_1093, %get3A_1094] {strides = array<i32>} : memref<10x128x64xf32, #tpu.memory_space<vmem>>, vector<16xf32>,
          %add3A_1096 = arith.addf %add3A_968, %get3A_1095 : vector<16xf32>
          %add3A_1097 = arith.constant 2 : i32
          %add3A_1098 = arith.addi %mul3A_568, %add3A_1097 : i32
          %get3A_1099 = arith.constant 8 : i32
          %get3A_1100 = arith.index_cast %get3A_1099 : i32 to index
          %get3A_1101 = arith.index_cast %add3A_1098 : i32 to index
          %get3A_1102 = arith.constant 0 : index
          %get3A_1103 = tpu.vector_load %arg6[%get3A_1100, %get3A_1101, %get3A_1102] {strides = array<i32>} : memref<10x128x64xf32, #tpu.memory_space<vmem>>, vector<16xf32>,
          %add3A_1104 = arith.addf %add3A_976, %get3A_1103 : vector<16xf32>
          %add3A_1105 = arith.constant 2 : i32
          %add3A_1106 = arith.addi %mul3A_568, %add3A_1105 : i32
          %get3A_1107 = arith.constant 8 : i32
          %get3A_1108 = arith.index_cast %get3A_1107 : i32 to index
          %get3A_1109 = arith.index_cast %add3A_1106 : i32 to index
          %get3A_1110 = arith.constant 16 : index
          %get3A_1111 = tpu.vector_load %arg6[%get3A_1108, %get3A_1109, %get3A_1110] {strides = array<i32>} : memref<10x128x64xf32, #tpu.memory_space<vmem>>, vector<16xf32>,
          %add3A_1112 = arith.addf %add3A_984, %get3A_1111 : vector<16xf32>
          %add3A_1113 = arith.constant 2 : i32
          %add3A_1114 = arith.addi %mul3A_568, %add3A_1113 : i32
          %get3A_1115 = arith.constant 8 : i32
          %get3A_1116 = arith.index_cast %get3A_1115 : i32 to index
          %get3A_1117 = arith.index_cast %add3A_1114 : i32 to index
          %get3A_1118 = arith.constant 32 : index
          %get3A_1119 = tpu.vector_load %arg6[%get3A_1116, %get3A_1117, %get3A_1118] {strides = array<i32>} : memref<10x128x64xf32, #tpu.memory_space<vmem>>, vector<16xf32>,
          %add3A_1120 = arith.addf %add3A_992, %get3A_1119 : vector<16xf32>
          %add3A_1121 = arith.constant 2 : i32
          %add3A_1122 = arith.addi %mul3A_568, %add3A_1121 : i32
          %get3A_1123 = arith.constant 8 : i32
          %get3A_1124 = arith.index_cast %get3A_1123 : i32 to index
          %get3A_1125 = arith.index_cast %add3A_1122 : i32 to index
          %get3A_1126 = arith.constant 48 : index
          %get3A_1127 = tpu.vector_load %arg6[%get3A_1124, %get3A_1125, %get3A_1126] {strides = array<i32>} : memref<10x128x64xf32, #tpu.memory_space<vmem>>, vector<16xf32>,
          %add3A_1128 = arith.addf %add3A_1000, %get3A_1127 : vector<16xf32>
          %add3A_1129 = arith.constant 3 : i32
          %add3A_1130 = arith.addi %mul3A_568, %add3A_1129 : i32
          %get3A_1131 = arith.constant 8 : i32
          %get3A_1132 = arith.index_cast %get3A_1131 : i32 to index
          %get3A_1133 = arith.index_cast %add3A_1130 : i32 to index
          %get3A_1134 = arith.constant 0 : index
          %get3A_1135 = tpu.vector_load %arg6[%get3A_1132, %get3A_1133, %get3A_1134] {strides = array<i32>} : memref<10x128x64xf32, #tpu.memory_space<vmem>>, vector<16xf32>,
          %add3A_1136 = arith.addf %add3A_1008, %get3A_1135 : vector<16xf32>
          %add3A_1137 = arith.constant 3 : i32
          %add3A_1138 = arith.addi %mul3A_568, %add3A_1137 : i32
          %get3A_1139 = arith.constant 8 : i32
          %get3A_1140 = arith.index_cast %get3A_1139 : i32 to index
          %get3A_1141 = arith.index_cast %add3A_1138 : i32 to index
          %get3A_1142 = arith.constant 16 : index
          %get3A_1143 = tpu.vector_load %arg6[%get3A_1140, %get3A_1141, %get3A_1142] {strides = array<i32>} : memref<10x128x64xf32, #tpu.memory_space<vmem>>, vector<16xf32>,
          %add3A_1144 = arith.addf %add3A_1016, %get3A_1143 : vector<16xf32>
          %add3A_1145 = arith.constant 3 : i32
          %add3A_1146 = arith.addi %mul3A_568, %add3A_1145 : i32
          %get3A_1147 = arith.constant 8 : i32
          %get3A_1148 = arith.index_cast %get3A_1147 : i32 to index
          %get3A_1149 = arith.index_cast %add3A_1146 : i32 to index
          %get3A_1150 = arith.constant 32 : index
          %get3A_1151 = tpu.vector_load %arg6[%get3A_1148, %get3A_1149, %get3A_1150] {strides = array<i32>} : memref<10x128x64xf32, #tpu.memory_space<vmem>>, vector<16xf32>,
          %add3A_1152 = arith.addf %add3A_1024, %get3A_1151 : vector<16xf32>
          %add3A_1153 = arith.constant 3 : i32
          %add3A_1154 = arith.addi %mul3A_568, %add3A_1153 : i32
          %get3A_1155 = arith.constant 8 : i32
          %get3A_1156 = arith.index_cast %get3A_1155 : i32 to index
          %get3A_1157 = arith.index_cast %add3A_1154 : i32 to index
          %get3A_1158 = arith.constant 48 : index
          %get3A_1159 = tpu.vector_load %arg6[%get3A_1156, %get3A_1157, %get3A_1158] {strides = array<i32>} : memref<10x128x64xf32, #tpu.memory_space<vmem>>, vector<16xf32>,
          %add3A_1160 = arith.addf %add3A_1032, %get3A_1159 : vector<16xf32>
          %add3A_1161 = arith.constant 0 : i32
          %add3A_1162 = arith.addi %mul3A_568, %add3A_1161 : i32
          %get3A_1163 = arith.constant 9 : i32
          %get3A_1164 = arith.index_cast %get3A_1163 : i32 to index
          %get3A_1165 = arith.index_cast %add3A_1162 : i32 to index
          %get3A_1166 = arith.constant 0 : index
          %get3A_1167 = tpu.vector_load %arg6[%get3A_1164, %get3A_1165, %get3A_1166] {strides = array<i32>} : memref<10x128x64xf32, #tpu.memory_space<vmem>>, vector<16xf32>,
          %add3A_1168 = arith.addf %add3A_1040, %get3A_1167 : vector<16xf32>
          %add3A_1169 = arith.constant 0 : i32
          %add3A_1170 = arith.addi %mul3A_568, %add3A_1169 : i32
          %get3A_1171 = arith.constant 9 : i32
          %get3A_1172 = arith.index_cast %get3A_1171 : i32 to index
          %get3A_1173 = arith.index_cast %add3A_1170 : i32 to index
          %get3A_1174 = arith.constant 16 : index
          %get3A_1175 = tpu.vector_load %arg6[%get3A_1172, %get3A_1173, %get3A_1174] {strides = array<i32>} : memref<10x128x64xf32, #tpu.memory_space<vmem>>, vector<16xf32>,
          %add3A_1176 = arith.addf %add3A_1048, %get3A_1175 : vector<16xf32>
          %add3A_1177 = arith.constant 0 : i32
          %add3A_1178 = arith.addi %mul3A_568, %add3A_1177 : i32
          %get3A_1179 = arith.constant 9 : i32
          %get3A_1180 = arith.index_cast %get3A_1179 : i32 to index
          %get3A_1181 = arith.index_cast %add3A_1178 : i32 to index
          %get3A_1182 = arith.constant 32 : index
          %get3A_1183 = tpu.vector_load %arg6[%get3A_1180, %get3A_1181, %get3A_1182] {strides = array<i32>} : memref<10x128x64xf32, #tpu.memory_space<vmem>>, vector<16xf32>,
          %add3A_1184 = arith.addf %add3A_1056, %get3A_1183 : vector<16xf32>
          %add3A_1185 = arith.constant 0 : i32
          %add3A_1186 = arith.addi %mul3A_568, %add3A_1185 : i32
          %get3A_1187 = arith.constant 9 : i32
          %get3A_1188 = arith.index_cast %get3A_1187 : i32 to index
          %get3A_1189 = arith.index_cast %add3A_1186 : i32 to index
          %get3A_1190 = arith.constant 48 : index
          %get3A_1191 = tpu.vector_load %arg6[%get3A_1188, %get3A_1189, %get3A_1190] {strides = array<i32>} : memref<10x128x64xf32, #tpu.memory_space<vmem>>, vector<16xf32>,
          %add3A_1192 = arith.addf %add3A_1064, %get3A_1191 : vector<16xf32>
          %add3A_1193 = arith.constant 1 : i32
          %add3A_1194 = arith.addi %mul3A_568, %add3A_1193 : i32
          %get3A_1195 = arith.constant 9 : i32
          %get3A_1196 = arith.index_cast %get3A_1195 : i32 to index
          %get3A_1197 = arith.index_cast %add3A_1194 : i32 to index
          %get3A_1198 = arith.constant 0 : index
          %get3A_1199 = tpu.vector_load %arg6[%get3A_1196, %get3A_1197, %get3A_1198] {strides = array<i32>} : memref<10x128x64xf32, #tpu.memory_space<vmem>>, vector<16xf32>,
          %add3A_1200 = arith.addf %add3A_1072, %get3A_1199 : vector<16xf32>
          %add3A_1201 = arith.constant 1 : i32
          %add3A_1202 = arith.addi %mul3A_568, %add3A_1201 : i32
          %get3A_1203 = arith.constant 9 : i32
          %get3A_1204 = arith.index_cast %get3A_1203 : i32 to index
          %get3A_1205 = arith.index_cast %add3A_1202 : i32 to index
          %get3A_1206 = arith.constant 16 : index
          %get3A_1207 = tpu.vector_load %arg6[%get3A_1204, %get3A_1205, %get3A_1206] {strides = array<i32>} : memref<10x128x64xf32, #tpu.memory_space<vmem>>, vector<16xf32>,
          %add3A_1208 = arith.addf %add3A_1080, %get3A_1207 : vector<16xf32>
          %add3A_1209 = arith.constant 1 : i32
          %add3A_1210 = arith.addi %mul3A_568, %add3A_1209 : i32
          %get3A_1211 = arith.constant 9 : i32
          %get3A_1212 = arith.index_cast %get3A_1211 : i32 to index
          %get3A_1213 = arith.index_cast %add3A_1210 : i32 to index
          %get3A_1214 = arith.constant 32 : index
          %get3A_1215 = tpu.vector_load %arg6[%get3A_1212, %get3A_1213, %get3A_1214] {strides = array<i32>} : memref<10x128x64xf32, #tpu.memory_space<vmem>>, vector<16xf32>,
          %add3A_1216 = arith.addf %add3A_1088, %get3A_1215 : vector<16xf32>
          %add3A_1217 = arith.constant 1 : i32
          %add3A_1218 = arith.addi %mul3A_568, %add3A_1217 : i32
          %get3A_1219 = arith.constant 9 : i32
          %get3A_1220 = arith.index_cast %get3A_1219 : i32 to index
          %get3A_1221 = arith.index_cast %add3A_1218 : i32 to index
          %get3A_1222 = arith.constant 48 : index
          %get3A_1223 = tpu.vector_load %arg6[%get3A_1220, %get3A_1221, %get3A_1222] {strides = array<i32>} : memref<10x128x64xf32, #tpu.memory_space<vmem>>, vector<16xf32>,
          %add3A_1224 = arith.addf %add3A_1096, %get3A_1223 : vector<16xf32>
          %add3A_1225 = arith.constant 2 : i32
          %add3A_1226 = arith.addi %mul3A_568, %add3A_1225 : i32
          %get3A_1227 = arith.constant 9 : i32
          %get3A_1228 = arith.index_cast %get3A_1227 : i32 to index
          %get3A_1229 = arith.index_cast %add3A_1226 : i32 to index
          %get3A_1230 = arith.constant 0 : index
          %get3A_1231 = tpu.vector_load %arg6[%get3A_1228, %get3A_1229, %get3A_1230] {strides = array<i32>} : memref<10x128x64xf32, #tpu.memory_space<vmem>>, vector<16xf32>,
          %add3A_1232 = arith.addf %add3A_1104, %get3A_1231 : vector<16xf32>
          %add3A_1233 = arith.constant 2 : i32
          %add3A_1234 = arith.addi %mul3A_568, %add3A_1233 : i32
          %get3A_1235 = arith.constant 9 : i32
          %get3A_1236 = arith.index_cast %get3A_1235 : i32 to index
          %get3A_1237 = arith.index_cast %add3A_1234 : i32 to index
          %get3A_1238 = arith.constant 16 : index
          %get3A_1239 = tpu.vector_load %arg6[%get3A_1236, %get3A_1237, %get3A_1238] {strides = array<i32>} : memref<10x128x64xf32, #tpu.memory_space<vmem>>, vector<16xf32>,
          %add3A_1240 = arith.addf %add3A_1112, %get3A_1239 : vector<16xf32>
          %add3A_1241 = arith.constant 2 : i32
          %add3A_1242 = arith.addi %mul3A_568, %add3A_1241 : i32
          %get3A_1243 = arith.constant 9 : i32
          %get3A_1244 = arith.index_cast %get3A_1243 : i32 to index
          %get3A_1245 = arith.index_cast %add3A_1242 : i32 to index
          %get3A_1246 = arith.constant 32 : index
          %get3A_1247 = tpu.vector_load %arg6[%get3A_1244, %get3A_1245, %get3A_1246] {strides = array<i32>} : memref<10x128x64xf32, #tpu.memory_space<vmem>>, vector<16xf32>,
          %add3A_1248 = arith.addf %add3A_1120, %get3A_1247 : vector<16xf32>
          %add3A_1249 = arith.constant 2 : i32
          %add3A_1250 = arith.addi %mul3A_568, %add3A_1249 : i32
          %get3A_1251 = arith.constant 9 : i32
          %get3A_1252 = arith.index_cast %get3A_1251 : i32 to index
          %get3A_1253 = arith.index_cast %add3A_1250 : i32 to index
          %get3A_1254 = arith.constant 48 : index
          %get3A_1255 = tpu.vector_load %arg6[%get3A_1252, %get3A_1253, %get3A_1254] {strides = array<i32>} : memref<10x128x64xf32, #tpu.memory_space<vmem>>, vector<16xf32>,
          %add3A_1256 = arith.addf %add3A_1128, %get3A_1255 : vector<16xf32>
          %add3A_1257 = arith.constant 3 : i32
          %add3A_1258 = arith.addi %mul3A_568, %add3A_1257 : i32
          %get3A_1259 = arith.constant 9 : i32
          %get3A_1260 = arith.index_cast %get3A_1259 : i32 to index
          %get3A_1261 = arith.index_cast %add3A_1258 : i32 to index
          %get3A_1262 = arith.constant 0 : index
          %get3A_1263 = tpu.vector_load %arg6[%get3A_1260, %get3A_1261, %get3A_1262] {strides = array<i32>} : memref<10x128x64xf32, #tpu.memory_space<vmem>>, vector<16xf32>,
          %add3A_1264 = arith.addf %add3A_1136, %get3A_1263 : vector<16xf32>
          %add3A_1265 = arith.constant 3 : i32
          %add3A_1266 = arith.addi %mul3A_568, %add3A_1265 : i32
          %get3A_1267 = arith.constant 9 : i32
          %get3A_1268 = arith.index_cast %get3A_1267 : i32 to index
          %get3A_1269 = arith.index_cast %add3A_1266 : i32 to index
          %get3A_1270 = arith.constant 16 : index
          %get3A_1271 = tpu.vector_load %arg6[%get3A_1268, %get3A_1269, %get3A_1270] {strides = array<i32>} : memref<10x128x64xf32, #tpu.memory_space<vmem>>, vector<16xf32>,
          %add3A_1272 = arith.addf %add3A_1144, %get3A_1271 : vector<16xf32>
          %add3A_1273 = arith.constant 3 : i32
          %add3A_1274 = arith.addi %mul3A_568, %add3A_1273 : i32
          %get3A_1275 = arith.constant 9 : i32
          %get3A_1276 = arith.index_cast %get3A_1275 : i32 to index
          %get3A_1277 = arith.index_cast %add3A_1274 : i32 to index
          %get3A_1278 = arith.constant 32 : index
          %get3A_1279 = tpu.vector_load %arg6[%get3A_1276, %get3A_1277, %get3A_1278] {strides = array<i32>} : memref<10x128x64xf32, #tpu.memory_space<vmem>>, vector<16xf32>,
          %add3A_1280 = arith.addf %add3A_1152, %get3A_1279 : vector<16xf32>
          %add3A_1281 = arith.constant 3 : i32
          %add3A_1282 = arith.addi %mul3A_568, %add3A_1281 : i32
          %get3A_1283 = arith.constant 9 : i32
          %get3A_1284 = arith.index_cast %get3A_1283 : i32 to index
          %get3A_1285 = arith.index_cast %add3A_1282 : i32 to index
          %get3A_1286 = arith.constant 48 : index
          %get3A_1287 = tpu.vector_load %arg6[%get3A_1284, %get3A_1285, %get3A_1286] {strides = array<i32>} : memref<10x128x64xf32, #tpu.memory_space<vmem>>, vector<16xf32>,
          %add3A_1288 = arith.addf %add3A_1160, %get3A_1287 : vector<16xf32>
          %add3A_1289 = arith.constant 0 : i32
          %add3A_1290 = arith.addi %mul3A_568, %add3A_1289 : i32
          %swap3A_1291 = arith.index_cast %add3A_1290 : i32 to index
          %swap3A_1292 = arith.constant 0 : index
          %swap3A_1293 = tpu.vector_load %arg7[%swap3A_1291, %swap3A_1292] {strides = array<i32>} : memref<128x64xf32, #tpu.memory_space<vmem>>, vector<16xf32>,
          tpu.vector_store %arg7[%swap3A_1291, %swap3A_1292], %add3A_1168 {strides = array<i32>} : memref<128x64xf32, #tpu.memory_space<vmem>>, vector<16xf32>,
          %add3A_1294 = arith.constant 0 : i32
          %add3A_1295 = arith.addi %mul3A_568, %add3A_1294 : i32
          %swap3A_1296 = arith.index_cast %add3A_1295 : i32 to index
          %swap3A_1297 = arith.constant 16 : index
          %swap3A_1298 = tpu.vector_load %arg7[%swap3A_1296, %swap3A_1297] {strides = array<i32>} : memref<128x64xf32, #tpu.memory_space<vmem>>, vector<16xf32>,
          tpu.vector_store %arg7[%swap3A_1296, %swap3A_1297], %add3A_1176 {strides = array<i32>} : memref<128x64xf32, #tpu.memory_space<vmem>>, vector<16xf32>,
          %add3A_1299 = arith.constant 0 : i32
          %add3A_1300 = arith.addi %mul3A_568, %add3A_1299 : i32
          %swap3A_1301 = arith.index_cast %add3A_1300 : i32 to index
          %swap3A_1302 = arith.constant 32 : index
          %swap3A_1303 = tpu.vector_load %arg7[%swap3A_1301, %swap3A_1302] {strides = array<i32>} : memref<128x64xf32, #tpu.memory_space<vmem>>, vector<16xf32>,
          tpu.vector_store %arg7[%swap3A_1301, %swap3A_1302], %add3A_1184 {strides = array<i32>} : memref<128x64xf32, #tpu.memory_space<vmem>>, vector<16xf32>,
          %add3A_1304 = arith.constant 0 : i32
          %add3A_1305 = arith.addi %mul3A_568, %add3A_1304 : i32
          %swap3A_1306 = arith.index_cast %add3A_1305 : i32 to index
          %swap3A_1307 = arith.constant 48 : index
          %swap3A_1308 = tpu.vector_load %arg7[%swap3A_1306, %swap3A_1307] {strides = array<i32>} : memref<128x64xf32, #tpu.memory_space<vmem>>, vector<16xf32>,
          tpu.vector_store %arg7[%swap3A_1306, %swap3A_1307], %add3A_1192 {strides = array<i32>} : memref<128x64xf32, #tpu.memory_space<vmem>>, vector<16xf32>,
          %add3A_1309 = arith.constant 1 : i32
          %add3A_1310 = arith.addi %mul3A_568, %add3A_1309 : i32
          %swap3A_1311 = arith.index_cast %add3A_1310 : i32 to index
          %swap3A_1312 = arith.constant 0 : index
          %swap3A_1313 = tpu.vector_load %arg7[%swap3A_1311, %swap3A_1312] {strides = array<i32>} : memref<128x64xf32, #tpu.memory_space<vmem>>, vector<16xf32>,
          tpu.vector_store %arg7[%swap3A_1311, %swap3A_1312], %add3A_1200 {strides = array<i32>} : memref<128x64xf32, #tpu.memory_space<vmem>>, vector<16xf32>,
          %add3A_1314 = arith.constant 1 : i32
          %add3A_1315 = arith.addi %mul3A_568, %add3A_1314 : i32
          %swap3A_1316 = arith.index_cast %add3A_1315 : i32 to index
          %swap3A_1317 = arith.constant 16 : index
          %swap3A_1318 = tpu.vector_load %arg7[%swap3A_1316, %swap3A_1317] {strides = array<i32>} : memref<128x64xf32, #tpu.memory_space<vmem>>, vector<16xf32>,
          tpu.vector_store %arg7[%swap3A_1316, %swap3A_1317], %add3A_1208 {strides = array<i32>} : memref<128x64xf32, #tpu.memory_space<vmem>>, vector<16xf32>,
          %add3A_1319 = arith.constant 1 : i32
          %add3A_1320 = arith.addi %mul3A_568, %add3A_1319 : i32
          %swap3A_1321 = arith.index_cast %add3A_1320 : i32 to index
          %swap3A_1322 = arith.constant 32 : index
          %swap3A_1323 = tpu.vector_load %arg7[%swap3A_1321, %swap3A_1322] {strides = array<i32>} : memref<128x64xf32, #tpu.memory_space<vmem>>, vector<16xf32>,
          tpu.vector_store %arg7[%swap3A_1321, %swap3A_1322], %add3A_1216 {strides = array<i32>} : memref<128x64xf32, #tpu.memory_space<vmem>>, vector<16xf32>,
          %add3A_1324 = arith.constant 1 : i32
          %add3A_1325 = arith.addi %mul3A_568, %add3A_1324 : i32
          %swap3A_1326 = arith.index_cast %add3A_1325 : i32 to index
          %swap3A_1327 = arith.constant 48 : index
          %swap3A_1328 = tpu.vector_load %arg7[%swap3A_1326, %swap3A_1327] {strides = array<i32>} : memref<128x64xf32, #tpu.memory_space<vmem>>, vector<16xf32>,
          tpu.vector_store %arg7[%swap3A_1326, %swap3A_1327], %add3A_1224 {strides = array<i32>} : memref<128x64xf32, #tpu.memory_space<vmem>>, vector<16xf32>,
          %add3A_1329 = arith.constant 2 : i32
          %add3A_1330 = arith.addi %mul3A_568, %add3A_1329 : i32
          %swap3A_1331 = arith.index_cast %add3A_1330 : i32 to index
          %swap3A_1332 = arith.constant 0 : index
          %swap3A_1333 = tpu.vector_load %arg7[%swap3A_1331, %swap3A_1332] {strides = array<i32>} : memref<128x64xf32, #tpu.memory_space<vmem>>, vector<16xf32>,
          tpu.vector_store %arg7[%swap3A_1331, %swap3A_1332], %add3A_1232 {strides = array<i32>} : memref<128x64xf32, #tpu.memory_space<vmem>>, vector<16xf32>,
          %add3A_1334 = arith.constant 2 : i32
          %add3A_1335 = arith.addi %mul3A_568, %add3A_1334 : i32
          %swap3A_1336 = arith.index_cast %add3A_1335 : i32 to index
          %swap3A_1337 = arith.constant 16 : index
          %swap3A_1338 = tpu.vector_load %arg7[%swap3A_1336, %swap3A_1337] {strides = array<i32>} : memref<128x64xf32, #tpu.memory_space<vmem>>, vector<16xf32>,
          tpu.vector_store %arg7[%swap3A_1336, %swap3A_1337], %add3A_1240 {strides = array<i32>} : memref<128x64xf32, #tpu.memory_space<vmem>>, vector<16xf32>,
          %add3A_1339 = arith.constant 2 : i32
          %add3A_1340 = arith.addi %mul3A_568, %add3A_1339 : i32
          %swap3A_1341 = arith.index_cast %add3A_1340 : i32 to index
          %swap3A_1342 = arith.constant 32 : index
          %swap3A_1343 = tpu.vector_load %arg7[%swap3A_1341, %swap3A_1342] {strides = array<i32>} : memref<128x64xf32, #tpu.memory_space<vmem>>, vector<16xf32>,
          tpu.vector_store %arg7[%swap3A_1341, %swap3A_1342], %add3A_1248 {strides = array<i32>} : memref<128x64xf32, #tpu.memory_space<vmem>>, vector<16xf32>,
          %add3A_1344 = arith.constant 2 : i32
          %add3A_1345 = arith.addi %mul3A_568, %add3A_1344 : i32
          %swap3A_1346 = arith.index_cast %add3A_1345 : i32 to index
          %swap3A_1347 = arith.constant 48 : index
          %swap3A_1348 = tpu.vector_load %arg7[%swap3A_1346, %swap3A_1347] {strides = array<i32>} : memref<128x64xf32, #tpu.memory_space<vmem>>, vector<16xf32>,
          tpu.vector_store %arg7[%swap3A_1346, %swap3A_1347], %add3A_1256 {strides = array<i32>} : memref<128x64xf32, #tpu.memory_space<vmem>>, vector<16xf32>,
          %add3A_1349 = arith.constant 3 : i32
          %add3A_1350 = arith.addi %mul3A_568, %add3A_1349 : i32
          %swap3A_1351 = arith.index_cast %add3A_1350 : i32 to index
          %swap3A_1352 = arith.constant 0 : index
          %swap3A_1353 = tpu.vector_load %arg7[%swap3A_1351, %swap3A_1352] {strides = array<i32>} : memref<128x64xf32, #tpu.memory_space<vmem>>, vector<16xf32>,
          tpu.vector_store %arg7[%swap3A_1351, %swap3A_1352], %add3A_1264 {strides = array<i32>} : memref<128x64xf32, #tpu.memory_space<vmem>>, vector<16xf32>,
          %add3A_1354 = arith.constant 3 : i32
          %add3A_1355 = arith.addi %mul3A_568, %add3A_1354 : i32
          %swap3A_1356 = arith.index_cast %add3A_1355 : i32 to index
          %swap3A_1357 = arith.constant 16 : index
          %swap3A_1358 = tpu.vector_load %arg7[%swap3A_1356, %swap3A_1357] {strides = array<i32>} : memref<128x64xf32, #tpu.memory_space<vmem>>, vector<16xf32>,
          tpu.vector_store %arg7[%swap3A_1356, %swap3A_1357], %add3A_1272 {strides = array<i32>} : memref<128x64xf32, #tpu.memory_space<vmem>>, vector<16xf32>,
          %add3A_1359 = arith.constant 3 : i32
          %add3A_1360 = arith.addi %mul3A_568, %add3A_1359 : i32
          %swap3A_1361 = arith.index_cast %add3A_1360 : i32 to index
          %swap3A_1362 = arith.constant 32 : index
          %swap3A_1363 = tpu.vector_load %arg7[%swap3A_1361, %swap3A_1362] {strides = array<i32>} : memref<128x64xf32, #tpu.memory_space<vmem>>, vector<16xf32>,
          tpu.vector_store %arg7[%swap3A_1361, %swap3A_1362], %add3A_1280 {strides = array<i32>} : memref<128x64xf32, #tpu.memory_space<vmem>>, vector<16xf32>,
          %add3A_1364 = arith.constant 3 : i32
          %add3A_1365 = arith.addi %mul3A_568, %add3A_1364 : i32
          %swap3A_1366 = arith.index_cast %add3A_1365 : i32 to index
          %swap3A_1367 = arith.constant 48 : index
          %swap3A_1368 = tpu.vector_load %arg7[%swap3A_1366, %swap3A_1367] {strides = array<i32>} : memref<128x64xf32, #tpu.memory_space<vmem>>, vector<16xf32>,
          tpu.vector_store %arg7[%swap3A_1366, %swap3A_1367], %add3A_1288 {strides = array<i32>} : memref<128x64xf32, #tpu.memory_space<vmem>>, vector<16xf32>,
          %scan3A_1369 = arith.constant 0 : i32
          scf.yield %scan3A_1369 : i32
        }
        %scan3A_518 = arith.constant 32 : i32
        %add3A_519 = arith.constant 0 : i32
        %add3A_520 = arith.addi %add3A_446, %add3A_519 : i32
        %add3A_521 = arith.constant 10 : i32
        %add3A_522 = arith.addi %add3A_520, %add3A_521 : i32
        %lt3A_523 = arith.constant 200 : i32
        %lt3A_524 = arith.cmpi slt, %add3A_522, %lt3A_523 : i32
        %convert_element_type3A_525 = arith.extui %lt3A_524 : i1 to i32
        %cond3A_526 = arith.constant 0 : i32
        %cond3A_527 = arith.cmpi ne, %convert_element_type3A_525, %cond3A_526 : i32
        scf.if %cond3A_527 {
          %dma_start3A_565 = arith.constant 5 : i32
          %dma_start3A_566 = arith.constant 0 : i32
          %dma_start3A_567 = arith.constant 0 : i32
          %dma_start3A_568 = tpu.memref_slice %arg6[%dma_start3A_565, %dma_start3A_566, %dma_start3A_567] : memref<10x128x64xf32, #tpu.memory_space<vmem>> -> memref<1x128x64xf32, #tpu.memory_space<vmem>>
          %dma_start3A_569 = tpu.memref_squeeze %dma_start3A_568 : memref<1x128x64xf32, #tpu.memory_space<vmem>> -> memref<128x64xf32, #tpu.memory_space<vmem>>
          %dma_start3A_570 = arith.constant 0 : i32
          %dma_start3A_571 = tpu.memref_slice %arg5[%add3A_522, %dma_start3A_570] : memref<200x128xi32, #tpu.memory_space<vmem>> -> memref<1x128xi32, #tpu.memory_space<vmem>>
          %dma_start3A_572 = tpu.memref_squeeze %dma_start3A_571 : memref<1x128xi32, #tpu.memory_space<vmem>> -> memref<128xi32, #tpu.memory_space<vmem>>
          %dma_start3A_573 = arith.constant 0 : i32
          %dma_start3A_574 = arith.constant 0 : i32
          %dma_start3A_575 = tpu.memref_slice %arg3[%dma_start3A_573, %dma_start3A_574] : memref<1000000x64xf32, #tpu.memory_space<hbm>> -> memref<1000000x64xf32, #tpu.memory_space<hbm>>
          tpu.enqueue_indirect_dma source(%dma_start3A_575 : memref<1000000x64xf32, #tpu.memory_space<hbm>>) target(%dma_start3A_569 : memref<128x64xf32, #tpu.memory_space<vmem>>) offsets(%dma_start3A_572 : memref<128xi32, #tpu.memory_space<vmem>>) semaphore(%arg16 : memref<!tpu.dma_semaphore, #tpu.memory_space<semaphore_mem>>)
        } else {
        }
        %add3A_528 = arith.constant 1 : i32
        %add3A_529 = arith.addi %add3A_446, %add3A_528 : i32
        %add3A_530 = arith.constant 10 : i32
        %add3A_531 = arith.addi %add3A_529, %add3A_530 : i32
        %lt3A_532 = arith.constant 200 : i32
        %lt3A_533 = arith.cmpi slt, %add3A_531, %lt3A_532 : i32
        %convert_element_type3A_534 = arith.extui %lt3A_533 : i1 to i32
        %cond3A_535 = arith.constant 0 : i32
        %cond3A_536 = arith.cmpi ne, %convert_element_type3A_534, %cond3A_535 : i32
        scf.if %cond3A_536 {
          %dma_start3A_565 = arith.constant 6 : i32
          %dma_start3A_566 = arith.constant 0 : i32
          %dma_start3A_567 = arith.constant 0 : i32
          %dma_start3A_568 = tpu.memref_slice %arg6[%dma_start3A_565, %dma_start3A_566, %dma_start3A_567] : memref<10x128x64xf32, #tpu.memory_space<vmem>> -> memref<1x128x64xf32, #tpu.memory_space<vmem>>
          %dma_start3A_569 = tpu.memref_squeeze %dma_start3A_568 : memref<1x128x64xf32, #tpu.memory_space<vmem>> -> memref<128x64xf32, #tpu.memory_space<vmem>>
          %dma_start3A_570 = arith.constant 0 : i32
          %dma_start3A_571 = tpu.memref_slice %arg5[%add3A_531, %dma_start3A_570] : memref<200x128xi32, #tpu.memory_space<vmem>> -> memref<1x128xi32, #tpu.memory_space<vmem>>
          %dma_start3A_572 = tpu.memref_squeeze %dma_start3A_571 : memref<1x128xi32, #tpu.memory_space<vmem>> -> memref<128xi32, #tpu.memory_space<vmem>>
          %dma_start3A_573 = arith.constant 0 : i32
          %dma_start3A_574 = arith.constant 0 : i32
          %dma_start3A_575 = tpu.memref_slice %arg3[%dma_start3A_573, %dma_start3A_574] : memref<1000000x64xf32, #tpu.memory_space<hbm>> -> memref<1000000x64xf32, #tpu.memory_space<hbm>>
          tpu.enqueue_indirect_dma source(%dma_start3A_575 : memref<1000000x64xf32, #tpu.memory_space<hbm>>) target(%dma_start3A_569 : memref<128x64xf32, #tpu.memory_space<vmem>>) offsets(%dma_start3A_572 : memref<128xi32, #tpu.memory_space<vmem>>) semaphore(%arg17 : memref<!tpu.dma_semaphore, #tpu.memory_space<semaphore_mem>>)
        } else {
        }
        %add3A_537 = arith.constant 2 : i32
        %add3A_538 = arith.addi %add3A_446, %add3A_537 : i32
        %add3A_539 = arith.constant 10 : i32
        %add3A_540 = arith.addi %add3A_538, %add3A_539 : i32
        %lt3A_541 = arith.constant 200 : i32
        %lt3A_542 = arith.cmpi slt, %add3A_540, %lt3A_541 : i32
        %convert_element_type3A_543 = arith.extui %lt3A_542 : i1 to i32
        %cond3A_544 = arith.constant 0 : i32
        %cond3A_545 = arith.cmpi ne, %convert_element_type3A_543, %cond3A_544 : i32
        scf.if %cond3A_545 {
          %dma_start3A_565 = arith.constant 7 : i32
          %dma_start3A_566 = arith.constant 0 : i32
          %dma_start3A_567 = arith.constant 0 : i32
          %dma_start3A_568 = tpu.memref_slice %arg6[%dma_start3A_565, %dma_start3A_566, %dma_start3A_567] : memref<10x128x64xf32, #tpu.memory_space<vmem>> -> memref<1x128x64xf32, #tpu.memory_space<vmem>>
          %dma_start3A_569 = tpu.memref_squeeze %dma_start3A_568 : memref<1x128x64xf32, #tpu.memory_space<vmem>> -> memref<128x64xf32, #tpu.memory_space<vmem>>
          %dma_start3A_570 = arith.constant 0 : i32
          %dma_start3A_571 = tpu.memref_slice %arg5[%add3A_540, %dma_start3A_570] : memref<200x128xi32, #tpu.memory_space<vmem>> -> memref<1x128xi32, #tpu.memory_space<vmem>>
          %dma_start3A_572 = tpu.memref_squeeze %dma_start3A_571 : memref<1x128xi32, #tpu.memory_space<vmem>> -> memref<128xi32, #tpu.memory_space<vmem>>
          %dma_start3A_573 = arith.constant 0 : i32
          %dma_start3A_574 = arith.constant 0 : i32
          %dma_start3A_575 = tpu.memref_slice %arg3[%dma_start3A_573, %dma_start3A_574] : memref<1000000x64xf32, #tpu.memory_space<hbm>> -> memref<1000000x64xf32, #tpu.memory_space<hbm>>
          tpu.enqueue_indirect_dma source(%dma_start3A_575 : memref<1000000x64xf32, #tpu.memory_space<hbm>>) target(%dma_start3A_569 : memref<128x64xf32, #tpu.memory_space<vmem>>) offsets(%dma_start3A_572 : memref<128xi32, #tpu.memory_space<vmem>>) semaphore(%arg18 : memref<!tpu.dma_semaphore, #tpu.memory_space<semaphore_mem>>)
        } else {
        }
        %add3A_546 = arith.constant 3 : i32
        %add3A_547 = arith.addi %add3A_446, %add3A_546 : i32
        %add3A_548 = arith.constant 10 : i32
        %add3A_549 = arith.addi %add3A_547, %add3A_548 : i32
        %lt3A_550 = arith.constant 200 : i32
        %lt3A_551 = arith.cmpi slt, %add3A_549, %lt3A_550 : i32
        %convert_element_type3A_552 = arith.extui %lt3A_551 : i1 to i32
        %cond3A_553 = arith.constant 0 : i32
        %cond3A_554 = arith.cmpi ne, %convert_element_type3A_552, %cond3A_553 : i32
        scf.if %cond3A_554 {
          %dma_start3A_565 = arith.constant 8 : i32
          %dma_start3A_566 = arith.constant 0 : i32
          %dma_start3A_567 = arith.constant 0 : i32
          %dma_start3A_568 = tpu.memref_slice %arg6[%dma_start3A_565, %dma_start3A_566, %dma_start3A_567] : memref<10x128x64xf32, #tpu.memory_space<vmem>> -> memref<1x128x64xf32, #tpu.memory_space<vmem>>
          %dma_start3A_569 = tpu.memref_squeeze %dma_start3A_568 : memref<1x128x64xf32, #tpu.memory_space<vmem>> -> memref<128x64xf32, #tpu.memory_space<vmem>>
          %dma_start3A_570 = arith.constant 0 : i32
          %dma_start3A_571 = tpu.memref_slice %arg5[%add3A_549, %dma_start3A_570] : memref<200x128xi32, #tpu.memory_space<vmem>> -> memref<1x128xi32, #tpu.memory_space<vmem>>
          %dma_start3A_572 = tpu.memref_squeeze %dma_start3A_571 : memref<1x128xi32, #tpu.memory_space<vmem>> -> memref<128xi32, #tpu.memory_space<vmem>>
          %dma_start3A_573 = arith.constant 0 : i32
          %dma_start3A_574 = arith.constant 0 : i32
          %dma_start3A_575 = tpu.memref_slice %arg3[%dma_start3A_573, %dma_start3A_574] : memref<1000000x64xf32, #tpu.memory_space<hbm>> -> memref<1000000x64xf32, #tpu.memory_space<hbm>>
          tpu.enqueue_indirect_dma source(%dma_start3A_575 : memref<1000000x64xf32, #tpu.memory_space<hbm>>) target(%dma_start3A_569 : memref<128x64xf32, #tpu.memory_space<vmem>>) offsets(%dma_start3A_572 : memref<128xi32, #tpu.memory_space<vmem>>) semaphore(%arg19 : memref<!tpu.dma_semaphore, #tpu.memory_space<semaphore_mem>>)
        } else {
        }
        %add3A_555 = arith.constant 4 : i32
        %add3A_556 = arith.addi %add3A_446, %add3A_555 : i32
        %add3A_557 = arith.constant 10 : i32
        %add3A_558 = arith.addi %add3A_556, %add3A_557 : i32
        %lt3A_559 = arith.constant 200 : i32
        %lt3A_560 = arith.cmpi slt, %add3A_558, %lt3A_559 : i32
        %convert_element_type3A_561 = arith.extui %lt3A_560 : i1 to i32
        %cond3A_562 = arith.constant 0 : i32
        %cond3A_563 = arith.cmpi ne, %convert_element_type3A_561, %cond3A_562 : i32
        scf.if %cond3A_563 {
          %dma_start3A_565 = arith.constant 9 : i32
          %dma_start3A_566 = arith.constant 0 : i32
          %dma_start3A_567 = arith.constant 0 : i32
          %dma_start3A_568 = tpu.memref_slice %arg6[%dma_start3A_565, %dma_start3A_566, %dma_start3A_567] : memref<10x128x64xf32, #tpu.memory_space<vmem>> -> memref<1x128x64xf32, #tpu.memory_space<vmem>>
          %dma_start3A_569 = tpu.memref_squeeze %dma_start3A_568 : memref<1x128x64xf32, #tpu.memory_space<vmem>> -> memref<128x64xf32, #tpu.memory_space<vmem>>
          %dma_start3A_570 = arith.constant 0 : i32
          %dma_start3A_571 = tpu.memref_slice %arg5[%add3A_558, %dma_start3A_570] : memref<200x128xi32, #tpu.memory_space<vmem>> -> memref<1x128xi32, #tpu.memory_space<vmem>>
          %dma_start3A_572 = tpu.memref_squeeze %dma_start3A_571 : memref<1x128xi32, #tpu.memory_space<vmem>> -> memref<128xi32, #tpu.memory_space<vmem>>
          %dma_start3A_573 = arith.constant 0 : i32
          %dma_start3A_574 = arith.constant 0 : i32
          %dma_start3A_575 = tpu.memref_slice %arg3[%dma_start3A_573, %dma_start3A_574] : memref<1000000x64xf32, #tpu.memory_space<hbm>> -> memref<1000000x64xf32, #tpu.memory_space<hbm>>
          tpu.enqueue_indirect_dma source(%dma_start3A_575 : memref<1000000x64xf32, #tpu.memory_space<hbm>>) target(%dma_start3A_569 : memref<128x64xf32, #tpu.memory_space<vmem>>) offsets(%dma_start3A_572 : memref<128xi32, #tpu.memory_space<vmem>>) semaphore(%arg20 : memref<!tpu.dma_semaphore, #tpu.memory_space<semaphore_mem>>)
        } else {
        }
        %scan3A_564 = arith.constant 0 : i32
        scf.yield %scan3A_564 : i32
      }
      %scan3A_142 = arith.constant 20 : i32
      %scan3A_143 = arith.constant 0 : i32
      %scan3A_144 = arith.constant 200 : i32
      %scan3A_145 = arith.addi %scan3A_143, %scan3A_144 : i32
      %scan3A_146 = arith.constant 4 : i32
      %scan3A_147:8 = scf.for %scan3A_326 = %scan3A_143 to %scan3A_145 step %scan3A_146 iter_args(%scan3A_327 = %broadcast_in_dim3A_1, %scan3A_328 = %broadcast_in_dim3A_1, %scan3A_329 = %broadcast_in_dim3A_1, %scan3A_330 = %broadcast_in_dim3A_1, %scan3A_331 = %broadcast_in_dim3A_1, %scan3A_332 = %broadcast_in_dim3A_1, %scan3A_333 = %broadcast_in_dim3A_1, %scan3A_334 = %broadcast_in_dim3A_1) -> (vector<16xf32>, vector<16xf32>, vector<16xf32>, vector<16xf32>, vector<16xf32>, vector<16xf32>, vector<16xf32>, vector<16xf32>)  : i32 {
        %get3A_335 = arith.index_cast %scan3A_326 : i32 to index
        %get3A_336 = arith.constant 0 : index
        %get3A_337 = tpu.vector_load %arg5[%get3A_335, %get3A_336] {strides = array<i32>} : memref<200x128xi32, #tpu.memory_space<vmem>>, vector<16xi32>,
        %ne3A = arith.constant 0 : i32
        %ne3A_338 = vector.broadcast %ne3A : i32 to vector<16xi32>
        %ne3A_339 = arith.cmpi ne, %get3A_337, %ne3A_338 : vector<16xi32>
        %jit3A_340 = arith.constant 1.000000e+00 : f32
        %jit3A_341 = arith.constant 0.000000e+00 : f32
        %broadcast_in_dim3A_342 = vector.broadcast %jit3A_340 : f32 to vector<16xf32>
        %broadcast_in_dim3A_343 = vector.broadcast %jit3A_341 : f32 to vector<16xf32>
        %select_n3A_344 = arith.select %ne3A_339, %broadcast_in_dim3A_342, %broadcast_in_dim3A_343 : vector<16xi1>, vector<16xf32>
        %add3A_345 = arith.addf %scan3A_327, %select_n3A_344 : vector<16xf32>
        %get3A_346 = arith.index_cast %scan3A_326 : i32 to index
        %get3A_347 = arith.constant 16 : index
        %get3A_348 = tpu.vector_load %arg5[%get3A_346, %get3A_347] {strides = array<i32>} : memref<200x128xi32, #tpu.memory_space<vmem>>, vector<16xi32>,
        %ne3A_349 = arith.constant 0 : i32
        %ne3A_350 = vector.broadcast %ne3A_349 : i32 to vector<16xi32>
        %ne3A_351 = arith.cmpi ne, %get3A_348, %ne3A_350 : vector<16xi32>
        %jit3A_352 = arith.constant 1.000000e+00 : f32
        %jit3A_353 = arith.constant 0.000000e+00 : f32
        %broadcast_in_dim3A_354 = vector.broadcast %jit3A_352 : f32 to vector<16xf32>
        %broadcast_in_dim3A_355 = vector.broadcast %jit3A_353 : f32 to vector<16xf32>
        %select_n3A_356 = arith.select %ne3A_351, %broadcast_in_dim3A_354, %broadcast_in_dim3A_355 : vector<16xi1>, vector<16xf32>
        %add3A_357 = arith.addf %scan3A_328, %select_n3A_356 : vector<16xf32>
        %get3A_358 = arith.index_cast %scan3A_326 : i32 to index
        %get3A_359 = arith.constant 32 : index
        %get3A_360 = tpu.vector_load %arg5[%get3A_358, %get3A_359] {strides = array<i32>} : memref<200x128xi32, #tpu.memory_space<vmem>>, vector<16xi32>,
        %ne3A_361 = arith.constant 0 : i32
        %ne3A_362 = vector.broadcast %ne3A_361 : i32 to vector<16xi32>
        %ne3A_363 = arith.cmpi ne, %get3A_360, %ne3A_362 : vector<16xi32>
        %jit3A_364 = arith.constant 1.000000e+00 : f32
        %jit3A_365 = arith.constant 0.000000e+00 : f32
        %broadcast_in_dim3A_366 = vector.broadcast %jit3A_364 : f32 to vector<16xf32>
        %broadcast_in_dim3A_367 = vector.broadcast %jit3A_365 : f32 to vector<16xf32>
        %select_n3A_368 = arith.select %ne3A_363, %broadcast_in_dim3A_366, %broadcast_in_dim3A_367 : vector<16xi1>, vector<16xf32>
        %add3A_369 = arith.addf %scan3A_329, %select_n3A_368 : vector<16xf32>
        %get3A_370 = arith.index_cast %scan3A_326 : i32 to index
        %get3A_371 = arith.constant 48 : index
        %get3A_372 = tpu.vector_load %arg5[%get3A_370, %get3A_371] {strides = array<i32>} : memref<200x128xi32, #tpu.memory_space<vmem>>, vector<16xi32>,
        %ne3A_373 = arith.constant 0 : i32
        %ne3A_374 = vector.broadcast %ne3A_373 : i32 to vector<16xi32>
        %ne3A_375 = arith.cmpi ne, %get3A_372, %ne3A_374 : vector<16xi32>
        %jit3A_376 = arith.constant 1.000000e+00 : f32
        %jit3A_377 = arith.constant 0.000000e+00 : f32
        %broadcast_in_dim3A_378 = vector.broadcast %jit3A_376 : f32 to vector<16xf32>
        %broadcast_in_dim3A_379 = vector.broadcast %jit3A_377 : f32 to vector<16xf32>
        %select_n3A_380 = arith.select %ne3A_375, %broadcast_in_dim3A_378, %broadcast_in_dim3A_379 : vector<16xi1>, vector<16xf32>
        %add3A_381 = arith.addf %scan3A_330, %select_n3A_380 : vector<16xf32>
        %get3A_382 = arith.index_cast %scan3A_326 : i32 to index
        %get3A_383 = arith.constant 64 : index
        %get3A_384 = tpu.vector_load %arg5[%get3A_382, %get3A_383] {strides = array<i32>} : memref<200x128xi32, #tpu.memory_space<vmem>>, vector<16xi32>,
        %ne3A_385 = arith.constant 0 : i32
        %ne3A_386 = vector.broadcast %ne3A_385 : i32 to vector<16xi32>
        %ne3A_387 = arith.cmpi ne, %get3A_384, %ne3A_386 : vector<16xi32>
        %jit3A_388 = arith.constant 1.000000e+00 : f32
        %jit3A_389 = arith.constant 0.000000e+00 : f32
        %broadcast_in_dim3A_390 = vector.broadcast %jit3A_388 : f32 to vector<16xf32>
        %broadcast_in_dim3A_391 = vector.broadcast %jit3A_389 : f32 to vector<16xf32>
        %select_n3A_392 = arith.select %ne3A_387, %broadcast_in_dim3A_390, %broadcast_in_dim3A_391 : vector<16xi1>, vector<16xf32>
        %add3A_393 = arith.addf %scan3A_331, %select_n3A_392 : vector<16xf32>
        %get3A_394 = arith.index_cast %scan3A_326 : i32 to index
        %get3A_395 = arith.constant 80 : index
        %get3A_396 = tpu.vector_load %arg5[%get3A_394, %get3A_395] {strides = array<i32>} : memref<200x128xi32, #tpu.memory_space<vmem>>, vector<16xi32>,
        %ne3A_397 = arith.constant 0 : i32
        %ne3A_398 = vector.broadcast %ne3A_397 : i32 to vector<16xi32>
        %ne3A_399 = arith.cmpi ne, %get3A_396, %ne3A_398 : vector<16xi32>
        %jit3A_400 = arith.constant 1.000000e+00 : f32
        %jit3A_401 = arith.constant 0.000000e+00 : f32
        %broadcast_in_dim3A_402 = vector.broadcast %jit3A_400 : f32 to vector<16xf32>
        %broadcast_in_dim3A_403 = vector.broadcast %jit3A_401 : f32 to vector<16xf32>
        %select_n3A_404 = arith.select %ne3A_399, %broadcast_in_dim3A_402, %broadcast_in_dim3A_403 : vector<16xi1>, vector<16xf32>
        %add3A_405 = arith.addf %scan3A_332, %select_n3A_404 : vector<16xf32>
        %get3A_406 = arith.index_cast %scan3A_326 : i32 to index
        %get3A_407 = arith.constant 96 : index
        %get3A_408 = tpu.vector_load %arg5[%get3A_406, %get3A_407] {strides = array<i32>} : memref<200x128xi32, #tpu.memory_space<vmem>>, vector<16xi32>,
        %ne3A_409 = arith.constant 0 : i32
        %ne3A_410 = vector.broadcast %ne3A_409 : i32 to vector<16xi32>
        %ne3A_411 = arith.cmpi ne, %get3A_408, %ne3A_410 : vector<16xi32>
        %jit3A_412 = arith.constant 1.000000e+00 : f32
        %jit3A_413 = arith.constant 0.000000e+00 : f32
        %broadcast_in_dim3A_414 = vector.broadcast %jit3A_412 : f32 to vector<16xf32>
        %broadcast_in_dim3A_415 = vector.broadcast %jit3A_413 : f32 to vector<16xf32>
        %select_n3A_416 = arith.select %ne3A_411, %broadcast_in_dim3A_414, %broadcast_in_dim3A_415 : vector<16xi1>, vector<16xf32>
        %add3A_417 = arith.addf %scan3A_333, %select_n3A_416 : vector<16xf32>
        %get3A_418 = arith.index_cast %scan3A_326 : i32 to index
        %get3A_419 = arith.constant 112 : index
        %get3A_420 = tpu.vector_load %arg5[%get3A_418, %get3A_419] {strides = array<i32>} : memref<200x128xi32, #tpu.memory_space<vmem>>, vector<16xi32>,
        %ne3A_421 = arith.constant 0 : i32
        %ne3A_422 = vector.broadcast %ne3A_421 : i32 to vector<16xi32>
        %ne3A_423 = arith.cmpi ne, %get3A_420, %ne3A_422 : vector<16xi32>
        %jit3A_424 = arith.constant 1.000000e+00 : f32
        %jit3A_425 = arith.constant 0.000000e+00 : f32
        %broadcast_in_dim3A_426 = vector.broadcast %jit3A_424 : f32 to vector<16xf32>
        %broadcast_in_dim3A_427 = vector.broadcast %jit3A_425 : f32 to vector<16xf32>
        %select_n3A_428 = arith.select %ne3A_423, %broadcast_in_dim3A_426, %broadcast_in_dim3A_427 : vector<16xi1>, vector<16xf32>
        %add3A_429 = arith.addf %scan3A_334, %select_n3A_428 : vector<16xf32>
        %scan3A_430 = arith.constant 1 : i32
        %scan3A_431 = arith.addi %scan3A_326, %scan3A_430 : i32
        %get3A_432 = arith.index_cast %scan3A_431 : i32 to index
        %get3A_433 = arith.constant 0 : index
        %get3A_434 = tpu.vector_load %arg5[%get3A_432, %get3A_433] {strides = array<i32>} : memref<200x128xi32, #tpu.memory_space<vmem>>, vector<16xi32>,
        %ne3A_435 = arith.constant 0 : i32
        %ne3A_436 = vector.broadcast %ne3A_435 : i32 to vector<16xi32>
        %ne3A_437 = arith.cmpi ne, %get3A_434, %ne3A_436 : vector<16xi32>
        %jit3A_438 = arith.constant 1.000000e+00 : f32
        %jit3A_439 = arith.constant 0.000000e+00 : f32
        %broadcast_in_dim3A_440 = vector.broadcast %jit3A_438 : f32 to vector<16xf32>
        %broadcast_in_dim3A_441 = vector.broadcast %jit3A_439 : f32 to vector<16xf32>
        %select_n3A_442 = arith.select %ne3A_437, %broadcast_in_dim3A_440, %broadcast_in_dim3A_441 : vector<16xi1>, vector<16xf32>
        %add3A_443 = arith.addf %add3A_345, %select_n3A_442 : vector<16xf32>
        %get3A_444 = arith.index_cast %scan3A_431 : i32 to index
        %get3A_445 = arith.constant 16 : index
        %get3A_446 = tpu.vector_load %arg5[%get3A_444, %get3A_445] {strides = array<i32>} : memref<200x128xi32, #tpu.memory_space<vmem>>, vector<16xi32>,
        %ne3A_447 = arith.constant 0 : i32
        %ne3A_448 = vector.broadcast %ne3A_447 : i32 to vector<16xi32>
        %ne3A_449 = arith.cmpi ne, %get3A_446, %ne3A_448 : vector<16xi32>
        %jit3A_450 = arith.constant 1.000000e+00 : f32
        %jit3A_451 = arith.constant 0.000000e+00 : f32
        %broadcast_in_dim3A_452 = vector.broadcast %jit3A_450 : f32 to vector<16xf32>
        %broadcast_in_dim3A_453 = vector.broadcast %jit3A_451 : f32 to vector<16xf32>
        %select_n3A_454 = arith.select %ne3A_449, %broadcast_in_dim3A_452, %broadcast_in_dim3A_453 : vector<16xi1>, vector<16xf32>
        %add3A_455 = arith.addf %add3A_357, %select_n3A_454 : vector<16xf32>
        %get3A_456 = arith.index_cast %scan3A_431 : i32 to index
        %get3A_457 = arith.constant 32 : index
        %get3A_458 = tpu.vector_load %arg5[%get3A_456, %get3A_457] {strides = array<i32>} : memref<200x128xi32, #tpu.memory_space<vmem>>, vector<16xi32>,
        %ne3A_459 = arith.constant 0 : i32
        %ne3A_460 = vector.broadcast %ne3A_459 : i32 to vector<16xi32>
        %ne3A_461 = arith.cmpi ne, %get3A_458, %ne3A_460 : vector<16xi32>
        %jit3A_462 = arith.constant 1.000000e+00 : f32
        %jit3A_463 = arith.constant 0.000000e+00 : f32
        %broadcast_in_dim3A_464 = vector.broadcast %jit3A_462 : f32 to vector<16xf32>
        %broadcast_in_dim3A_465 = vector.broadcast %jit3A_463 : f32 to vector<16xf32>
        %select_n3A_466 = arith.select %ne3A_461, %broadcast_in_dim3A_464, %broadcast_in_dim3A_465 : vector<16xi1>, vector<16xf32>
        %add3A_467 = arith.addf %add3A_369, %select_n3A_466 : vector<16xf32>
        %get3A_468 = arith.index_cast %scan3A_431 : i32 to index
        %get3A_469 = arith.constant 48 : index
        %get3A_470 = tpu.vector_load %arg5[%get3A_468, %get3A_469] {strides = array<i32>} : memref<200x128xi32, #tpu.memory_space<vmem>>, vector<16xi32>,
        %ne3A_471 = arith.constant 0 : i32
        %ne3A_472 = vector.broadcast %ne3A_471 : i32 to vector<16xi32>
        %ne3A_473 = arith.cmpi ne, %get3A_470, %ne3A_472 : vector<16xi32>
        %jit3A_474 = arith.constant 1.000000e+00 : f32
        %jit3A_475 = arith.constant 0.000000e+00 : f32
        %broadcast_in_dim3A_476 = vector.broadcast %jit3A_474 : f32 to vector<16xf32>
        %broadcast_in_dim3A_477 = vector.broadcast %jit3A_475 : f32 to vector<16xf32>
        %select_n3A_478 = arith.select %ne3A_473, %broadcast_in_dim3A_476, %broadcast_in_dim3A_477 : vector<16xi1>, vector<16xf32>
        %add3A_479 = arith.addf %add3A_381, %select_n3A_478 : vector<16xf32>
        %get3A_480 = arith.index_cast %scan3A_431 : i32 to index
        %get3A_481 = arith.constant 64 : index
        %get3A_482 = tpu.vector_load %arg5[%get3A_480, %get3A_481] {strides = array<i32>} : memref<200x128xi32, #tpu.memory_space<vmem>>, vector<16xi32>,
        %ne3A_483 = arith.constant 0 : i32
        %ne3A_484 = vector.broadcast %ne3A_483 : i32 to vector<16xi32>
        %ne3A_485 = arith.cmpi ne, %get3A_482, %ne3A_484 : vector<16xi32>
        %jit3A_486 = arith.constant 1.000000e+00 : f32
        %jit3A_487 = arith.constant 0.000000e+00 : f32
        %broadcast_in_dim3A_488 = vector.broadcast %jit3A_486 : f32 to vector<16xf32>
        %broadcast_in_dim3A_489 = vector.broadcast %jit3A_487 : f32 to vector<16xf32>
        %select_n3A_490 = arith.select %ne3A_485, %broadcast_in_dim3A_488, %broadcast_in_dim3A_489 : vector<16xi1>, vector<16xf32>
        %add3A_491 = arith.addf %add3A_393, %select_n3A_490 : vector<16xf32>
        %get3A_492 = arith.index_cast %scan3A_431 : i32 to index
        %get3A_493 = arith.constant 80 : index
        %get3A_494 = tpu.vector_load %arg5[%get3A_492, %get3A_493] {strides = array<i32>} : memref<200x128xi32, #tpu.memory_space<vmem>>, vector<16xi32>,
        %ne3A_495 = arith.constant 0 : i32
        %ne3A_496 = vector.broadcast %ne3A_495 : i32 to vector<16xi32>
        %ne3A_497 = arith.cmpi ne, %get3A_494, %ne3A_496 : vector<16xi32>
        %jit3A_498 = arith.constant 1.000000e+00 : f32
        %jit3A_499 = arith.constant 0.000000e+00 : f32
        %broadcast_in_dim3A_500 = vector.broadcast %jit3A_498 : f32 to vector<16xf32>
        %broadcast_in_dim3A_501 = vector.broadcast %jit3A_499 : f32 to vector<16xf32>
        %select_n3A_502 = arith.select %ne3A_497, %broadcast_in_dim3A_500, %broadcast_in_dim3A_501 : vector<16xi1>, vector<16xf32>
        %add3A_503 = arith.addf %add3A_405, %select_n3A_502 : vector<16xf32>
        %get3A_504 = arith.index_cast %scan3A_431 : i32 to index
        %get3A_505 = arith.constant 96 : index
        %get3A_506 = tpu.vector_load %arg5[%get3A_504, %get3A_505] {strides = array<i32>} : memref<200x128xi32, #tpu.memory_space<vmem>>, vector<16xi32>,
        %ne3A_507 = arith.constant 0 : i32
        %ne3A_508 = vector.broadcast %ne3A_507 : i32 to vector<16xi32>
        %ne3A_509 = arith.cmpi ne, %get3A_506, %ne3A_508 : vector<16xi32>
        %jit3A_510 = arith.constant 1.000000e+00 : f32
        %jit3A_511 = arith.constant 0.000000e+00 : f32
        %broadcast_in_dim3A_512 = vector.broadcast %jit3A_510 : f32 to vector<16xf32>
        %broadcast_in_dim3A_513 = vector.broadcast %jit3A_511 : f32 to vector<16xf32>
        %select_n3A_514 = arith.select %ne3A_509, %broadcast_in_dim3A_512, %broadcast_in_dim3A_513 : vector<16xi1>, vector<16xf32>
        %add3A_515 = arith.addf %add3A_417, %select_n3A_514 : vector<16xf32>
        %get3A_516 = arith.index_cast %scan3A_431 : i32 to index
        %get3A_517 = arith.constant 112 : index
        %get3A_518 = tpu.vector_load %arg5[%get3A_516, %get3A_517] {strides = array<i32>} : memref<200x128xi32, #tpu.memory_space<vmem>>, vector<16xi32>,
        %ne3A_519 = arith.constant 0 : i32
        %ne3A_520 = vector.broadcast %ne3A_519 : i32 to vector<16xi32>
        %ne3A_521 = arith.cmpi ne, %get3A_518, %ne3A_520 : vector<16xi32>
        %jit3A_522 = arith.constant 1.000000e+00 : f32
        %jit3A_523 = arith.constant 0.000000e+00 : f32
        %broadcast_in_dim3A_524 = vector.broadcast %jit3A_522 : f32 to vector<16xf32>
        %broadcast_in_dim3A_525 = vector.broadcast %jit3A_523 : f32 to vector<16xf32>
        %select_n3A_526 = arith.select %ne3A_521, %broadcast_in_dim3A_524, %broadcast_in_dim3A_525 : vector<16xi1>, vector<16xf32>
        %add3A_527 = arith.addf %add3A_429, %select_n3A_526 : vector<16xf32>
        %scan3A_528 = arith.constant 2 : i32
        %scan3A_529 = arith.addi %scan3A_326, %scan3A_528 : i32
        %get3A_530 = arith.index_cast %scan3A_529 : i32 to index
        %get3A_531 = arith.constant 0 : index
        %get3A_532 = tpu.vector_load %arg5[%get3A_530, %get3A_531] {strides = array<i32>} : memref<200x128xi32, #tpu.memory_space<vmem>>, vector<16xi32>,
        %ne3A_533 = arith.constant 0 : i32
        %ne3A_534 = vector.broadcast %ne3A_533 : i32 to vector<16xi32>
        %ne3A_535 = arith.cmpi ne, %get3A_532, %ne3A_534 : vector<16xi32>
        %jit3A_536 = arith.constant 1.000000e+00 : f32
        %jit3A_537 = arith.constant 0.000000e+00 : f32
        %broadcast_in_dim3A_538 = vector.broadcast %jit3A_536 : f32 to vector<16xf32>
        %broadcast_in_dim3A_539 = vector.broadcast %jit3A_537 : f32 to vector<16xf32>
        %select_n3A_540 = arith.select %ne3A_535, %broadcast_in_dim3A_538, %broadcast_in_dim3A_539 : vector<16xi1>, vector<16xf32>
        %add3A_541 = arith.addf %add3A_443, %select_n3A_540 : vector<16xf32>
        %get3A_542 = arith.index_cast %scan3A_529 : i32 to index
        %get3A_543 = arith.constant 16 : index
        %get3A_544 = tpu.vector_load %arg5[%get3A_542, %get3A_543] {strides = array<i32>} : memref<200x128xi32, #tpu.memory_space<vmem>>, vector<16xi32>,
        %ne3A_545 = arith.constant 0 : i32
        %ne3A_546 = vector.broadcast %ne3A_545 : i32 to vector<16xi32>
        %ne3A_547 = arith.cmpi ne, %get3A_544, %ne3A_546 : vector<16xi32>
        %jit3A_548 = arith.constant 1.000000e+00 : f32
        %jit3A_549 = arith.constant 0.000000e+00 : f32
        %broadcast_in_dim3A_550 = vector.broadcast %jit3A_548 : f32 to vector<16xf32>
        %broadcast_in_dim3A_551 = vector.broadcast %jit3A_549 : f32 to vector<16xf32>
        %select_n3A_552 = arith.select %ne3A_547, %broadcast_in_dim3A_550, %broadcast_in_dim3A_551 : vector<16xi1>, vector<16xf32>
        %add3A_553 = arith.addf %add3A_455, %select_n3A_552 : vector<16xf32>
        %get3A_554 = arith.index_cast %scan3A_529 : i32 to index
        %get3A_555 = arith.constant 32 : index
        %get3A_556 = tpu.vector_load %arg5[%get3A_554, %get3A_555] {strides = array<i32>} : memref<200x128xi32, #tpu.memory_space<vmem>>, vector<16xi32>,
        %ne3A_557 = arith.constant 0 : i32
        %ne3A_558 = vector.broadcast %ne3A_557 : i32 to vector<16xi32>
        %ne3A_559 = arith.cmpi ne, %get3A_556, %ne3A_558 : vector<16xi32>
        %jit3A_560 = arith.constant 1.000000e+00 : f32
        %jit3A_561 = arith.constant 0.000000e+00 : f32
        %broadcast_in_dim3A_562 = vector.broadcast %jit3A_560 : f32 to vector<16xf32>
        %broadcast_in_dim3A_563 = vector.broadcast %jit3A_561 : f32 to vector<16xf32>
        %select_n3A_564 = arith.select %ne3A_559, %broadcast_in_dim3A_562, %broadcast_in_dim3A_563 : vector<16xi1>, vector<16xf32>
        %add3A_565 = arith.addf %add3A_467, %select_n3A_564 : vector<16xf32>
        %get3A_566 = arith.index_cast %scan3A_529 : i32 to index
        %get3A_567 = arith.constant 48 : index
        %get3A_568 = tpu.vector_load %arg5[%get3A_566, %get3A_567] {strides = array<i32>} : memref<200x128xi32, #tpu.memory_space<vmem>>, vector<16xi32>,
        %ne3A_569 = arith.constant 0 : i32
        %ne3A_570 = vector.broadcast %ne3A_569 : i32 to vector<16xi32>
        %ne3A_571 = arith.cmpi ne, %get3A_568, %ne3A_570 : vector<16xi32>
        %jit3A_572 = arith.constant 1.000000e+00 : f32
        %jit3A_573 = arith.constant 0.000000e+00 : f32
        %broadcast_in_dim3A_574 = vector.broadcast %jit3A_572 : f32 to vector<16xf32>
        %broadcast_in_dim3A_575 = vector.broadcast %jit3A_573 : f32 to vector<16xf32>
        %select_n3A_576 = arith.select %ne3A_571, %broadcast_in_dim3A_574, %broadcast_in_dim3A_575 : vector<16xi1>, vector<16xf32>
        %add3A_577 = arith.addf %add3A_479, %select_n3A_576 : vector<16xf32>
        %get3A_578 = arith.index_cast %scan3A_529 : i32 to index
        %get3A_579 = arith.constant 64 : index
        %get3A_580 = tpu.vector_load %arg5[%get3A_578, %get3A_579] {strides = array<i32>} : memref<200x128xi32, #tpu.memory_space<vmem>>, vector<16xi32>,
        %ne3A_581 = arith.constant 0 : i32
        %ne3A_582 = vector.broadcast %ne3A_581 : i32 to vector<16xi32>
        %ne3A_583 = arith.cmpi ne, %get3A_580, %ne3A_582 : vector<16xi32>
        %jit3A_584 = arith.constant 1.000000e+00 : f32
        %jit3A_585 = arith.constant 0.000000e+00 : f32
        %broadcast_in_dim3A_586 = vector.broadcast %jit3A_584 : f32 to vector<16xf32>
        %broadcast_in_dim3A_587 = vector.broadcast %jit3A_585 : f32 to vector<16xf32>
        %select_n3A_588 = arith.select %ne3A_583, %broadcast_in_dim3A_586, %broadcast_in_dim3A_587 : vector<16xi1>, vector<16xf32>
        %add3A_589 = arith.addf %add3A_491, %select_n3A_588 : vector<16xf32>
        %get3A_590 = arith.index_cast %scan3A_529 : i32 to index
        %get3A_591 = arith.constant 80 : index
        %get3A_592 = tpu.vector_load %arg5[%get3A_590, %get3A_591] {strides = array<i32>} : memref<200x128xi32, #tpu.memory_space<vmem>>, vector<16xi32>,
        %ne3A_593 = arith.constant 0 : i32
        %ne3A_594 = vector.broadcast %ne3A_593 : i32 to vector<16xi32>
        %ne3A_595 = arith.cmpi ne, %get3A_592, %ne3A_594 : vector<16xi32>
        %jit3A_596 = arith.constant 1.000000e+00 : f32
        %jit3A_597 = arith.constant 0.000000e+00 : f32
        %broadcast_in_dim3A_598 = vector.broadcast %jit3A_596 : f32 to vector<16xf32>
        %broadcast_in_dim3A_599 = vector.broadcast %jit3A_597 : f32 to vector<16xf32>
        %select_n3A_600 = arith.select %ne3A_595, %broadcast_in_dim3A_598, %broadcast_in_dim3A_599 : vector<16xi1>, vector<16xf32>
        %add3A_601 = arith.addf %add3A_503, %select_n3A_600 : vector<16xf32>
        %get3A_602 = arith.index_cast %scan3A_529 : i32 to index
        %get3A_603 = arith.constant 96 : index
        %get3A_604 = tpu.vector_load %arg5[%get3A_602, %get3A_603] {strides = array<i32>} : memref<200x128xi32, #tpu.memory_space<vmem>>, vector<16xi32>,
        %ne3A_605 = arith.constant 0 : i32
        %ne3A_606 = vector.broadcast %ne3A_605 : i32 to vector<16xi32>
        %ne3A_607 = arith.cmpi ne, %get3A_604, %ne3A_606 : vector<16xi32>
        %jit3A_608 = arith.constant 1.000000e+00 : f32
        %jit3A_609 = arith.constant 0.000000e+00 : f32
        %broadcast_in_dim3A_610 = vector.broadcast %jit3A_608 : f32 to vector<16xf32>
        %broadcast_in_dim3A_611 = vector.broadcast %jit3A_609 : f32 to vector<16xf32>
        %select_n3A_612 = arith.select %ne3A_607, %broadcast_in_dim3A_610, %broadcast_in_dim3A_611 : vector<16xi1>, vector<16xf32>
        %add3A_613 = arith.addf %add3A_515, %select_n3A_612 : vector<16xf32>
        %get3A_614 = arith.index_cast %scan3A_529 : i32 to index
        %get3A_615 = arith.constant 112 : index
        %get3A_616 = tpu.vector_load %arg5[%get3A_614, %get3A_615] {strides = array<i32>} : memref<200x128xi32, #tpu.memory_space<vmem>>, vector<16xi32>,
        %ne3A_617 = arith.constant 0 : i32
        %ne3A_618 = vector.broadcast %ne3A_617 : i32 to vector<16xi32>
        %ne3A_619 = arith.cmpi ne, %get3A_616, %ne3A_618 : vector<16xi32>
        %jit3A_620 = arith.constant 1.000000e+00 : f32
        %jit3A_621 = arith.constant 0.000000e+00 : f32
        %broadcast_in_dim3A_622 = vector.broadcast %jit3A_620 : f32 to vector<16xf32>
        %broadcast_in_dim3A_623 = vector.broadcast %jit3A_621 : f32 to vector<16xf32>
        %select_n3A_624 = arith.select %ne3A_619, %broadcast_in_dim3A_622, %broadcast_in_dim3A_623 : vector<16xi1>, vector<16xf32>
        %add3A_625 = arith.addf %add3A_527, %select_n3A_624 : vector<16xf32>
        %scan3A_626 = arith.constant 3 : i32
        %scan3A_627 = arith.addi %scan3A_326, %scan3A_626 : i32
        %get3A_628 = arith.index_cast %scan3A_627 : i32 to index
        %get3A_629 = arith.constant 0 : index
        %get3A_630 = tpu.vector_load %arg5[%get3A_628, %get3A_629] {strides = array<i32>} : memref<200x128xi32, #tpu.memory_space<vmem>>, vector<16xi32>,
        %ne3A_631 = arith.constant 0 : i32
        %ne3A_632 = vector.broadcast %ne3A_631 : i32 to vector<16xi32>
        %ne3A_633 = arith.cmpi ne, %get3A_630, %ne3A_632 : vector<16xi32>
        %jit3A_634 = arith.constant 1.000000e+00 : f32
        %jit3A_635 = arith.constant 0.000000e+00 : f32
        %broadcast_in_dim3A_636 = vector.broadcast %jit3A_634 : f32 to vector<16xf32>
        %broadcast_in_dim3A_637 = vector.broadcast %jit3A_635 : f32 to vector<16xf32>
        %select_n3A_638 = arith.select %ne3A_633, %broadcast_in_dim3A_636, %broadcast_in_dim3A_637 : vector<16xi1>, vector<16xf32>
        %add3A_639 = arith.addf %add3A_541, %select_n3A_638 : vector<16xf32>
        %get3A_640 = arith.index_cast %scan3A_627 : i32 to index
        %get3A_641 = arith.constant 16 : index
        %get3A_642 = tpu.vector_load %arg5[%get3A_640, %get3A_641] {strides = array<i32>} : memref<200x128xi32, #tpu.memory_space<vmem>>, vector<16xi32>,
        %ne3A_643 = arith.constant 0 : i32
        %ne3A_644 = vector.broadcast %ne3A_643 : i32 to vector<16xi32>
        %ne3A_645 = arith.cmpi ne, %get3A_642, %ne3A_644 : vector<16xi32>
        %jit3A_646 = arith.constant 1.000000e+00 : f32
        %jit3A_647 = arith.constant 0.000000e+00 : f32
        %broadcast_in_dim3A_648 = vector.broadcast %jit3A_646 : f32 to vector<16xf32>
        %broadcast_in_dim3A_649 = vector.broadcast %jit3A_647 : f32 to vector<16xf32>
        %select_n3A_650 = arith.select %ne3A_645, %broadcast_in_dim3A_648, %broadcast_in_dim3A_649 : vector<16xi1>, vector<16xf32>
        %add3A_651 = arith.addf %add3A_553, %select_n3A_650 : vector<16xf32>
        %get3A_652 = arith.index_cast %scan3A_627 : i32 to index
        %get3A_653 = arith.constant 32 : index
        %get3A_654 = tpu.vector_load %arg5[%get3A_652, %get3A_653] {strides = array<i32>} : memref<200x128xi32, #tpu.memory_space<vmem>>, vector<16xi32>,
        %ne3A_655 = arith.constant 0 : i32
        %ne3A_656 = vector.broadcast %ne3A_655 : i32 to vector<16xi32>
        %ne3A_657 = arith.cmpi ne, %get3A_654, %ne3A_656 : vector<16xi32>
        %jit3A_658 = arith.constant 1.000000e+00 : f32
        %jit3A_659 = arith.constant 0.000000e+00 : f32
        %broadcast_in_dim3A_660 = vector.broadcast %jit3A_658 : f32 to vector<16xf32>
        %broadcast_in_dim3A_661 = vector.broadcast %jit3A_659 : f32 to vector<16xf32>
        %select_n3A_662 = arith.select %ne3A_657, %broadcast_in_dim3A_660, %broadcast_in_dim3A_661 : vector<16xi1>, vector<16xf32>
        %add3A_663 = arith.addf %add3A_565, %select_n3A_662 : vector<16xf32>
        %get3A_664 = arith.index_cast %scan3A_627 : i32 to index
        %get3A_665 = arith.constant 48 : index
        %get3A_666 = tpu.vector_load %arg5[%get3A_664, %get3A_665] {strides = array<i32>} : memref<200x128xi32, #tpu.memory_space<vmem>>, vector<16xi32>,
        %ne3A_667 = arith.constant 0 : i32
        %ne3A_668 = vector.broadcast %ne3A_667 : i32 to vector<16xi32>
        %ne3A_669 = arith.cmpi ne, %get3A_666, %ne3A_668 : vector<16xi32>
        %jit3A_670 = arith.constant 1.000000e+00 : f32
        %jit3A_671 = arith.constant 0.000000e+00 : f32
        %broadcast_in_dim3A_672 = vector.broadcast %jit3A_670 : f32 to vector<16xf32>
        %broadcast_in_dim3A_673 = vector.broadcast %jit3A_671 : f32 to vector<16xf32>
        %select_n3A_674 = arith.select %ne3A_669, %broadcast_in_dim3A_672, %broadcast_in_dim3A_673 : vector<16xi1>, vector<16xf32>
        %add3A_675 = arith.addf %add3A_577, %select_n3A_674 : vector<16xf32>
        %get3A_676 = arith.index_cast %scan3A_627 : i32 to index
        %get3A_677 = arith.constant 64 : index
        %get3A_678 = tpu.vector_load %arg5[%get3A_676, %get3A_677] {strides = array<i32>} : memref<200x128xi32, #tpu.memory_space<vmem>>, vector<16xi32>,
        %ne3A_679 = arith.constant 0 : i32
        %ne3A_680 = vector.broadcast %ne3A_679 : i32 to vector<16xi32>
        %ne3A_681 = arith.cmpi ne, %get3A_678, %ne3A_680 : vector<16xi32>
        %jit3A_682 = arith.constant 1.000000e+00 : f32
        %jit3A_683 = arith.constant 0.000000e+00 : f32
        %broadcast_in_dim3A_684 = vector.broadcast %jit3A_682 : f32 to vector<16xf32>
        %broadcast_in_dim3A_685 = vector.broadcast %jit3A_683 : f32 to vector<16xf32>
        %select_n3A_686 = arith.select %ne3A_681, %broadcast_in_dim3A_684, %broadcast_in_dim3A_685 : vector<16xi1>, vector<16xf32>
        %add3A_687 = arith.addf %add3A_589, %select_n3A_686 : vector<16xf32>
        %get3A_688 = arith.index_cast %scan3A_627 : i32 to index
        %get3A_689 = arith.constant 80 : index
        %get3A_690 = tpu.vector_load %arg5[%get3A_688, %get3A_689] {strides = array<i32>} : memref<200x128xi32, #tpu.memory_space<vmem>>, vector<16xi32>,
        %ne3A_691 = arith.constant 0 : i32
        %ne3A_692 = vector.broadcast %ne3A_691 : i32 to vector<16xi32>
        %ne3A_693 = arith.cmpi ne, %get3A_690, %ne3A_692 : vector<16xi32>
        %jit3A_694 = arith.constant 1.000000e+00 : f32
        %jit3A_695 = arith.constant 0.000000e+00 : f32
        %broadcast_in_dim3A_696 = vector.broadcast %jit3A_694 : f32 to vector<16xf32>
        %broadcast_in_dim3A_697 = vector.broadcast %jit3A_695 : f32 to vector<16xf32>
        %select_n3A_698 = arith.select %ne3A_693, %broadcast_in_dim3A_696, %broadcast_in_dim3A_697 : vector<16xi1>, vector<16xf32>
        %add3A_699 = arith.addf %add3A_601, %select_n3A_698 : vector<16xf32>
        %get3A_700 = arith.index_cast %scan3A_627 : i32 to index
        %get3A_701 = arith.constant 96 : index
        %get3A_702 = tpu.vector_load %arg5[%get3A_700, %get3A_701] {strides = array<i32>} : memref<200x128xi32, #tpu.memory_space<vmem>>, vector<16xi32>,
        %ne3A_703 = arith.constant 0 : i32
        %ne3A_704 = vector.broadcast %ne3A_703 : i32 to vector<16xi32>
        %ne3A_705 = arith.cmpi ne, %get3A_702, %ne3A_704 : vector<16xi32>
        %jit3A_706 = arith.constant 1.000000e+00 : f32
        %jit3A_707 = arith.constant 0.000000e+00 : f32
        %broadcast_in_dim3A_708 = vector.broadcast %jit3A_706 : f32 to vector<16xf32>
        %broadcast_in_dim3A_709 = vector.broadcast %jit3A_707 : f32 to vector<16xf32>
        %select_n3A_710 = arith.select %ne3A_705, %broadcast_in_dim3A_708, %broadcast_in_dim3A_709 : vector<16xi1>, vector<16xf32>
        %add3A_711 = arith.addf %add3A_613, %select_n3A_710 : vector<16xf32>
        %get3A_712 = arith.index_cast %scan3A_627 : i32 to index
        %get3A_713 = arith.constant 112 : index
        %get3A_714 = tpu.vector_load %arg5[%get3A_712, %get3A_713] {strides = array<i32>} : memref<200x128xi32, #tpu.memory_space<vmem>>, vector<16xi32>,
        %ne3A_715 = arith.constant 0 : i32
        %ne3A_716 = vector.broadcast %ne3A_715 : i32 to vector<16xi32>
        %ne3A_717 = arith.cmpi ne, %get3A_714, %ne3A_716 : vector<16xi32>
        %jit3A_718 = arith.constant 1.000000e+00 : f32
        %jit3A_719 = arith.constant 0.000000e+00 : f32
        %broadcast_in_dim3A_720 = vector.broadcast %jit3A_718 : f32 to vector<16xf32>
        %broadcast_in_dim3A_721 = vector.broadcast %jit3A_719 : f32 to vector<16xf32>
        %select_n3A_722 = arith.select %ne3A_717, %broadcast_in_dim3A_720, %broadcast_in_dim3A_721 : vector<16xi1>, vector<16xf32>
        %add3A_723 = arith.addf %add3A_625, %select_n3A_722 : vector<16xf32>
        scf.yield %add3A_639, %add3A_651, %add3A_663, %add3A_675, %add3A_687, %add3A_699, %add3A_711, %add3A_723 : vector<16xf32>, vector<16xf32>, vector<16xf32>, vector<16xf32>, vector<16xf32>, vector<16xf32>, vector<16xf32>, vector<16xf32>
      }
      %scan3A_148 = arith.constant 200 : i32
      %gt3A = arith.constant 0.000000e+00 : f32
      %gt3A_149 = vector.broadcast %gt3A : f32 to vector<16xf32>
      %gt3A_150 = arith.cmpf ogt, %scan3A_147#0, %gt3A_149 : vector<16xf32>
      %add3A_151 = arith.constant 9.99999993E-9 : f32
      %add3A_152 = vector.broadcast %add3A_151 : f32 to vector<16xf32>
      %add3A_153 = arith.addf %scan3A_147#0, %add3A_152 : vector<16xf32>
      %div3A = arith.constant 1.000000e+00 : f32
      %div3A_154 = vector.broadcast %div3A : f32 to vector<16xf32>
      %div3A_155 = arith.divf %div3A_154, %add3A_153 : vector<16xf32>
      %jit3A = arith.constant 0.000000e+00 : f32
      %broadcast_in_dim3A_156 = vector.broadcast %jit3A : f32 to vector<16xf32>
      %select_n3A = arith.select %gt3A_150, %div3A_155, %broadcast_in_dim3A_156 : vector<16xi1>, vector<16xf32>
      %sub3A = arith.constant 2.000000e+02 : f32
      %sub3A_157 = vector.broadcast %sub3A : f32 to vector<16xf32>
      %sub3A_158 = arith.subf %scan3A_147#0, %sub3A_157 : vector<16xf32>
      %mul3A_159 = arith.mulf %sub3A_158, %select_n3A : vector<16xf32>
      %swap3A = arith.constant 0 : index
      %swap3A_160 = tpu.vector_load %arg9[%swap3A] {strides = array<i32>} : memref<128xf32, #tpu.memory_space<vmem>>, vector<16xf32>,
      tpu.vector_store %arg9[%swap3A], %select_n3A {strides = array<i32>} : memref<128xf32, #tpu.memory_space<vmem>>, vector<16xf32>,
      %swap3A_161 = arith.constant 0 : index
      %swap3A_162 = tpu.vector_load %arg10[%swap3A_161] {strides = array<i32>} : memref<128xf32, #tpu.memory_space<vmem>>, vector<16xf32>,
      tpu.vector_store %arg10[%swap3A_161], %mul3A_159 {strides = array<i32>} : memref<128xf32, #tpu.memory_space<vmem>>, vector<16xf32>,
      %gt3A_163 = arith.constant 0.000000e+00 : f32
      %gt3A_164 = vector.broadcast %gt3A_163 : f32 to vector<16xf32>
      %gt3A_165 = arith.cmpf ogt, %scan3A_147#1, %gt3A_164 : vector<16xf32>
      %add3A_166 = arith.constant 9.99999993E-9 : f32
      %add3A_167 = vector.broadcast %add3A_166 : f32 to vector<16xf32>
      %add3A_168 = arith.addf %scan3A_147#1, %add3A_167 : vector<16xf32>
      %div3A_169 = arith.constant 1.000000e+00 : f32
      %div3A_170 = vector.broadcast %div3A_169 : f32 to vector<16xf32>
      %div3A_171 = arith.divf %div3A_170, %add3A_168 : vector<16xf32>
      %jit3A_172 = arith.constant 0.000000e+00 : f32
      %broadcast_in_dim3A_173 = vector.broadcast %jit3A_172 : f32 to vector<16xf32>
      %select_n3A_174 = arith.select %gt3A_165, %div3A_171, %broadcast_in_dim3A_173 : vector<16xi1>, vector<16xf32>
      %sub3A_175 = arith.constant 2.000000e+02 : f32
      %sub3A_176 = vector.broadcast %sub3A_175 : f32 to vector<16xf32>
      %sub3A_177 = arith.subf %scan3A_147#1, %sub3A_176 : vector<16xf32>
      %mul3A_178 = arith.mulf %sub3A_177, %select_n3A_174 : vector<16xf32>
      %swap3A_179 = arith.constant 16 : index
      %swap3A_180 = tpu.vector_load %arg9[%swap3A_179] {strides = array<i32>} : memref<128xf32, #tpu.memory_space<vmem>>, vector<16xf32>,
      tpu.vector_store %arg9[%swap3A_179], %select_n3A_174 {strides = array<i32>} : memref<128xf32, #tpu.memory_space<vmem>>, vector<16xf32>,
      %swap3A_181 = arith.constant 16 : index
      %swap3A_182 = tpu.vector_load %arg10[%swap3A_181] {strides = array<i32>} : memref<128xf32, #tpu.memory_space<vmem>>, vector<16xf32>,
      tpu.vector_store %arg10[%swap3A_181], %mul3A_178 {strides = array<i32>} : memref<128xf32, #tpu.memory_space<vmem>>, vector<16xf32>,
      %gt3A_183 = arith.constant 0.000000e+00 : f32
      %gt3A_184 = vector.broadcast %gt3A_183 : f32 to vector<16xf32>
      %gt3A_185 = arith.cmpf ogt, %scan3A_147#2, %gt3A_184 : vector<16xf32>
      %add3A_186 = arith.constant 9.99999993E-9 : f32
      %add3A_187 = vector.broadcast %add3A_186 : f32 to vector<16xf32>
      %add3A_188 = arith.addf %scan3A_147#2, %add3A_187 : vector<16xf32>
      %div3A_189 = arith.constant 1.000000e+00 : f32
      %div3A_190 = vector.broadcast %div3A_189 : f32 to vector<16xf32>
      %div3A_191 = arith.divf %div3A_190, %add3A_188 : vector<16xf32>
      %jit3A_192 = arith.constant 0.000000e+00 : f32
      %broadcast_in_dim3A_193 = vector.broadcast %jit3A_192 : f32 to vector<16xf32>
      %select_n3A_194 = arith.select %gt3A_185, %div3A_191, %broadcast_in_dim3A_193 : vector<16xi1>, vector<16xf32>
      %sub3A_195 = arith.constant 2.000000e+02 : f32
      %sub3A_196 = vector.broadcast %sub3A_195 : f32 to vector<16xf32>
      %sub3A_197 = arith.subf %scan3A_147#2, %sub3A_196 : vector<16xf32>
      %mul3A_198 = arith.mulf %sub3A_197, %select_n3A_194 : vector<16xf32>
      %swap3A_199 = arith.constant 32 : index
      %swap3A_200 = tpu.vector_load %arg9[%swap3A_199] {strides = array<i32>} : memref<128xf32, #tpu.memory_space<vmem>>, vector<16xf32>,
      tpu.vector_store %arg9[%swap3A_199], %select_n3A_194 {strides = array<i32>} : memref<128xf32, #tpu.memory_space<vmem>>, vector<16xf32>,
      %swap3A_201 = arith.constant 32 : index
      %swap3A_202 = tpu.vector_load %arg10[%swap3A_201] {strides = array<i32>} : memref<128xf32, #tpu.memory_space<vmem>>, vector<16xf32>,
      tpu.vector_store %arg10[%swap3A_201], %mul3A_198 {strides = array<i32>} : memref<128xf32, #tpu.memory_space<vmem>>, vector<16xf32>,
      %gt3A_203 = arith.constant 0.000000e+00 : f32
      %gt3A_204 = vector.broadcast %gt3A_203 : f32 to vector<16xf32>
      %gt3A_205 = arith.cmpf ogt, %scan3A_147#3, %gt3A_204 : vector<16xf32>
      %add3A_206 = arith.constant 9.99999993E-9 : f32
      %add3A_207 = vector.broadcast %add3A_206 : f32 to vector<16xf32>
      %add3A_208 = arith.addf %scan3A_147#3, %add3A_207 : vector<16xf32>
      %div3A_209 = arith.constant 1.000000e+00 : f32
      %div3A_210 = vector.broadcast %div3A_209 : f32 to vector<16xf32>
      %div3A_211 = arith.divf %div3A_210, %add3A_208 : vector<16xf32>
      %jit3A_212 = arith.constant 0.000000e+00 : f32
      %broadcast_in_dim3A_213 = vector.broadcast %jit3A_212 : f32 to vector<16xf32>
      %select_n3A_214 = arith.select %gt3A_205, %div3A_211, %broadcast_in_dim3A_213 : vector<16xi1>, vector<16xf32>
      %sub3A_215 = arith.constant 2.000000e+02 : f32
      %sub3A_216 = vector.broadcast %sub3A_215 : f32 to vector<16xf32>
      %sub3A_217 = arith.subf %scan3A_147#3, %sub3A_216 : vector<16xf32>
      %mul3A_218 = arith.mulf %sub3A_217, %select_n3A_214 : vector<16xf32>
      %swap3A_219 = arith.constant 48 : index
      %swap3A_220 = tpu.vector_load %arg9[%swap3A_219] {strides = array<i32>} : memref<128xf32, #tpu.memory_space<vmem>>, vector<16xf32>,
      tpu.vector_store %arg9[%swap3A_219], %select_n3A_214 {strides = array<i32>} : memref<128xf32, #tpu.memory_space<vmem>>, vector<16xf32>,
      %swap3A_221 = arith.constant 48 : index
      %swap3A_222 = tpu.vector_load %arg10[%swap3A_221] {strides = array<i32>} : memref<128xf32, #tpu.memory_space<vmem>>, vector<16xf32>,
      tpu.vector_store %arg10[%swap3A_221], %mul3A_218 {strides = array<i32>} : memref<128xf32, #tpu.memory_space<vmem>>, vector<16xf32>,
      %gt3A_223 = arith.constant 0.000000e+00 : f32
      %gt3A_224 = vector.broadcast %gt3A_223 : f32 to vector<16xf32>
      %gt3A_225 = arith.cmpf ogt, %scan3A_147#4, %gt3A_224 : vector<16xf32>
      %add3A_226 = arith.constant 9.99999993E-9 : f32
      %add3A_227 = vector.broadcast %add3A_226 : f32 to vector<16xf32>
      %add3A_228 = arith.addf %scan3A_147#4, %add3A_227 : vector<16xf32>
      %div3A_229 = arith.constant 1.000000e+00 : f32
      %div3A_230 = vector.broadcast %div3A_229 : f32 to vector<16xf32>
      %div3A_231 = arith.divf %div3A_230, %add3A_228 : vector<16xf32>
      %jit3A_232 = arith.constant 0.000000e+00 : f32
      %broadcast_in_dim3A_233 = vector.broadcast %jit3A_232 : f32 to vector<16xf32>
      %select_n3A_234 = arith.select %gt3A_225, %div3A_231, %broadcast_in_dim3A_233 : vector<16xi1>, vector<16xf32>
      %sub3A_235 = arith.constant 2.000000e+02 : f32
      %sub3A_236 = vector.broadcast %sub3A_235 : f32 to vector<16xf32>
      %sub3A_237 = arith.subf %scan3A_147#4, %sub3A_236 : vector<16xf32>
      %mul3A_238 = arith.mulf %sub3A_237, %select_n3A_234 : vector<16xf32>
      %swap3A_239 = arith.constant 64 : index
      %swap3A_240 = tpu.vector_load %arg9[%swap3A_239] {strides = array<i32>} : memref<128xf32, #tpu.memory_space<vmem>>, vector<16xf32>,
      tpu.vector_store %arg9[%swap3A_239], %select_n3A_234 {strides = array<i32>} : memref<128xf32, #tpu.memory_space<vmem>>, vector<16xf32>,
      %swap3A_241 = arith.constant 64 : index
      %swap3A_242 = tpu.vector_load %arg10[%swap3A_241] {strides = array<i32>} : memref<128xf32, #tpu.memory_space<vmem>>, vector<16xf32>,
      tpu.vector_store %arg10[%swap3A_241], %mul3A_238 {strides = array<i32>} : memref<128xf32, #tpu.memory_space<vmem>>, vector<16xf32>,
      %gt3A_243 = arith.constant 0.000000e+00 : f32
      %gt3A_244 = vector.broadcast %gt3A_243 : f32 to vector<16xf32>
      %gt3A_245 = arith.cmpf ogt, %scan3A_147#5, %gt3A_244 : vector<16xf32>
      %add3A_246 = arith.constant 9.99999993E-9 : f32
      %add3A_247 = vector.broadcast %add3A_246 : f32 to vector<16xf32>
      %add3A_248 = arith.addf %scan3A_147#5, %add3A_247 : vector<16xf32>
      %div3A_249 = arith.constant 1.000000e+00 : f32
      %div3A_250 = vector.broadcast %div3A_249 : f32 to vector<16xf32>
      %div3A_251 = arith.divf %div3A_250, %add3A_248 : vector<16xf32>
      %jit3A_252 = arith.constant 0.000000e+00 : f32
      %broadcast_in_dim3A_253 = vector.broadcast %jit3A_252 : f32 to vector<16xf32>
      %select_n3A_254 = arith.select %gt3A_245, %div3A_251, %broadcast_in_dim3A_253 : vector<16xi1>, vector<16xf32>
      %sub3A_255 = arith.constant 2.000000e+02 : f32
      %sub3A_256 = vector.broadcast %sub3A_255 : f32 to vector<16xf32>
      %sub3A_257 = arith.subf %scan3A_147#5, %sub3A_256 : vector<16xf32>
      %mul3A_258 = arith.mulf %sub3A_257, %select_n3A_254 : vector<16xf32>
      %swap3A_259 = arith.constant 80 : index
      %swap3A_260 = tpu.vector_load %arg9[%swap3A_259] {strides = array<i32>} : memref<128xf32, #tpu.memory_space<vmem>>, vector<16xf32>,
      tpu.vector_store %arg9[%swap3A_259], %select_n3A_254 {strides = array<i32>} : memref<128xf32, #tpu.memory_space<vmem>>, vector<16xf32>,
      %swap3A_261 = arith.constant 80 : index
      %swap3A_262 = tpu.vector_load %arg10[%swap3A_261] {strides = array<i32>} : memref<128xf32, #tpu.memory_space<vmem>>, vector<16xf32>,
      tpu.vector_store %arg10[%swap3A_261], %mul3A_258 {strides = array<i32>} : memref<128xf32, #tpu.memory_space<vmem>>, vector<16xf32>,
      %gt3A_263 = arith.constant 0.000000e+00 : f32
      %gt3A_264 = vector.broadcast %gt3A_263 : f32 to vector<16xf32>
      %gt3A_265 = arith.cmpf ogt, %scan3A_147#6, %gt3A_264 : vector<16xf32>
      %add3A_266 = arith.constant 9.99999993E-9 : f32
      %add3A_267 = vector.broadcast %add3A_266 : f32 to vector<16xf32>
      %add3A_268 = arith.addf %scan3A_147#6, %add3A_267 : vector<16xf32>
      %div3A_269 = arith.constant 1.000000e+00 : f32
      %div3A_270 = vector.broadcast %div3A_269 : f32 to vector<16xf32>
      %div3A_271 = arith.divf %div3A_270, %add3A_268 : vector<16xf32>
      %jit3A_272 = arith.constant 0.000000e+00 : f32
      %broadcast_in_dim3A_273 = vector.broadcast %jit3A_272 : f32 to vector<16xf32>
      %select_n3A_274 = arith.select %gt3A_265, %div3A_271, %broadcast_in_dim3A_273 : vector<16xi1>, vector<16xf32>
      %sub3A_275 = arith.constant 2.000000e+02 : f32
      %sub3A_276 = vector.broadcast %sub3A_275 : f32 to vector<16xf32>
      %sub3A_277 = arith.subf %scan3A_147#6, %sub3A_276 : vector<16xf32>
      %mul3A_278 = arith.mulf %sub3A_277, %select_n3A_274 : vector<16xf32>
      %swap3A_279 = arith.constant 96 : index
      %swap3A_280 = tpu.vector_load %arg9[%swap3A_279] {strides = array<i32>} : memref<128xf32, #tpu.memory_space<vmem>>, vector<16xf32>,
      tpu.vector_store %arg9[%swap3A_279], %select_n3A_274 {strides = array<i32>} : memref<128xf32, #tpu.memory_space<vmem>>, vector<16xf32>,
      %swap3A_281 = arith.constant 96 : index
      %swap3A_282 = tpu.vector_load %arg10[%swap3A_281] {strides = array<i32>} : memref<128xf32, #tpu.memory_space<vmem>>, vector<16xf32>,
      tpu.vector_store %arg10[%swap3A_281], %mul3A_278 {strides = array<i32>} : memref<128xf32, #tpu.memory_space<vmem>>, vector<16xf32>,
      %gt3A_283 = arith.constant 0.000000e+00 : f32
      %gt3A_284 = vector.broadcast %gt3A_283 : f32 to vector<16xf32>
      %gt3A_285 = arith.cmpf ogt, %scan3A_147#7, %gt3A_284 : vector<16xf32>
      %add3A_286 = arith.constant 9.99999993E-9 : f32
      %add3A_287 = vector.broadcast %add3A_286 : f32 to vector<16xf32>
      %add3A_288 = arith.addf %scan3A_147#7, %add3A_287 : vector<16xf32>
      %div3A_289 = arith.constant 1.000000e+00 : f32
      %div3A_290 = vector.broadcast %div3A_289 : f32 to vector<16xf32>
      %div3A_291 = arith.divf %div3A_290, %add3A_288 : vector<16xf32>
      %jit3A_292 = arith.constant 0.000000e+00 : f32
      %broadcast_in_dim3A_293 = vector.broadcast %jit3A_292 : f32 to vector<16xf32>
      %select_n3A_294 = arith.select %gt3A_285, %div3A_291, %broadcast_in_dim3A_293 : vector<16xi1>, vector<16xf32>
      %sub3A_295 = arith.constant 2.000000e+02 : f32
      %sub3A_296 = vector.broadcast %sub3A_295 : f32 to vector<16xf32>
      %sub3A_297 = arith.subf %scan3A_147#7, %sub3A_296 : vector<16xf32>
      %mul3A_298 = arith.mulf %sub3A_297, %select_n3A_294 : vector<16xf32>
      %swap3A_299 = arith.constant 112 : index
      %swap3A_300 = tpu.vector_load %arg9[%swap3A_299] {strides = array<i32>} : memref<128xf32, #tpu.memory_space<vmem>>, vector<16xf32>,
      tpu.vector_store %arg9[%swap3A_299], %select_n3A_294 {strides = array<i32>} : memref<128xf32, #tpu.memory_space<vmem>>, vector<16xf32>,
      %swap3A_301 = arith.constant 112 : index
      %swap3A_302 = tpu.vector_load %arg10[%swap3A_301] {strides = array<i32>} : memref<128xf32, #tpu.memory_space<vmem>>, vector<16xf32>,
      tpu.vector_store %arg10[%swap3A_301], %mul3A_298 {strides = array<i32>} : memref<128xf32, #tpu.memory_space<vmem>>, vector<16xf32>,
      %get3A = arith.constant 0 : i32
      %get3A_303 = arith.index_cast %get3A : i32 to index
      %get3A_304 = arith.constant 0 : index
      %get3A_305 = tpu.vector_load %arg8[%get3A_303, %get3A_304] {strides = array<i32>} : memref<1x64xf32, #tpu.memory_space<vmem>>, vector<16xf32>,
      %get3A_306 = arith.constant 0 : i32
      %get3A_307 = arith.index_cast %get3A_306 : i32 to index
      %get3A_308 = arith.constant 16 : index
      %get3A_309 = tpu.vector_load %arg8[%get3A_307, %get3A_308] {strides = array<i32>} : memref<1x64xf32, #tpu.memory_space<vmem>>, vector<16xf32>,
      %get3A_310 = arith.constant 0 : i32
      %get3A_311 = arith.index_cast %get3A_310 : i32 to index
      %get3A_312 = arith.constant 32 : index
      %get3A_313 = tpu.vector_load %arg8[%get3A_311, %get3A_312] {strides = array<i32>} : memref<1x64xf32, #tpu.memory_space<vmem>>, vector<16xf32>,
      %get3A_314 = arith.constant 0 : i32
      %get3A_315 = arith.index_cast %get3A_314 : i32 to index
      %get3A_316 = arith.constant 48 : index
      %get3A_317 = tpu.vector_load %arg8[%get3A_315, %get3A_316] {strides = array<i32>} : memref<1x64xf32, #tpu.memory_space<vmem>>, vector<16xf32>,
      %scan3A_318 = arith.constant 0 : i32
      %scan3A_319 = arith.constant 0 : i32
      %scan3A_320 = arith.constant 128 : i32
      %scan3A_321 = arith.addi %scan3A_319, %scan3A_320 : i32
      %scan3A_322 = arith.constant 2 : i32
      %scan3A_323 = scf.for %scan3A_326 = %scan3A_319 to %scan3A_321 step %scan3A_322 iter_args(%scan3A_327 = %scan3A_318) -> (i32)  : i32 {
        %broadcast_in_dim3A_328 = arith.constant 0 : i32
        %broadcast_in_dim3A_329 = vector.broadcast %broadcast_in_dim3A_328 : i32 to vector<16xi32>
        %add3A_330 = vector.broadcast %scan3A_326 : i32 to vector<16xi32>
        %add3A_331 = arith.addi %broadcast_in_dim3A_329, %add3A_330 : vector<16xi32>
        %gather3A = tpu.vector_load_idx %arg9[%add3A_331] : memref<128xf32, #tpu.memory_space<vmem>>[vector<16xi32>], vector<16xf32>,
        %gather3A_332 = tpu.vector_load_idx %arg10[%add3A_331] : memref<128xf32, #tpu.memory_space<vmem>>[vector<16xi32>], vector<16xf32>,
        %get3A_333 = arith.index_cast %scan3A_326 : i32 to index
        %get3A_334 = arith.constant 0 : index
        %get3A_335 = tpu.vector_load %arg7[%get3A_333, %get3A_334] {strides = array<i32>} : memref<128x64xf32, #tpu.memory_space<vmem>>, vector<16xf32>,
        %mul3A_336 = arith.mulf %get3A_335, %gather3A : vector<16xf32>
        %mul3A_337 = arith.mulf %get3A_305, %gather3A_332 : vector<16xf32>
        %add3A_338 = arith.addf %mul3A_336, %mul3A_337 : vector<16xf32>
        %swap3A_339 = arith.index_cast %scan3A_326 : i32 to index
        %swap3A_340 = arith.constant 0 : index
        %swap3A_341 = tpu.vector_load %arg7[%swap3A_339, %swap3A_340] {strides = array<i32>} : memref<128x64xf32, #tpu.memory_space<vmem>>, vector<16xf32>,
        tpu.vector_store %arg7[%swap3A_339, %swap3A_340], %add3A_338 {strides = array<i32>} : memref<128x64xf32, #tpu.memory_space<vmem>>, vector<16xf32>,
        %get3A_342 = arith.index_cast %scan3A_326 : i32 to index
        %get3A_343 = arith.constant 16 : index
        %get3A_344 = tpu.vector_load %arg7[%get3A_342, %get3A_343] {strides = array<i32>} : memref<128x64xf32, #tpu.memory_space<vmem>>, vector<16xf32>,
        %mul3A_345 = arith.mulf %get3A_344, %gather3A : vector<16xf32>
        %mul3A_346 = arith.mulf %get3A_309, %gather3A_332 : vector<16xf32>
        %add3A_347 = arith.addf %mul3A_345, %mul3A_346 : vector<16xf32>
        %swap3A_348 = arith.index_cast %scan3A_326 : i32 to index
        %swap3A_349 = arith.constant 16 : index
        %swap3A_350 = tpu.vector_load %arg7[%swap3A_348, %swap3A_349] {strides = array<i32>} : memref<128x64xf32, #tpu.memory_space<vmem>>, vector<16xf32>,
        tpu.vector_store %arg7[%swap3A_348, %swap3A_349], %add3A_347 {strides = array<i32>} : memref<128x64xf32, #tpu.memory_space<vmem>>, vector<16xf32>,
        %get3A_351 = arith.index_cast %scan3A_326 : i32 to index
        %get3A_352 = arith.constant 32 : index
        %get3A_353 = tpu.vector_load %arg7[%get3A_351, %get3A_352] {strides = array<i32>} : memref<128x64xf32, #tpu.memory_space<vmem>>, vector<16xf32>,
        %mul3A_354 = arith.mulf %get3A_353, %gather3A : vector<16xf32>
        %mul3A_355 = arith.mulf %get3A_313, %gather3A_332 : vector<16xf32>
        %add3A_356 = arith.addf %mul3A_354, %mul3A_355 : vector<16xf32>
        %swap3A_357 = arith.index_cast %scan3A_326 : i32 to index
        %swap3A_358 = arith.constant 32 : index
        %swap3A_359 = tpu.vector_load %arg7[%swap3A_357, %swap3A_358] {strides = array<i32>} : memref<128x64xf32, #tpu.memory_space<vmem>>, vector<16xf32>,
        tpu.vector_store %arg7[%swap3A_357, %swap3A_358], %add3A_356 {strides = array<i32>} : memref<128x64xf32, #tpu.memory_space<vmem>>, vector<16xf32>,
        %get3A_360 = arith.index_cast %scan3A_326 : i32 to index
        %get3A_361 = arith.constant 48 : index
        %get3A_362 = tpu.vector_load %arg7[%get3A_360, %get3A_361] {strides = array<i32>} : memref<128x64xf32, #tpu.memory_space<vmem>>, vector<16xf32>,
        %mul3A_363 = arith.mulf %get3A_362, %gather3A : vector<16xf32>
        %mul3A_364 = arith.mulf %get3A_317, %gather3A_332 : vector<16xf32>
        %add3A_365 = arith.addf %mul3A_363, %mul3A_364 : vector<16xf32>
        %swap3A_366 = arith.index_cast %scan3A_326 : i32 to index
        %swap3A_367 = arith.constant 48 : index
        %swap3A_368 = tpu.vector_load %arg7[%swap3A_366, %swap3A_367] {strides = array<i32>} : memref<128x64xf32, #tpu.memory_space<vmem>>, vector<16xf32>,
        tpu.vector_store %arg7[%swap3A_366, %swap3A_367], %add3A_365 {strides = array<i32>} : memref<128x64xf32, #tpu.memory_space<vmem>>, vector<16xf32>,
        %scan3A_369 = arith.constant 0 : i32
        %scan3A_370 = arith.constant 1 : i32
        %scan3A_371 = arith.addi %scan3A_326, %scan3A_370 : i32
        %broadcast_in_dim3A_372 = arith.constant 0 : i32
        %broadcast_in_dim3A_373 = vector.broadcast %broadcast_in_dim3A_372 : i32 to vector<16xi32>
        %add3A_374 = vector.broadcast %scan3A_371 : i32 to vector<16xi32>
        %add3A_375 = arith.addi %broadcast_in_dim3A_373, %add3A_374 : vector<16xi32>
        %gather3A_376 = tpu.vector_load_idx %arg9[%add3A_375] : memref<128xf32, #tpu.memory_space<vmem>>[vector<16xi32>], vector<16xf32>,
        %gather3A_377 = tpu.vector_load_idx %arg10[%add3A_375] : memref<128xf32, #tpu.memory_space<vmem>>[vector<16xi32>], vector<16xf32>,
        %get3A_378 = arith.index_cast %scan3A_371 : i32 to index
        %get3A_379 = arith.constant 0 : index
        %get3A_380 = tpu.vector_load %arg7[%get3A_378, %get3A_379] {strides = array<i32>} : memref<128x64xf32, #tpu.memory_space<vmem>>, vector<16xf32>,
        %mul3A_381 = arith.mulf %get3A_380, %gather3A_376 : vector<16xf32>
        %mul3A_382 = arith.mulf %get3A_305, %gather3A_377 : vector<16xf32>
        %add3A_383 = arith.addf %mul3A_381, %mul3A_382 : vector<16xf32>
        %swap3A_384 = arith.index_cast %scan3A_371 : i32 to index
        %swap3A_385 = arith.constant 0 : index
        %swap3A_386 = tpu.vector_load %arg7[%swap3A_384, %swap3A_385] {strides = array<i32>} : memref<128x64xf32, #tpu.memory_space<vmem>>, vector<16xf32>,
        tpu.vector_store %arg7[%swap3A_384, %swap3A_385], %add3A_383 {strides = array<i32>} : memref<128x64xf32, #tpu.memory_space<vmem>>, vector<16xf32>,
        %get3A_387 = arith.index_cast %scan3A_371 : i32 to index
        %get3A_388 = arith.constant 16 : index
        %get3A_389 = tpu.vector_load %arg7[%get3A_387, %get3A_388] {strides = array<i32>} : memref<128x64xf32, #tpu.memory_space<vmem>>, vector<16xf32>,
        %mul3A_390 = arith.mulf %get3A_389, %gather3A_376 : vector<16xf32>
        %mul3A_391 = arith.mulf %get3A_309, %gather3A_377 : vector<16xf32>
        %add3A_392 = arith.addf %mul3A_390, %mul3A_391 : vector<16xf32>
        %swap3A_393 = arith.index_cast %scan3A_371 : i32 to index
        %swap3A_394 = arith.constant 16 : index
        %swap3A_395 = tpu.vector_load %arg7[%swap3A_393, %swap3A_394] {strides = array<i32>} : memref<128x64xf32, #tpu.memory_space<vmem>>, vector<16xf32>,
        tpu.vector_store %arg7[%swap3A_393, %swap3A_394], %add3A_392 {strides = array<i32>} : memref<128x64xf32, #tpu.memory_space<vmem>>, vector<16xf32>,
        %get3A_396 = arith.index_cast %scan3A_371 : i32 to index
        %get3A_397 = arith.constant 32 : index
        %get3A_398 = tpu.vector_load %arg7[%get3A_396, %get3A_397] {strides = array<i32>} : memref<128x64xf32, #tpu.memory_space<vmem>>, vector<16xf32>,
        %mul3A_399 = arith.mulf %get3A_398, %gather3A_376 : vector<16xf32>
        %mul3A_400 = arith.mulf %get3A_313, %gather3A_377 : vector<16xf32>
        %add3A_401 = arith.addf %mul3A_399, %mul3A_400 : vector<16xf32>
        %swap3A_402 = arith.index_cast %scan3A_371 : i32 to index
        %swap3A_403 = arith.constant 32 : index
        %swap3A_404 = tpu.vector_load %arg7[%swap3A_402, %swap3A_403] {strides = array<i32>} : memref<128x64xf32, #tpu.memory_space<vmem>>, vector<16xf32>,
        tpu.vector_store %arg7[%swap3A_402, %swap3A_403], %add3A_401 {strides = array<i32>} : memref<128x64xf32, #tpu.memory_space<vmem>>, vector<16xf32>,
        %get3A_405 = arith.index_cast %scan3A_371 : i32 to index
        %get3A_406 = arith.constant 48 : index
        %get3A_407 = tpu.vector_load %arg7[%get3A_405, %get3A_406] {strides = array<i32>} : memref<128x64xf32, #tpu.memory_space<vmem>>, vector<16xf32>,
        %mul3A_408 = arith.mulf %get3A_407, %gather3A_376 : vector<16xf32>
        %mul3A_409 = arith.mulf %get3A_317, %gather3A_377 : vector<16xf32>
        %add3A_410 = arith.addf %mul3A_408, %mul3A_409 : vector<16xf32>
        %swap3A_411 = arith.index_cast %scan3A_371 : i32 to index
        %swap3A_412 = arith.constant 48 : index
        %swap3A_413 = tpu.vector_load %arg7[%swap3A_411, %swap3A_412] {strides = array<i32>} : memref<128x64xf32, #tpu.memory_space<vmem>>, vector<16xf32>,
        tpu.vector_store %arg7[%swap3A_411, %swap3A_412], %add3A_410 {strides = array<i32>} : memref<128x64xf32, #tpu.memory_space<vmem>>, vector<16xf32>,
        %scan3A_414 = arith.constant 0 : i32
        scf.yield %scan3A_414 : i32
      }
      %scan3A_324 = arith.constant 128 : i32
      "tpu.region"() ({
        %run_scoped3A = tpu.sem_alloc : memref<!tpu.dma_semaphore, #tpu.memory_space<semaphore_mem>>
        %dma_start3A_326 = arith.constant 0 : i32
        %dma_start3A_327 = tpu.memref_slice %arg4[%add3A_14, %dma_start3A_326] : memref<16384x64xf32, #tpu.memory_space<hbm>> -> memref<128x64xf32, #tpu.memory_space<hbm>>
        %dma_start3A_328 = arith.constant 0 : i32
        %dma_start3A_329 = tpu.memref_slice %arg4[%add3A_14, %dma_start3A_328] : memref<16384x64xf32, #tpu.memory_space<hbm>> -> memref<128x64xf32, #tpu.memory_space<hbm>>
        tpu.enqueue_dma source(%arg7 : memref<128x64xf32, #tpu.memory_space<vmem>>) target(%dma_start3A_329 : memref<128x64xf32, #tpu.memory_space<hbm>>) target_semaphore(%run_scoped3A : memref<!tpu.dma_semaphore, #tpu.memory_space<semaphore_mem>>)
        %dma_wait3A = arith.constant 0 : i32
        %dma_wait3A_330 = tpu.memref_slice %arg4[%add3A_14, %dma_wait3A] : memref<16384x64xf32, #tpu.memory_space<hbm>> -> memref<128x64xf32, #tpu.memory_space<hbm>>
        %dma_wait3A_331 = arith.constant 0 : i32
        %dma_wait3A_332 = tpu.memref_slice %arg4[%add3A_14, %dma_wait3A_331] : memref<16384x64xf32, #tpu.memory_space<hbm>> -> memref<128x64xf32, #tpu.memory_space<hbm>>
        tpu.wait_dma2 semaphore(%run_scoped3A : memref<!tpu.dma_semaphore, #tpu.memory_space<semaphore_mem>>) src(%arg7 : memref<128x64xf32, #tpu.memory_space<vmem>>) dst(%dma_wait3A_332 : memref<128x64xf32, #tpu.memory_space<hbm>>)
        tpu.yield
      }) : () -> ()
      %scan3A_325 = arith.constant 0 : i32
      scf.yield %scan3A_325 : i32
    }
    %scan3A_7 = arith.constant 4 : i32
    return
  }
}

</mosaic_0001>

<sc_bundles>
// kernel: _run.3.cloned.1.call-start
scs
__scs_entry_jumppad:
0x0: {  	(pc) =	sbr.rel $0x88, $3  }
0x1: {  	(tag) =	ssettag $0x0;
	lr =	simm.s32 $0x1  }
0x2: {  	[smem:$0x3F9F] =	sst lr;
	_ =	strace $0xD0000000  }
0x3: {  	_ = 	snop  }
0x4: {  	_ = 	snop  }
0x5: {  	_ = 	snop  }
0x6: {  	_ = 	snop  }
0x7: {  	_ = 	snop  }
__scs_overlays_trampoline_lowered:
0x8: {  	[smem:$0x3FAE] =	sst s0  }
0x9: {  	[smem:$0x3FAF] =	sst s1  }
0xa: {  	[smem:$0x3FB0] =	sst s2  }
0xb: {  	[smem:$0x3FB1] =	sst s3  }
0xc: {  	[smem:$0x3FB2] =	sst s4  }
0xd: {  	[smem:$0x3FB3] =	sst s5  }
0xe: {  	[smem:$0x3FB4] =	sst s6  }
0xf: {  	[smem:$0x3FB5] =	sst s7  }
0x10: {  	[smem:$0x3FB6] =	sst s8  }
0x11: {  	[smem:$0x3FB7] =	sst s9;
	s0 =	simm.s32 @!p0 $0x0  }
0x12: {  	s1 =	sld [smem:$0x3F9D];
	s0 =	simm.s32 @p0 $0x1  }
0x13: {  	[smem:$0x3FB8] =	sst s0;
	s0 =	simm.s32 @!p1 $0x0  }
0x14: {  	s2 =	sld [smem:$0x3F9C];
	s0 =	simm.s32 @p1 $0x1  }
0x15: {  	[smem:$0x3FB9] =	sst s0;
	s0 =	simm.s32 @!p2 $0x0  }
0x16: {  	s3 =	sld [smem:$0x3FDB];
	s0 =	simm.s32 @p2 $0x1  }
0x17: {  	s4 =	simm.s32 $0x1BF5;
	[smem:$0x3FBB] =	sst s0  }
0x18: {  	s0 =	sld [smem:$0x3F9E];
	_ =	swait.ge [sflag:s4], $0x0  }
0x19: {  	s7 =	sld [smem:$0x3F9F]  }
0x1a: {  	s8 =	sadd.s32 $0xFFFFE003, lr  }
0x1b: {  	s9 =	sadd.s32 $0xFFFFFEF7, lr;
	s5 =	simm.s32 $0xFFFFFFFF;
	p2 =	slt.u32 s8, $0xFFFFF086  }
0x1c: {  	p1 =	slt.u32 s9, $0xF7A;
	s5 =	simm.s32 @!p2 $0x0  }
0x1d: {  	s5 =	simm.s32 @p1 $0x1;
	p0 =	seq.s32 s7, s2  }
0x1e: {  	s7 =	smul.u32 @!p0 $0xF7A, s2;
	p2 =	seq.s32 @!p0 s5, $0x0  }
0x1f: {  	s9 =	smul.u32 $0xF7A, s1;
	s8 =	simm.s32 @!p0 $0x1BF5;
	p2 =	por !p2, p0  }
0x20: {  	[sflag:s8] =	ssyncset.s32 @!p0 $0xFFFFF086;
	s6 =	sadd.s32 @!p0 s3, s7;
	s7 =	simm.s32 @!p0 $0x108  }
0x21: {  	s3 =	sadd.s32 s3, s9;
	s6 =	sadd.s32 @!p0 $0x88, s6;
	s7 =	simm.s32 @p2 $0x1082  }
0x22: {  	[simem:s7], [sflag:s8] =	dma.local @!p0 [hbm:s6], $0xF7A  }
0x23: {  	s9 =	sor.u32 $0xD0000000, s2;
	s6 =	simm.s32 $0x108;
	_ =	swait.ge @!p0 [sflag:s8], $0x0  }
0x24: {  	s3 =	sadd.s32 $0x88, s3;
	s6 =	simm.s32 @!p1 $0x1082;
	[sflag:s4] =	ssyncset.s32 $0xFFFFF086  }
0x25: {  	[simem:s6], [sflag:s4] =	dma.local [hbm:s3], $0xF7A  }
0x26: {  	[smem:$0x3F9F] =	sst s1;
	(tag) =	ssettag s2;
	_ =	strace s9  }
0x27: {  	s1 =	sld [smem:$0x3FAF]  }
0x28: {  	s2 =	sld [smem:$0x3FB0]  }
0x29: {  	s4 =	sld [smem:$0x3FB2]  }
0x2a: {  	p0 =	seq.s32 s5, $0x0;
	s5 =	sld [smem:$0x3FB3]  }
0x2b: {  	s6 =	sld [smem:$0x3FB4]  }
0x2c: {  	s7 =	sld [smem:$0x3FB5]  }
0x2d: {  	s3 =	simm.s32 $0x108;
	s8 =	sld [smem:$0x3FB6]  }
0x2e: {  	s3 =	simm.s32 @!p0 $0x1082;
	s9 =	sld [smem:$0x3FB7]  }
0x2f: {  	lr =	sadd.s32 s0, s3;
	s0 =	sld [smem:$0x3FAE]  }
0x30: {  	s3 =	sld [smem:$0x3FB1]  }
0x31: {  	[smem:$0x3FBA] =	sst s10  }
0x32: {  	s10 =	sld [smem:$0x3FB8];
	_ =	sdelay $0x3  }
0x33: {  	p0 =	seq.s32 s10, $0x1;
	s10 =	sld [smem:$0x3FBA];
	_ =	sdelay $0x3  }
0x34: {  	[smem:$0x3FBA] =	sst s10  }
0x35: {  	s10 =	sld [smem:$0x3FB9];
	_ =	sdelay $0x3  }
0x36: {  	p1 =	seq.s32 s10, $0x1;
	s10 =	sld [smem:$0x3FBA];
	_ =	sdelay $0x3  }
0x37: {  	[smem:$0x3FBA] =	sst s10  }
0x38: {  	s10 =	sld [smem:$0x3FBB]  }
0x39: {  	_ = 	snop;
	(pc) =	sbr.ind lr, $3  }
0x3a: {  	_ = 	snop  }
0x3b: {  	_ = 	snop  }
0x3c: {  	p2 =	seq.s32 s10, $0x1;
	s10 =	sld [smem:$0x3FBA]  }
0x3d: {  	_ =	shalt  }
0x3e: {  	_ =	shalt  }
0x3f: {  	_ =	shalt  }
0x40: {  	_ =	shalt  }
0x41: {  	_ =	shalt  }
0x42: {  	_ =	shalt  }
0x43: {  	_ =	shalt  }
0x44: {  	_ =	shalt  }
0x45: {  	_ =	shalt  }
0x46: {  	_ =	shalt  }
0x47: {  	_ =	shalt  }
0x48: {  	_ =	shalt  }
0x49: {  	_ =	shalt  }
0x4a: {  	_ =	shalt  }
0x4b: {  	_ =	shalt  }
0x4c: {  	_ =	shalt  }
0x4d: {  	_ =	shalt  }
0x4e: {  	_ =	shalt  }
0x4f: {  	_ =	shalt  }
0x50: {  	_ =	shalt  }
0x51: {  	_ =	shalt  }
0x52: {  	_ =	shalt  }
0x53: {  	_ =	shalt  }
0x54: {  	_ =	shalt  }
0x55: {  	_ =	shalt  }
0x56: {  	_ =	shalt  }
0x57: {  	_ =	shalt  }
0x58: {  	_ =	shalt  }
0x59: {  	_ =	shalt  }
0x5a: {  	_ =	shalt  }
0x5b: {  	_ =	shalt  }
0x5c: {  	_ =	shalt  }
0x5d: {  	_ =	shalt  }
0x5e: {  	_ =	shalt  }
0x5f: {  	_ =	shalt  }
0x60: {  	_ =	shalt  }
0x61: {  	_ =	shalt  }
0x62: {  	_ =	shalt  }
0x63: {  	_ =	shalt  }
0x64: {  	_ =	shalt  }
0x65: {  	_ =	shalt  }
0x66: {  	_ =	shalt  }
0x67: {  	_ =	shalt  }
0x68: {  	_ =	shalt  }
0x69: {  	_ =	shalt  }
0x6a: {  	_ =	shalt  }
0x6b: {  	_ =	shalt  }
0x6c: {  	_ =	shalt  }
0x6d: {  	_ =	shalt  }
0x6e: {  	_ =	shalt  }
0x6f: {  	_ =	shalt  }
0x70: {  	_ =	shalt  }
0x71: {  	_ =	shalt  }
0x72: {  	_ =	shalt  }
0x73: {  	_ =	shalt  }
0x74: {  	_ =	shalt  }
0x75: {  	_ =	shalt  }
0x76: {  	_ =	shalt  }
0x77: {  	_ =	shalt  }
0x78: {  	_ =	shalt  }
0x79: {  	_ =	shalt  }
0x7a: {  	_ =	shalt  }
0x7b: {  	_ =	shalt  }
0x7c: {  	_ =	shalt  }
0x7d: {  	_ =	shalt  }
0x7e: {  	_ =	shalt  }
0x7f: {  	_ =	shalt  }
0x80: {  	_ =	shalt  }
0x81: {  	_ =	shalt  }
0x82: {  	_ =	shalt  }
0x83: {  	_ =	shalt  }
0x84: {  	_ =	shalt  }
0x85: {  	_ =	shalt  }
0x86: {  	_ =	shalt  }
0x87: {  	_ =	shalt  }
.Lfunc_end0:
.L_simem_size_0:
called_computation_lowered:
.L_overlay_start_0:
0x88: {  	s2 =	sld [smem:$0x3FD9]  }
0x89: {  	s3 =	sld [smem:$0x3FFE];
	_ =	sdelay $0x1  }
0x8a: {  	s1 =	srdreg.scid  }
0x8b: {  	s0 =	sand.u32 $0x1, s1  }
0x8c: {  	s17 =	sshll.u32 s0, $0xA;
	s2 =	sadd.s32 s3, s2  }
0x8d: {  	s2 =	sadd.s32 s2, s17  }
0x8e: {  	[smem:$0x3FC6] =	sst s2  }
0x8f: {  	_ = 	snop  }
0x90: {  	s2 =	sld [smem:$0x3FC9]  }
0x91: {  	s18 =	sld [smem:$0x3FD0];
	(tm) =	ssettm $0x1  }
0x92: {  	s4 =	sld [smem:$0x3FFB];
	_ =	sdelay $0x3  }
0x93: {  	_ =	strace s4  }
0x94: {  	s4 =	sld [smem:$0x3FFC];
	_ =	sdelay $0x3  }
0x95: {  	_ =	strace s4  }
0x96: {  	s4 =	sld [smem:$0x3FFD];
	_ =	sdelay $0x3  }
0x97: {  	_ =	strace s4  }
0x98: {  	_ =	strace $0x8FFFFFFF  }
0x99: {  	s19 =	sld [smem:$0x3FDB];
	_ =	sdelay $0x1  }
0x9a: {  	s5 =	simm.s32 $_scs_section_size  }
0x9b: {  	s6 =	simm.s32 $_size__tile_overlayer_lowered;
	s7 =	simm.s32 $_tile_overlayer_lowered  }
0x9c: {  	s22 =	simm.s32 $0x1BFF;
	s21 =	sshll.u32 s7, $0x1;
	s4 =	sadd.s32 s5, s19  }
0x9d: {  	s8 =	simm.s32 $0x0;
	s20 =	sshll.u32 s6, $0x1;
	s6 =	sadd.s32 s21, s4  }
0x9e: {  	[timem:s8], [sflag:s22] =	dma.local [hbm:s6], s20  }
0x9f: {  	_ =	swait.ge [sflag:s22], s20  }
0xa0: {  	s5 =	ssub.s32 $0x0, s20;
	[sflag:s22] =	ssyncset.done $0x0  }
0xa1: {  	[sflag:s22] =	ssyncadd.s32 s5;
	_ =	sdelay $0x1  }
0xa2: {  	s23 =	simm.s32 $0x1B8B  }
0xa3: {  	_ =	swait.ge [sflag:s23], $0x1  }
0xa4: {  	[sflag:s23] =	ssyncset.done $0x0  }
0xa5: {  	s25 =	simm.s32 $0x1B8E;
	s24 =	sld [smem:$0x3FFE];
	[sflag:s23] =	ssyncadd.s32 $0xFFFFFFFF  }
0xa6: {  	s26 =	simm.s32 $execute0_lowered;
	[smem:$0x3FD2] =	sst s25  }
0xa7: {  	s6 =	sshll.u32 s26, $0x1;
	_ =	strace $0x80000046;
	[dreg:$0x1] =	wrdreg $0xFFFFFFFF  }
0xa8: {  	s28 =	simm.s32 $_size_execute0_lowered;
	s4 =	sadd.s32 s4, s6;
	[dreg:$0x0] =	wrdreg $0x0  }
0xa9: {  	s6 =	sshll.u32 s28, $0x1;
	[dreg:$0x2] =	wrdreg s4  }
0xaa: {  	[dreg:$0x3] =	wrdreg s6  }
0xab: {  	[dreg:$0x4] =	wrdreg $0xC0  }
0xac: {  	_ =	task [dreg:s8], $0x5FFFF  }
0xad: {  	[dreg:$0x1] =	wrdreg $0xFFFFFFFF  }
0xae: {  	[dreg:$0x0] =	wrdreg $0x60  }
0xaf: {  	[dreg:$0x2] =	wrdreg s2  }
0xb0: {  	[dreg:$0x3] =	wrdreg s24  }
0xb1: {  	[dreg:$0x4] =	wrdreg s18  }
0xb2: {  	[dreg:$0x5] =	wrdreg $0x9  }
0xb3: {  	_ =	task.clear_ibuf [dreg:s8], $0x6FFFF;
	_ =	strace $0x90000046  }
0xb4: {  	s29 =	simm.s32 $0x9;
	_ =	strace $0x80000048  }
0xb5: {  	_ =	swait.ge [sflag:s29], $0x1  }
0xb6: {  	[sflag:s29] =	ssyncadd.s32 $0xFFFFFFFF  }
0xb7: {  	_ =	strace $0x90000048  }
0xb8: {  	_ =	sfence  }
0xb9: {  	s30 =	sld [smem:$0x0];
	_ =	sdelay $0x2  }
0xba: {  	s31 =	sshll.u32 s1, $0xD;
	s1 =	sshrl.u32 s1, $0x2  }
0xbb: {  	s3 =	sand.u32 $0x4000, s31;
	s1 =	sadd.s32 s1, s30  }
0xbc: {  	s0 =	sor.u32 s3, s0;
	s1 =	sshll.u32 s1, $0x11  }
0xbd: {  	s0 =	sor.u32 s1, s0  }
0xbe: {  	s0 =	sadd.s32 $0x8F2B, s0  }
0xbf: {  	[sflag:s0] =	ssyncadd.remote.s32 $0x1  }
0xc0: {  	_ =	sfence.sel $0xFFFF  }
0xc1: {  	[dreg:$0x0] =	wrdreg $0xFFFFFFFF;
	(pc) =	sbr.abs _section_cstart, $3  }
0xc2: {  	[dreg:$0x1] =	wrdreg $0xFFFFFFFF  }
0xc3: {  	_ =	task.clear_ibuf [dreg:s8], $0x2FFFF;
	_ =	strace $0x9FFFFFFF  }
0xc4: {  	(tm) =	ssettm $0x7FFFFFFF  }
0xc5: {  	_ =	shalt  }
tec
execute0_lowered:
.L_overlay_start_1:
0x0: {  	(tag) =	ssettag $0x1  }
0x1: {  	s0 =	rddreg [dreg:$0x1]  }
0x2: {  	s1 =	rddreg [dreg:$0x2]  }
0x3: {  	s3 =	simm.s32 $0x0;
	s2 =	srdreg.scid;
	s4 =	stileid.u32  }
0x4: {  	s9 =	simm.s32 $0xB;
	s10 =	simm.s32 $0x80;
	s20 =	simm.s32 $0x10400  }
0x5: {  	s22 =	simm.s32 $0x12400;
	s24 =	simm.s32 $0x14400;
	s28 =	simm.s32 $0x480  }
0x6: {  	s29 =	simm.s32 $0x18400;
	s30 =	simm.s32 $0x1;
	s31 =	simm.s32 $0x2  }
0x7: {  	s8 =	simm.s32 $0x5;
	s7 =	simm.s32 $0x6;
	s11 =	simm.s32 $0x8  }
0x8: {  	s12 =	simm.s32 $0x9;
	s13 =	simm.s32 $0xA;
	s14 =	simm.s32 $0x1C440  }
0x9: {  	s15 =	simm.s32 $0x1C4C0;
	s16 =	simm.s32 $0x1A400;
	s18 =	simm.s32 $0x0  }
0xa: {  	[smem:$0x7FF] =	sst s3;
	s2 =	sand.u32 $0x1, s2;
	s4 =	sshll.u32 s4, $0x1  }
0xb: {  	_ =	strace $0x80000047;
	s5 =	ssub.s32 $0x2, s2;
	s2 =	sor.u32 s2, s4  }
0xc: {  	s4 =	sadd.s32 $0xF42800, s0;
	s26 =	sshrl.u32 s5, $0x1;
	s6 =	sshll.u32 s2, $0xC  }
0xd: {  	s0 =	ssub.s32 s5, s26;
	s5 =	smul.u32 $0x19000, s2;
	s6 =	sadd.s32 s1, s6  }
0xe: {  	s26 =	simm.s32 $0x16400;
	s2 =	simm.s32 $0x4;
	s0 =	smax.u32 s0, $0x1  }
0xf: {  	v0 =	vimm.f32 $0.0e+00;
	v1 =	vimm.f32 $1.000000000e+00;
	s1 =	simm.s32 $0x7;
	[dreg:$0x4] =	wrdreg s0;
	s0 =	simm.s32 $0x3  }
.LBB2_1:
0x10: {  	[dreg:$0x5] =	wrdreg s18;
	s17 =	simm.s32 $0x1C400  }
0x11: {  	[tilespmem:s17], [sflag:$0xB] =	stream.linear.gather [hbm4b:s4+s3], $0x40, $0x38;
	[tilespmem:$0x1C540] =	vst v63  }
0x12: {  	_ =	swait.ge [sflag:s9], $0x40  }
0x13: {  	[sflag:s9] =	ssyncset.done $0x0  }
0x14: {  	s17 =	simm.s32 $0x0;
	[sflag:s9] =	ssyncadd.s32 $0xFFFFFFC0  }
.LBB2_2:
0x15: {  	s18 =	smul.u32 $0x6400, s17;
	_ =	sdelay $0x1  }
0x16: {  	s18 =	sadd.s32 s5, s18  }
0x17: {  	s19 =	rddreg [dreg:$0x0];
	s18 =	sshrl.u32 s18, $0x3  }
0x18: {  	s18 =	sadd.s32 s19, s18  }
0x19: {  	[tilespmem:s3], [sflag:$0xB] =	stream.linear.gather [hbm4b:s18+s3], $0x6400, $0x38;
	[tilespmem:$0x1C540] =	vst v63  }
0x1a: {  	_ =	swait.ge [sflag:s9], $0x6400  }
0x1b: {  	[sflag:s9] =	ssyncset.done $0x0  }
0x1c: {  	s18 =	simm.s32 $0x1A500;
	[sflag:s9] =	ssyncadd.s32 $0xFFFF9C00  }
0x1d: {  	[tilespmem:s18+$0xFFFFFF00] =	vst v0  }
0x1e: {  	[tilespmem:s18+$0xF0] =	vst v0  }
0x1f: {  	[tilespmem:s18+$0xE0] =	vst v0  }
0x20: {  	[tilespmem:s18+$0xD0] =	vst v0  }
0x21: {  	[tilespmem:s18+$0xC0] =	vst v0  }
0x22: {  	[tilespmem:s18+$0xB0] =	vst v0  }
0x23: {  	[tilespmem:s18+$0xA0] =	vst v0  }
0x24: {  	[tilespmem:s18+$0x90] =	vst v0  }
0x25: {  	[tilespmem:s18+$0x80] =	vst v0  }
0x26: {  	[tilespmem:s18+$0x70] =	vst v0  }
0x27: {  	[tilespmem:s18+$0x60] =	vst v0  }
0x28: {  	[tilespmem:s18+$0x50] =	vst v0  }
0x29: {  	[tilespmem:s18+$0x40] =	vst v0  }
0x2a: {  	[tilespmem:s18+$0x30] =	vst v0  }
0x2b: {  	[tilespmem:s18+$0x20] =	vst v0  }
0x2c: {  	[tilespmem:s18+$0x10] =	vst v0  }
0x2d: {  	[tilespmem:s18+$0x0] =	vst v0  }
0x2e: {  	[tilespmem:s18+$0xFFFFFFF0] =	vst v0  }
0x2f: {  	[tilespmem:s18+$0xFFFFFFE0] =	vst v0  }
0x30: {  	[tilespmem:s18+$0xFFFFFFD0] =	vst v0  }
0x31: {  	[tilespmem:s18+$0xFFFFFFC0] =	vst v0  }
0x32: {  	[tilespmem:s18+$0xFFFFFFB0] =	vst v0  }
0x33: {  	[tilespmem:s18+$0xFFFFFFA0] =	vst v0  }
0x34: {  	[tilespmem:s18+$0xFFFFFF90] =	vst v0  }
0x35: {  	[tilespmem:s18+$0xFFFFFF80] =	vst v0  }
0x36: {  	[tilespmem:s18+$0xFFFFFF70] =	vst v0  }
0x37: {  	[tilespmem:s18+$0xFFFFFF60] =	vst v0  }
0x38: {  	[tilespmem:s18+$0xFFFFFF50] =	vst v0  }
0x39: {  	[tilespmem:s18+$0xFFFFFF40] =	vst v0  }
0x3a: {  	[tilespmem:s18+$0xFFFFFF30] =	vst v0  }
0x3b: {  	s19 =	simm.s32 $0x0;
	[tilespmem:s18+$0xFFFFFF20] =	vst v0  }
.LBB2_3:
0x3c: {  	s19 =	sadd.s32 $0x8, s19;
	[tilespmem:s18+$0xFFFFFF10] =	vst v0;
	s18 =	sadd.s32 $0x200, s18  }
0x3d: {  	[tilespmem:s18+$0xFFFFFF00] =	vst v0;
	p0 =	slt.u32 s19, $0x78  }
0x3e: {  	[tilespmem:s18+$0xF0] =	vst v0  }
0x3f: {  	[tilespmem:s18+$0xE0] =	vst v0  }
0x40: {  	[tilespmem:s18+$0xD0] =	vst v0  }
0x41: {  	[tilespmem:s18+$0xC0] =	vst v0  }
0x42: {  	[tilespmem:s18+$0xB0] =	vst v0  }
0x43: {  	[tilespmem:s18+$0xA0] =	vst v0  }
0x44: {  	[tilespmem:s18+$0x90] =	vst v0  }
0x45: {  	[tilespmem:s18+$0x80] =	vst v0  }
0x46: {  	[tilespmem:s18+$0x70] =	vst v0  }
0x47: {  	[tilespmem:s18+$0x60] =	vst v0  }
0x48: {  	[tilespmem:s18+$0x50] =	vst v0  }
0x49: {  	[tilespmem:s18+$0x40] =	vst v0  }
0x4a: {  	[tilespmem:s18+$0x30] =	vst v0  }
0x4b: {  	[tilespmem:s18+$0x20] =	vst v0  }
0x4c: {  	[tilespmem:s18+$0x10] =	vst v0  }
0x4d: {  	[tilespmem:s18+$0x0] =	vst v0  }
0x4e: {  	[tilespmem:s18+$0xFFFFFFF0] =	vst v0  }
0x4f: {  	[tilespmem:s18+$0xFFFFFFE0] =	vst v0  }
0x50: {  	[tilespmem:s18+$0xFFFFFFD0] =	vst v0  }
0x51: {  	[tilespmem:s18+$0xFFFFFFC0] =	vst v0  }
0x52: {  	[tilespmem:s18+$0xFFFFFFB0] =	vst v0  }
0x53: {  	[tilespmem:s18+$0xFFFFFFA0] =	vst v0  }
0x54: {  	[tilespmem:s18+$0xFFFFFF90] =	vst v0  }
0x55: {  	[tilespmem:s18+$0xFFFFFF80] =	vst v0  }
0x56: {  	[tilespmem:s18+$0xFFFFFF70] =	vst v0  }
.Ltmp0:
0x57: {  	[tilespmem:s18+$0xFFFFFF60] =	vst v0;
	(pc) =	sbr.rel @p0 .LBB2_3-.Ltmp0, $4  }
0x58: {  	[tilespmem:s18+$0xFFFFFF50] =	vst v0  }
0x59: {  	[tilespmem:s18+$0xFFFFFF40] =	vst v0  }
0x5a: {  	[tilespmem:s18+$0xFFFFFF30] =	vst v0  }
0x5b: {  	[tilespmem:s18+$0xFFFFFF20] =	vst v0  }
0x5c: {  	[tilespmem:s18+$0xFFFFFF10] =	vst v0;
	s18 =	simm.s32 $0x0;
	s19 =	simm.s32 $0x6400  }
0x5d: {  	[tilespmem:s19], [sflag:$0x1] =	stream.indirect.gather [hbm4b:s4+s10], $0x40, s18, s10, $0xb8;
	[tilespmem:$0x1C540] =	vst v63  }
0x5e: {  	s23 =	simm.s32 $0x8400  }
0x5f: {  	[tilespmem:s23], [sflag:$0x2] =	stream.indirect.gather [hbm4b:s4+s10], $0x40, s10, s10, $0xb8;
	[tilespmem:$0x1C540] =	vst v63  }
0x60: {  	s25 =	simm.s32 $0x100;
	s21 =	simm.s32 $0xA400  }
0x61: {  	[tilespmem:s21], [sflag:$0x3] =	stream.indirect.gather [hbm4b:s4+s10], $0x40, s25, s10, $0xb8;
	[tilespmem:$0x1C540] =	vst v63  }
0x62: {  	s23 =	simm.s32 $0x180;
	s25 =	simm.s32 $0xC400  }
0x63: {  	[tilespmem:s25], [sflag:$0x4] =	stream.indirect.gather [hbm4b:s4+s10], $0x40, s23, s10, $0xb8;
	[tilespmem:$0x1C540] =	vst v63  }
0x64: {  	s21 =	simm.s32 $0x200;
	s23 =	simm.s32 $0xE400  }
0x65: {  	[tilespmem:s23], [sflag:$0x5] =	stream.indirect.gather [hbm4b:s4+s10], $0x40, s21, s10, $0xb8;
	[tilespmem:$0x1C540] =	vst v63  }
0x66: {  	s25 =	simm.s32 $0x280  }
0x67: {  	[tilespmem:s20], [sflag:$0x6] =	stream.indirect.gather [hbm4b:s4+s10], $0x40, s25, s10, $0xb8;
	[tilespmem:$0x1C540] =	vst v63  }
0x68: {  	s21 =	simm.s32 $0x300  }
0x69: {  	[tilespmem:s22], [sflag:$0x7] =	stream.indirect.gather [hbm4b:s4+s10], $0x40, s21, s10, $0xb8;
	[tilespmem:$0x1C540] =	vst v63  }
0x6a: {  	s23 =	simm.s32 $0x380  }
0x6b: {  	[tilespmem:s24], [sflag:$0x8] =	stream.indirect.gather [hbm4b:s4+s10], $0x40, s23, s10, $0xb8;
	[tilespmem:$0x1C540] =	vst v63  }
0x6c: {  	s25 =	simm.s32 $0x400  }
0x6d: {  	[tilespmem:s26], [sflag:$0x9] =	stream.indirect.gather [hbm4b:s4+s10], $0x40, s25, s10, $0xb8;
	[tilespmem:$0x1C540] =	vst v63  }
0x6e: {  	_ = 	snop  }
0x6f: {  	[tilespmem:s29], [sflag:$0xA] =	stream.indirect.gather [hbm4b:s4+s10], $0x40, s28, s10, $0xb8;
	[tilespmem:$0x1C540] =	vst v63  }
.LBB2_5:
0x70: {  	_ =	swait.ge [sflag:s30], $0x2000  }
0x71: {  	[sflag:s30] =	ssyncset.done $0x0  }
0x72: {  	[sflag:s30] =	ssyncadd.s32 $0xFFFFE000  }
0x73: {  	_ =	swait.ge [sflag:s31], $0x2000  }
0x74: {  	[sflag:s31] =	ssyncset.done $0x0  }
0x75: {  	[sflag:s31] =	ssyncadd.s32 $0xFFFFE000  }
0x76: {  	_ =	swait.ge [sflag:s0], $0x2000  }
0x77: {  	[sflag:s0] =	ssyncset.done $0x0  }
0x78: {  	[sflag:s0] =	ssyncadd.s32 $0xFFFFE000  }
0x79: {  	_ =	swait.ge [sflag:s2], $0x2000  }
0x7a: {  	[sflag:s2] =	ssyncset.done $0x0  }
0x7b: {  	[sflag:s2] =	ssyncadd.s32 $0xFFFFE000  }
0x7c: {  	_ =	swait.ge [sflag:s8], $0x2000  }
0x7d: {  	[sflag:s8] =	ssyncset.done $0x0  }
0x7e: {  	s19 =	simm.s32 $0x0;
	[sflag:s8] =	ssyncadd.s32 $0xFFFFE000  }
0x7f: {  	v14 =	vld [tilespmem:s19+$0xE400]  }
0x80: {  	v15 =	vld [tilespmem:s19+$0xE410]  }
0x81: {  	v16 =	vld [tilespmem:s19+$0xE420]  }
0x82: {  	v17 =	vld [tilespmem:s19+$0xE430]  }
0x83: {  	v18 =	vld [tilespmem:s19+$0xE440]  }
0x84: {  	v19 =	vld [tilespmem:s19+$0xE450]  }
0x85: {  	v27 =	vld [tilespmem:s19+$0xE460]  }
0x86: {  	v28 =	vld [tilespmem:s19+$0xE470]  }
0x87: {  	v9 =	vld [tilespmem:s19+$0xE480]  }
0x88: {  	v8 =	vld [tilespmem:s19+$0xE490]  }
0x89: {  	v6 =	vld [tilespmem:s19+$0xE4A0]  }
0x8a: {  	v5 =	vld [tilespmem:s19+$0xE4B0]  }
0x8b: {  	v3 =	vld [tilespmem:s19+$0xE4C0]  }
0x8c: {  	v2 =	vld [tilespmem:s19+$0xE4D0]  }
0x8d: {  	v20 =	vld [tilespmem:s19+$0xC400]  }
0x8e: {  	v21 =	vld [tilespmem:s19+$0xC410]  }
0x8f: {  	v22 =	vld [tilespmem:s19+$0xC420]  }
0x90: {  	v23 =	vld [tilespmem:s19+$0xC430]  }
0x91: {  	v24 =	vld [tilespmem:s19+$0xC440]  }
0x92: {  	v25 =	vld [tilespmem:s19+$0xC450]  }
0x93: {  	v26 =	vld [tilespmem:s19+$0xC460]  }
0x94: {  	v29 =	vld [tilespmem:s19+$0xC470]  }
0x95: {  	v34 =	vld [tilespmem:s19+$0xC480]  }
0x96: {  	v35 =	vld [tilespmem:s19+$0xC490]  }
0x97: {  	v13 =	vld [tilespmem:s19+$0xC4A0]  }
0x98: {  	v11 =	vld [tilespmem:s19+$0xC4B0]  }
0x99: {  	v7 =	vld [tilespmem:s19+$0xC4C0]  }
0x9a: {  	v4 =	vld [tilespmem:s19+$0xC4D0]  }
0x9b: {  	v30 =	vld [tilespmem:s19+$0xA400]  }
0x9c: {  	v31 =	vld [tilespmem:s19+$0xA410]  }
0x9d: {  	v32 =	vld [tilespmem:s19+$0xA420]  }
0x9e: {  	v33 =	vld [tilespmem:s19+$0xA430]  }
0x9f: {  	v36 =	vld [tilespmem:s19+$0xA440]  }
0xa0: {  	v37 =	vld [tilespmem:s19+$0xA450]  }
0xa1: {  	v38 =	vld [tilespmem:s19+$0xA460]  }
0xa2: {  	v39 =	vld [tilespmem:s19+$0xA470]  }
0xa3: {  	v40 =	vld [tilespmem:s19+$0xA480]  }
0xa4: {  	v41 =	vld [tilespmem:s19+$0xA490]  }
0xa5: {  	v42 =	vld [tilespmem:s19+$0xA4A0]  }
0xa6: {  	v43 =	vld [tilespmem:s19+$0xA4B0]  }
0xa7: {  	v12 =	vld [tilespmem:s19+$0xA4C0]  }
0xa8: {  	v10 =	vld [tilespmem:s19+$0xA4D0]  }
0xa9: {  	v44 =	vld [tilespmem:s19+$0x8400]  }
0xaa: {  	v45 =	vld [tilespmem:s19+$0x8410]  }
0xab: {  	v46 =	vld [tilespmem:s19+$0x8420]  }
0xac: {  	v47 =	vld [tilespmem:s19+$0x8430]  }
0xad: {  	v48 =	vld [tilespmem:s19+$0x8440]  }
0xae: {  	v49 =	vld [tilespmem:s19+$0x8450]  }
0xaf: {  	v50 =	vld [tilespmem:s19+$0x8460]  }
0xb0: {  	v52 =	vld [tilespmem:s19+$0x6400]  }
0xb1: {  	v53 =	vld [tilespmem:s19+$0x6410]  }
0xb2: {  	v54 =	vld [tilespmem:s19+$0x6420]  }
0xb3: {  	v55 =	vld [tilespmem:s19+$0x6430]  }
0xb4: {  	v56 =	vld [tilespmem:s19+$0x1A400]  }
0xb5: {  	v57 =	vld [tilespmem:s19+$0x1A410]  }
0xb6: {  	v58 =	vld [tilespmem:s19+$0x1A420]  }
0xb7: {  	v59 =	vld [tilespmem:s19+$0x1A430]  }
0xb8: {  	v51 =	vld [tilespmem:s19+$0x8470]  }
0xb9: {  	v60 =	vld [tilespmem:s19+$0x8480]  }
0xba: {  	v61 =	vld [tilespmem:s19+$0x1A440];
	v52 =	vadd.f32 v52, v56  }
0xbb: {  	v62 =	vld [tilespmem:s19+$0x1A450];
	v53 =	vadd.f32 v53, v57;
	v54 =	vadd.f32 v54, v58  }
0xbc: {  	v56 =	vld [tilespmem:s19+$0x8490];
	v63 =	vadd.f32 v55, v59;
	v44 =	vadd.f32 v44, v52  }
0xbd: {  	v57 =	vld [tilespmem:s19+$0x6440];
	v45 =	vadd.f32 v45, v53;
	v46 =	vadd.f32 v46, v54  }
0xbe: {  	v58 =	vld [tilespmem:s19+$0x6450];
	v47 =	vadd.f32 v47, v63;
	v30 =	vadd.f32 v30, v44  }
0xbf: {  	v55 =	vld [tilespmem:s19+$0x6460];
	v31 =	vadd.f32 v31, v45;
	v32 =	vadd.f32 v32, v46  }
0xc0: {  	v59 =	vld [tilespmem:s19+$0x6470];
	v33 =	vadd.f32 v33, v47;
	v20 =	vadd.f32 v20, v30  }
0xc1: {  	v30 =	vld [tilespmem:s19+$0x1A460];
	v21 =	vadd.f32 v21, v31;
	v22 =	vadd.f32 v22, v32  }
0xc2: {  	v31 =	vld [tilespmem:s19+$0x1A470];
	v20 =	vadd.f32 v14, v20;
	v14 =	vadd.f32 v23, v33  }
0xc3: {  	v63 =	vld [tilespmem:s19+$0x84A0];
	v21 =	vadd.f32 v15, v21;
	v15 =	vadd.f32 v57, v61  }
0xc4: {  	v54 =	vld [tilespmem:s19+$0x6480];
	v22 =	vadd.f32 v16, v22;
	v16 =	vadd.f32 v58, v62  }
0xc5: {  	v57 =	vld [tilespmem:s19+$0x1A480];
	v23 =	vadd.f32 v17, v14  }
0xc6: {  	v58 =	vld [tilespmem:s19+$0x1A490];
	v15 =	vadd.f32 v48, v15;
	v16 =	vadd.f32 v49, v16  }
0xc7: {  	v14 =	vadd.f32 v55, v30;
	v30 =	vld [tilespmem:s19+$0x6490];
	v17 =	vadd.f32 v59, v31  }
0xc8: {  	v61 =	vld [tilespmem:s19+$0x1A4B0];
	v15 =	vadd.f32 v36, v15;
	v16 =	vadd.f32 v37, v16  }
0xc9: {  	v31 =	vld [tilespmem:s19+$0x64A0];
	v14 =	vadd.f32 v50, v14;
	v17 =	vadd.f32 v51, v17  }
0xca: {  	v55 =	vld [tilespmem:s19+$0x64B0];
	v15 =	vadd.f32 v24, v15;
	v16 =	vadd.f32 v25, v16  }
0xcb: {  	v59 =	vld [tilespmem:s19+$0x1A4A0];
	v14 =	vadd.f32 v38, v14;
	v17 =	vadd.f32 v39, v17  }
0xcc: {  	v52 =	vld [tilespmem:s19+$0x84B0];
	v24 =	vadd.f32 v19, v16;
	v19 =	vadd.f32 v30, v58  }
0xcd: {  	v32 =	vld [tilespmem:s19+$0x64D0];
	v14 =	vadd.f32 v26, v14;
	v26 =	vadd.f32 v18, v15  }
0xce: {  	v33 =	vld [tilespmem:s19+$0x64C0];
	v15 =	vadd.f32 v29, v17;
	v18 =	vadd.f32 v54, v57  }
0xcf: {  	v25 =	vld [tilespmem:s19+$0x84C0];
	v29 =	vadd.f32 v55, v61;
	v16 =	vadd.f32 v27, v14  }
0xd0: {  	v30 =	vld [tilespmem:s19+$0x1A4D0];
	v27 =	vadd.f32 v31, v59;
	v18 =	vadd.f32 v60, v18  }
0xd1: {  	v17 =	vld [tilespmem:s19+$0x84D0];
	v19 =	vadd.f32 v56, v19;
	v14 =	vadd.f32 v28, v15  }
0xd2: {  	v28 =	vld [tilespmem:s19+$0x64E0];
	v27 =	vadd.f32 v63, v27;
	v18 =	vadd.f32 v40, v18  }
0xd3: {  	v31 =	vld [tilespmem:s19+$0x1A4C0];
	v62 =	vadd.f32 v52, v29;
	v63 =	vadd.f32 v41, v19  }
0xd4: {  	v15 =	vld [tilespmem:s19+$0x64F0];
	v29 =	vadd.f32 v42, v27;
	v34 =	vadd.f32 v34, v18  }
0xd5: {  	s21 =	simm.s32 $0x400;
	v19 =	vld [tilespmem:s19+$0x1A4E0];
	v27 =	vadd.f32 v43, v62;
	v18 =	vadd.f32 v35, v63  }
.LBB2_6:
0xd6: {  	p0 =	sne.s32 s21, $0x7C00;
	v35 =	vld [tilespmem:s19+$0x1A4F0];
	v13 =	vadd.f32 v13, v29;
	v9 =	vadd.f32 v9, v34;
	[tilespmem:s19+$0x1A400] =	vst v20  }
0xd7: {  	v20 =	vld [tilespmem:s19+$0x84E0];
	v11 =	vadd.f32 v11, v27;
	v8 =	vadd.f32 v8, v18;
	[tilespmem:s19+$0x1A410] =	vst v21  }
0xd8: {  	v18 =	vadd.f32 v33, v31;
	v21 =	vld [tilespmem:s19+$0x84F0];
	v6 =	vadd.f32 v6, v13;
	[tilespmem:s19+$0x1A420] =	vst v22  }
0xd9: {  	v13 =	vadd.f32 v32, v30;
	v22 =	vld [tilespmem:s19+$0xA4E0];
	v5 =	vadd.f32 v5, v11;
	[tilespmem:s19+$0x1A430] =	vst v23  }
0xda: {  	v11 =	vadd.f32 v28, v19;
	v18 =	vadd.f32 v25, v18;
	v19 =	vld [tilespmem:s19+$0xA4F0];
	[tilespmem:s19+$0x1A440] =	vst v26  }
0xdb: {  	v15 =	vadd.f32 v15, v35;
	v13 =	vadd.f32 v17, v13;
	v17 =	vld [tilespmem:s19+$0xC4E0];
	[tilespmem:s19+$0x1A450] =	vst v24  }
0xdc: {  	v11 =	vadd.f32 v20, v11;
	v12 =	vadd.f32 v12, v18;
	v18 =	vld [tilespmem:s19+$0xC4F0];
	[tilespmem:s19+$0x1A460] =	vst v16  }
0xdd: {  	v15 =	vadd.f32 v21, v15;
	v10 =	vadd.f32 v10, v13;
	v13 =	vld [tilespmem:s19+$0xE4E0];
	[tilespmem:s19+$0x1A470] =	vst v14  }
0xde: {  	s23 =	sshra.s32 s21, $0x2;
	v11 =	vadd.f32 v22, v11;
	v7 =	vadd.f32 v7, v12;
	v12 =	vld [tilespmem:s19+$0xE4F0];
	[tilespmem:s19+$0x1A480] =	vst v9  }
0xdf: {  	v20 =	vld [tilespmem:s23+$0xE400];
	v9 =	vadd.f32 v19, v15;
	v4 =	vadd.f32 v4, v10;
	[tilespmem:s19+$0x1A490] =	vst v8  }
0xe0: {  	v21 =	vld [tilespmem:s23+$0xE410];
	v8 =	vadd.f32 v17, v11;
	v3 =	vadd.f32 v3, v7;
	[tilespmem:s19+$0x1A4A0] =	vst v6  }
0xe1: {  	v22 =	vld [tilespmem:s23+$0xE420];
	v6 =	vadd.f32 v18, v9;
	v2 =	vadd.f32 v2, v4;
	[tilespmem:s19+$0x1A4B0] =	vst v5  }
0xe2: {  	v23 =	vld [tilespmem:s23+$0xE430];
	v4 =	vadd.f32 v13, v8;
	[tilespmem:s19+$0x1A4C0] =	vst v3  }
0xe3: {  	v16 =	vld [tilespmem:s23+$0xE440];
	v3 =	vadd.f32 v12, v6;
	[tilespmem:s19+$0x1A4D0] =	vst v2  }
0xe4: {  	v17 =	vld [tilespmem:s23+$0xE450];
	[tilespmem:s19+$0x1A4E0] =	vst v4  }
0xe5: {  	v14 =	vld [tilespmem:s23+$0xE460];
	[tilespmem:s19+$0x1A4F0] =	vst v3;
	s19 =	smov.u32 s23  }
0xe6: {  	v15 =	vld [tilespmem:s19+$0xE470]  }
0xe7: {  	v9 =	vld [tilespmem:s19+$0xE480]  }
0xe8: {  	v8 =	vld [tilespmem:s19+$0xE490]  }
0xe9: {  	v6 =	vld [tilespmem:s19+$0xE4A0]  }
0xea: {  	v5 =	vld [tilespmem:s19+$0xE4B0]  }
0xeb: {  	v3 =	vld [tilespmem:s19+$0xE4C0]  }
0xec: {  	v2 =	vld [tilespmem:s19+$0xE4D0]  }
0xed: {  	v32 =	vld [tilespmem:s19+$0xC400]  }
0xee: {  	v33 =	vld [tilespmem:s19+$0xC410]  }
0xef: {  	v34 =	vld [tilespmem:s19+$0xC420]  }
0xf0: {  	v35 =	vld [tilespmem:s19+$0xC430]  }
0xf1: {  	v28 =	vld [tilespmem:s19+$0xC440]  }
0xf2: {  	v26 =	vld [tilespmem:s19+$0xC450]  }
0xf3: {  	v25 =	vld [tilespmem:s19+$0xC460]  }
0xf4: {  	v24 =	vld [tilespmem:s19+$0xC470]  }
0xf5: {  	v19 =	vld [tilespmem:s19+$0xC480]  }
0xf6: {  	v18 =	vld [tilespmem:s19+$0xC490]  }
0xf7: {  	v13 =	vld [tilespmem:s19+$0xC4A0]  }
0xf8: {  	v11 =	vld [tilespmem:s19+$0xC4B0]  }
0xf9: {  	v7 =	vld [tilespmem:s19+$0xC4C0]  }
0xfa: {  	v4 =	vld [tilespmem:s19+$0xC4D0]  }
0xfb: {  	v36 =	vld [tilespmem:s19+$0xA400]  }
0xfc: {  	v37 =	vld [tilespmem:s19+$0xA410]  }
0xfd: {  	v38 =	vld [tilespmem:s19+$0xA420]  }
0xfe: {  	v39 =	vld [tilespmem:s19+$0xA430]  }
0xff: {  	v40 =	vld [tilespmem:s19+$0xA440]  }
0x100: {  	v41 =	vld [tilespmem:s19+$0xA450]  }
0x101: {  	v42 =	vld [tilespmem:s19+$0xA460]  }
0x102: {  	v43 =	vld [tilespmem:s19+$0xA470]  }
0x103: {  	v31 =	vld [tilespmem:s19+$0xA480]  }
0x104: {  	v30 =	vld [tilespmem:s19+$0xA490]  }
0x105: {  	v29 =	vld [tilespmem:s19+$0xA4A0]  }
0x106: {  	v27 =	vld [tilespmem:s19+$0xA4B0]  }
0x107: {  	v12 =	vld [tilespmem:s19+$0xA4C0]  }
0x108: {  	v10 =	vld [tilespmem:s19+$0xA4D0]  }
0x109: {  	v44 =	vld [tilespmem:s19+$0x8400]  }
0x10a: {  	v45 =	vld [tilespmem:s19+$0x8410]  }
0x10b: {  	v46 =	vld [tilespmem:s19+$0x8420]  }
0x10c: {  	v47 =	vld [tilespmem:s19+$0x8430]  }
0x10d: {  	v48 =	vld [tilespmem:s19+$0x8440]  }
0x10e: {  	v49 =	vld [tilespmem:s19+$0x8450]  }
0x10f: {  	v50 =	vld [tilespmem:s19+$0x8460]  }
0x110: {  	v51 =	vld [tilespmem:s19+$0x8470]  }
0x111: {  	v52 =	vld [tilespmem:s19+$0x6400]  }
0x112: {  	v53 =	vld [tilespmem:s19+$0x6410]  }
0x113: {  	v54 =	vld [tilespmem:s19+$0x6420]  }
0x114: {  	v55 =	vld [tilespmem:s19+$0x6430]  }
0x115: {  	v56 =	vld [tilespmem:s19+$0x1A400]  }
0x116: {  	v57 =	vld [tilespmem:s19+$0x1A410]  }
0x117: {  	v58 =	vld [tilespmem:s19+$0x1A420]  }
0x118: {  	v59 =	vld [tilespmem:s19+$0x1A430]  }
0x119: {  	v60 =	vld [tilespmem:s19+$0x8480]  }
0x11a: {  	v52 =	vadd.f32 v52, v56;
	v56 =	vld [tilespmem:s19+$0x8490]  }
0x11b: {  	v53 =	vadd.f32 v53, v57;
	v57 =	vld [tilespmem:s19+$0x6440]  }
0x11c: {  	v54 =	vadd.f32 v54, v58;
	v58 =	vld [tilespmem:s19+$0x6450];
	v44 =	vadd.f32 v44, v52  }
0x11d: {  	v52 =	vadd.f32 v55, v59;
	v55 =	vld [tilespmem:s19+$0x6460];
	v45 =	vadd.f32 v45, v53  }
0x11e: {  	v53 =	vld [tilespmem:s19+$0x6470];
	v46 =	vadd.f32 v46, v54;
	v36 =	vadd.f32 v36, v44  }
0x11f: {  	v44 =	vld [tilespmem:s19+$0x1A440];
	v47 =	vadd.f32 v47, v52;
	v37 =	vadd.f32 v37, v45  }
0x120: {  	v45 =	vld [tilespmem:s19+$0x1A450];
	v38 =	vadd.f32 v38, v46;
	v32 =	vadd.f32 v32, v36  }
0x121: {  	v36 =	vld [tilespmem:s19+$0x1A460];
	v39 =	vadd.f32 v39, v47;
	v33 =	vadd.f32 v33, v37  }
0x122: {  	v37 =	vld [tilespmem:s19+$0x1A470];
	v34 =	vadd.f32 v34, v38;
	v20 =	vadd.f32 v20, v32  }
0x123: {  	v38 =	vld [tilespmem:s19+$0x84A0];
	v32 =	vadd.f32 v35, v39;
	v21 =	vadd.f32 v21, v33  }
0x124: {  	v33 =	vadd.f32 v57, v44;
	v35 =	vld [tilespmem:s19+$0x84B0];
	v22 =	vadd.f32 v22, v34  }
0x125: {  	v34 =	vadd.f32 v58, v45;
	v39 =	vld [tilespmem:s19+$0x6480];
	v23 =	vadd.f32 v23, v32  }
0x126: {  	v32 =	vadd.f32 v55, v36;
	v36 =	vld [tilespmem:s19+$0x6490];
	v33 =	vadd.f32 v48, v33  }
0x127: {  	v37 =	vadd.f32 v53, v37;
	v44 =	vld [tilespmem:s19+$0x64A0];
	v34 =	vadd.f32 v49, v34  }
0x128: {  	v45 =	vld [tilespmem:s19+$0x64B0];
	v32 =	vadd.f32 v50, v32;
	v33 =	vadd.f32 v40, v33  }
0x129: {  	v40 =	vld [tilespmem:s19+$0x1A480];
	v37 =	vadd.f32 v51, v37;
	v34 =	vadd.f32 v41, v34  }
0x12a: {  	v41 =	vld [tilespmem:s19+$0x1A490];
	v32 =	vadd.f32 v42, v32;
	v28 =	vadd.f32 v28, v33  }
0x12b: {  	v42 =	vld [tilespmem:s19+$0x1A4A0];
	v33 =	vadd.f32 v43, v37;
	v34 =	vadd.f32 v26, v34  }
0x12c: {  	v37 =	vld [tilespmem:s19+$0x1A4B0];
	v32 =	vadd.f32 v25, v32;
	v26 =	vadd.f32 v16, v28  }
0x12d: {  	v25 =	vld [tilespmem:s19+$0x84C0];
	v28 =	vadd.f32 v24, v33;
	v24 =	vadd.f32 v17, v34  }
0x12e: {  	v34 =	vadd.f32 v39, v40;
	v17 =	vld [tilespmem:s19+$0x84D0];
	v16 =	vadd.f32 v14, v32  }
0x12f: {  	v36 =	vadd.f32 v36, v41;
	v33 =	vld [tilespmem:s19+$0x64C0];
	v14 =	vadd.f32 v15, v28  }
0x130: {  	v39 =	vadd.f32 v44, v42;
	v32 =	vld [tilespmem:s19+$0x64D0];
	v34 =	vadd.f32 v60, v34  }
.Ltmp1:
0x131: {  	v37 =	vadd.f32 v45, v37;
	v28 =	vld [tilespmem:s19+$0x64E0];
	v36 =	vadd.f32 v56, v36;
	(pc) =	sbr.rel @p0 .LBB2_6-.Ltmp1, $4  }
0x132: {  	v15 =	vld [tilespmem:s19+$0x64F0];
	v38 =	vadd.f32 v38, v39;
	v34 =	vadd.f32 v31, v34  }
0x133: {  	v31 =	vld [tilespmem:s19+$0x1A4C0];
	v35 =	vadd.f32 v35, v37;
	v36 =	vadd.f32 v30, v36  }
0x134: {  	v30 =	vld [tilespmem:s19+$0x1A4D0];
	v29 =	vadd.f32 v29, v38;
	v34 =	vadd.f32 v19, v34  }
0x135: {  	s21 =	sadd.s32 $0x400, s21;
	v19 =	vld [tilespmem:s19+$0x1A4E0];
	v27 =	vadd.f32 v27, v35;
	v18 =	vadd.f32 v18, v36  }
0x136: {  	[tilespmem:s19+$0x1A400] =	vst v20  }
0x137: {  	v35 =	vld [tilespmem:s19+$0x1A4F0];
	[tilespmem:s19+$0x1A410] =	vst v21;
	v13 =	vadd.f32 v13, v29;
	v9 =	vadd.f32 v9, v34  }
0x138: {  	v20 =	vld [tilespmem:s19+$0x84E0];
	[tilespmem:s19+$0x1A420] =	vst v22;
	v11 =	vadd.f32 v11, v27;
	v8 =	vadd.f32 v8, v18  }
0x139: {  	v21 =	vld [tilespmem:s19+$0x84F0];
	[tilespmem:s19+$0x1A440] =	vst v26;
	v26 =	vadd.f32 v33, v31;
	v6 =	vadd.f32 v6, v13  }
0x13a: {  	v22 =	vld [tilespmem:s19+$0xA4E0];
	[tilespmem:s19+$0x1A430] =	vst v23;
	v13 =	vadd.f32 v32, v30;
	v5 =	vadd.f32 v5, v11  }
0x13b: {  	v23 =	vld [tilespmem:s19+$0xA4F0];
	[tilespmem:s19+$0x1A450] =	vst v24;
	v19 =	vadd.f32 v28, v19;
	v24 =	vadd.f32 v25, v26  }
0x13c: {  	v18 =	vld [tilespmem:s19+$0xC4E0];
	v15 =	vadd.f32 v15, v35;
	v13 =	vadd.f32 v17, v13  }
0x13d: {  	[tilespmem:s19+$0x1A460] =	vst v16;
	v11 =	vld [tilespmem:s19+$0xC4F0];
	v17 =	vadd.f32 v20, v19;
	v12 =	vadd.f32 v12, v24  }
0x13e: {  	v16 =	vld [tilespmem:s19+$0xE4E0];
	[tilespmem:s19+$0x1A470] =	vst v14;
	v14 =	vadd.f32 v21, v15;
	v10 =	vadd.f32 v10, v13  }
0x13f: {  	[tilespmem:s19+$0x1A480] =	vst v9;
	v13 =	vld [tilespmem:s19+$0xE4F0];
	v15 =	vadd.f32 v22, v17;
	v7 =	vadd.f32 v7, v12  }
0x140: {  	[tilespmem:s19+$0x1A490] =	vst v8;
	v9 =	vadd.f32 v23, v14;
	v4 =	vadd.f32 v4, v10  }
0x141: {  	[tilespmem:s19+$0x1A4A0] =	vst v6;
	v8 =	vadd.f32 v18, v15;
	v3 =	vadd.f32 v3, v7  }
0x142: {  	p0 =	seq.s32 s18, $0x13;
	[tilespmem:s19+$0x1A4B0] =	vst v5;
	v6 =	vadd.f32 v11, v9;
	v2 =	vadd.f32 v2, v4  }
0x143: {  	s21 =	smul.u32 @!p0 $0x1400, s18;
	v4 =	vadd.f32 v16, v8;
	[tilespmem:s19+$0x1A4C0] =	vst v3  }
0x144: {  	v3 =	vadd.f32 v13, v6;
	[tilespmem:s19+$0x1A4D0] =	vst v2  }
0x145: {  	s21 =	sshra.s32 @!p0 s21, $0x2;
	[tilespmem:s19+$0x1A4E0] =	vst v4  }
0x146: {  	s23 =	simm.s32 @!p0 $0x80;
	s25 =	simm.s32 @!p0 $0x6400;
	[tilespmem:s19+$0x1A4F0] =	vst v3;
	s19 =	sadd.s32 @!p0 $0x500, s21  }
0x147: {  	[tilespmem:s25], [sflag:$0x1] =	stream.indirect.gather @!p0 [hbm4b:s4+s23], $0x40, s19, s23, $0xb8;
	[tilespmem:$0x1C540] =	vst v63  }
0x148: {  	s19 =	sadd.s32 @!p0 $0x580, s21;
	s25 =	simm.s32 @!p0 $0x8400  }
0x149: {  	[tilespmem:s25], [sflag:$0x2] =	stream.indirect.gather @!p0 [hbm4b:s4+s23], $0x40, s19, s23, $0xb8;
	[tilespmem:$0x1C540] =	vst v63  }
0x14a: {  	s19 =	sadd.s32 @!p0 $0x600, s21;
	s25 =	simm.s32 @!p0 $0xA400  }
0x14b: {  	[tilespmem:s25], [sflag:$0x3] =	stream.indirect.gather @!p0 [hbm4b:s4+s23], $0x40, s19, s23, $0xb8;
	[tilespmem:$0x1C540] =	vst v63  }
0x14c: {  	s19 =	sadd.s32 @!p0 $0x680, s21;
	s25 =	simm.s32 @!p0 $0xC400  }
0x14d: {  	[tilespmem:s25], [sflag:$0x4] =	stream.indirect.gather @!p0 [hbm4b:s4+s23], $0x40, s19, s23, $0xb8;
	[tilespmem:$0x1C540] =	vst v63  }
0x14e: {  	s19 =	sadd.s32 @!p0 $0x700, s21;
	s21 =	simm.s32 @!p0 $0xE400  }
0x14f: {  	[tilespmem:s21], [sflag:$0x5] =	stream.indirect.gather @!p0 [hbm4b:s4+s23], $0x40, s19, s23, $0xb8;
	[tilespmem:$0x1C540] =	vst v63  }
0x150: {  	_ =	swait.ge [sflag:s7], $0x2000  }
0x151: {  	[sflag:s7] =	ssyncset.done $0x0  }
0x152: {  	[sflag:s7] =	ssyncadd.s32 $0xFFFFE000  }
0x153: {  	_ =	swait.ge [sflag:s1], $0x2000  }
0x154: {  	[sflag:s1] =	ssyncset.done $0x0  }
0x155: {  	[sflag:s1] =	ssyncadd.s32 $0xFFFFE000  }
0x156: {  	_ =	swait.ge [sflag:s11], $0x2000  }
0x157: {  	[sflag:s11] =	ssyncset.done $0x0  }
0x158: {  	[sflag:s11] =	ssyncadd.s32 $0xFFFFE000  }
0x159: {  	_ =	swait.ge [sflag:s12], $0x2000  }
0x15a: {  	[sflag:s12] =	ssyncset.done $0x0  }
0x15b: {  	[sflag:s12] =	ssyncadd.s32 $0xFFFFE000  }
0x15c: {  	_ =	swait.ge [sflag:s13], $0x2000  }
0x15d: {  	[sflag:s13] =	ssyncset.done $0x0  }
0x15e: {  	s19 =	simm.s32 $0x0;
	[sflag:s13] =	ssyncadd.s32 $0xFFFFE000  }
0x15f: {  	v14 =	vld [tilespmem:s19+$0x18400]  }
0x160: {  	v15 =	vld [tilespmem:s19+$0x18410]  }
0x161: {  	v16 =	vld [tilespmem:s19+$0x18420]  }
0x162: {  	v17 =	vld [tilespmem:s19+$0x18430]  }
0x163: {  	v18 =	vld [tilespmem:s19+$0x18440]  }
0x164: {  	v19 =	vld [tilespmem:s19+$0x18450]  }
0x165: {  	v27 =	vld [tilespmem:s19+$0x18460]  }
0x166: {  	v28 =	vld [tilespmem:s19+$0x18470]  }
0x167: {  	v9 =	vld [tilespmem:s19+$0x18480]  }
0x168: {  	v8 =	vld [tilespmem:s19+$0x18490]  }
0x169: {  	v6 =	vld [tilespmem:s19+$0x184A0]  }
0x16a: {  	v5 =	vld [tilespmem:s19+$0x184B0]  }
0x16b: {  	v3 =	vld [tilespmem:s19+$0x184C0]  }
0x16c: {  	v2 =	vld [tilespmem:s19+$0x184D0]  }
0x16d: {  	v20 =	vld [tilespmem:s19+$0x16400]  }
0x16e: {  	v21 =	vld [tilespmem:s19+$0x16410]  }
0x16f: {  	v22 =	vld [tilespmem:s19+$0x16420]  }
0x170: {  	v23 =	vld [tilespmem:s19+$0x16430]  }
0x171: {  	v24 =	vld [tilespmem:s19+$0x16440]  }
0x172: {  	v25 =	vld [tilespmem:s19+$0x16450]  }
0x173: {  	v26 =	vld [tilespmem:s19+$0x16460]  }
0x174: {  	v29 =	vld [tilespmem:s19+$0x16470]  }
0x175: {  	v34 =	vld [tilespmem:s19+$0x16480]  }
0x176: {  	v35 =	vld [tilespmem:s19+$0x16490]  }
0x177: {  	v13 =	vld [tilespmem:s19+$0x164A0]  }
0x178: {  	v11 =	vld [tilespmem:s19+$0x164B0]  }
0x179: {  	v7 =	vld [tilespmem:s19+$0x164C0]  }
0x17a: {  	v4 =	vld [tilespmem:s19+$0x164D0]  }
0x17b: {  	v30 =	vld [tilespmem:s19+$0x14400]  }
0x17c: {  	v31 =	vld [tilespmem:s19+$0x14410]  }
0x17d: {  	v32 =	vld [tilespmem:s19+$0x14420]  }
0x17e: {  	v33 =	vld [tilespmem:s19+$0x14430]  }
0x17f: {  	v36 =	vld [tilespmem:s19+$0x14440]  }
0x180: {  	v37 =	vld [tilespmem:s19+$0x14450]  }
0x181: {  	v38 =	vld [tilespmem:s19+$0x14460]  }
0x182: {  	v39 =	vld [tilespmem:s19+$0x14470]  }
0x183: {  	v40 =	vld [tilespmem:s19+$0x14480]  }
0x184: {  	v41 =	vld [tilespmem:s19+$0x14490]  }
0x185: {  	v42 =	vld [tilespmem:s19+$0x144A0]  }
0x186: {  	v43 =	vld [tilespmem:s19+$0x144B0]  }
0x187: {  	v12 =	vld [tilespmem:s19+$0x144C0]  }
0x188: {  	v10 =	vld [tilespmem:s19+$0x144D0]  }
0x189: {  	v44 =	vld [tilespmem:s19+$0x12400]  }
0x18a: {  	v45 =	vld [tilespmem:s19+$0x12410]  }
0x18b: {  	v46 =	vld [tilespmem:s19+$0x12420]  }
0x18c: {  	v47 =	vld [tilespmem:s19+$0x12430]  }
0x18d: {  	v48 =	vld [tilespmem:s19+$0x12440]  }
0x18e: {  	v49 =	vld [tilespmem:s19+$0x12450]  }
0x18f: {  	v50 =	vld [tilespmem:s19+$0x12460]  }
0x190: {  	v52 =	vld [tilespmem:s19+$0x10400]  }
0x191: {  	v53 =	vld [tilespmem:s19+$0x10410]  }
0x192: {  	v54 =	vld [tilespmem:s19+$0x10420]  }
0x193: {  	v55 =	vld [tilespmem:s19+$0x10430]  }
0x194: {  	v56 =	vld [tilespmem:s19+$0x1A400]  }
0x195: {  	v57 =	vld [tilespmem:s19+$0x1A410]  }
0x196: {  	v58 =	vld [tilespmem:s19+$0x1A420]  }
0x197: {  	v59 =	vld [tilespmem:s19+$0x1A430]  }
0x198: {  	v51 =	vld [tilespmem:s19+$0x12470]  }
0x199: {  	v60 =	vld [tilespmem:s19+$0x12480]  }
0x19a: {  	v61 =	vld [tilespmem:s19+$0x1A440];
	v52 =	vadd.f32 v52, v56  }
0x19b: {  	v62 =	vld [tilespmem:s19+$0x1A450];
	v53 =	vadd.f32 v53, v57;
	v54 =	vadd.f32 v54, v58  }
0x19c: {  	v56 =	vld [tilespmem:s19+$0x12490];
	v63 =	vadd.f32 v55, v59;
	v44 =	vadd.f32 v44, v52  }
0x19d: {  	v57 =	vld [tilespmem:s19+$0x10440];
	v45 =	vadd.f32 v45, v53;
	v46 =	vadd.f32 v46, v54  }
0x19e: {  	v58 =	vld [tilespmem:s19+$0x10450];
	v47 =	vadd.f32 v47, v63;
	v30 =	vadd.f32 v30, v44  }
0x19f: {  	v55 =	vld [tilespmem:s19+$0x10460];
	v31 =	vadd.f32 v31, v45;
	v32 =	vadd.f32 v32, v46  }
0x1a0: {  	v59 =	vld [tilespmem:s19+$0x10470];
	v33 =	vadd.f32 v33, v47;
	v20 =	vadd.f32 v20, v30  }
0x1a1: {  	v30 =	vld [tilespmem:s19+$0x1A460];
	v21 =	vadd.f32 v21, v31;
	v22 =	vadd.f32 v22, v32  }
0x1a2: {  	v31 =	vld [tilespmem:s19+$0x1A470];
	v20 =	vadd.f32 v14, v20;
	v14 =	vadd.f32 v23, v33  }
0x1a3: {  	v63 =	vld [tilespmem:s19+$0x124A0];
	v21 =	vadd.f32 v15, v21;
	v15 =	vadd.f32 v57, v61  }
0x1a4: {  	v54 =	vld [tilespmem:s19+$0x10480];
	v22 =	vadd.f32 v16, v22;
	v16 =	vadd.f32 v58, v62  }
0x1a5: {  	v57 =	vld [tilespmem:s19+$0x1A480];
	v23 =	vadd.f32 v17, v14  }
0x1a6: {  	v58 =	vld [tilespmem:s19+$0x1A490];
	v15 =	vadd.f32 v48, v15;
	v16 =	vadd.f32 v49, v16  }
0x1a7: {  	v14 =	vadd.f32 v55, v30;
	v30 =	vld [tilespmem:s19+$0x10490];
	v17 =	vadd.f32 v59, v31  }
0x1a8: {  	v61 =	vld [tilespmem:s19+$0x1A4B0];
	v15 =	vadd.f32 v36, v15;
	v16 =	vadd.f32 v37, v16  }
0x1a9: {  	v31 =	vld [tilespmem:s19+$0x104A0];
	v14 =	vadd.f32 v50, v14;
	v17 =	vadd.f32 v51, v17  }
0x1aa: {  	v55 =	vld [tilespmem:s19+$0x104B0];
	v15 =	vadd.f32 v24, v15;
	v16 =	vadd.f32 v25, v16  }
0x1ab: {  	v59 =	vld [tilespmem:s19+$0x1A4A0];
	v14 =	vadd.f32 v38, v14;
	v17 =	vadd.f32 v39, v17  }
0x1ac: {  	v52 =	vld [tilespmem:s19+$0x124B0];
	v24 =	vadd.f32 v19, v16;
	v19 =	vadd.f32 v30, v58  }
0x1ad: {  	v32 =	vld [tilespmem:s19+$0x104D0];
	v14 =	vadd.f32 v26, v14;
	v26 =	vadd.f32 v18, v15  }
0x1ae: {  	v33 =	vld [tilespmem:s19+$0x104C0];
	v15 =	vadd.f32 v29, v17;
	v18 =	vadd.f32 v54, v57  }
0x1af: {  	v25 =	vld [tilespmem:s19+$0x124C0];
	v29 =	vadd.f32 v55, v61;
	v16 =	vadd.f32 v27, v14  }
0x1b0: {  	v30 =	vld [tilespmem:s19+$0x1A4D0];
	v27 =	vadd.f32 v31, v59;
	v18 =	vadd.f32 v60, v18  }
0x1b1: {  	v17 =	vld [tilespmem:s19+$0x124D0];
	v19 =	vadd.f32 v56, v19;
	v14 =	vadd.f32 v28, v15  }
0x1b2: {  	v28 =	vld [tilespmem:s19+$0x104E0];
	v27 =	vadd.f32 v63, v27;
	v18 =	vadd.f32 v40, v18  }
0x1b3: {  	v31 =	vld [tilespmem:s19+$0x1A4C0];
	v62 =	vadd.f32 v52, v29;
	v63 =	vadd.f32 v41, v19  }
0x1b4: {  	v15 =	vld [tilespmem:s19+$0x104F0];
	v29 =	vadd.f32 v42, v27;
	v34 =	vadd.f32 v34, v18  }
0x1b5: {  	s21 =	simm.s32 $0x400;
	v19 =	vld [tilespmem:s19+$0x1A4E0];
	v27 =	vadd.f32 v43, v62;
	v18 =	vadd.f32 v35, v63  }
.LBB2_8:
0x1b6: {  	p1 =	sne.s32 s21, $0x7C00;
	v35 =	vld [tilespmem:s19+$0x1A4F0];
	v13 =	vadd.f32 v13, v29;
	v9 =	vadd.f32 v9, v34;
	[tilespmem:s19+$0x1A400] =	vst v20  }
0x1b7: {  	v20 =	vld [tilespmem:s19+$0x124E0];
	v11 =	vadd.f32 v11, v27;
	v8 =	vadd.f32 v8, v18;
	[tilespmem:s19+$0x1A410] =	vst v21  }
0x1b8: {  	v18 =	vadd.f32 v33, v31;
	v21 =	vld [tilespmem:s19+$0x124F0];
	v6 =	vadd.f32 v6, v13;
	[tilespmem:s19+$0x1A420] =	vst v22  }
0x1b9: {  	v13 =	vadd.f32 v32, v30;
	v22 =	vld [tilespmem:s19+$0x144E0];
	v5 =	vadd.f32 v5, v11;
	[tilespmem:s19+$0x1A430] =	vst v23  }
0x1ba: {  	v11 =	vadd.f32 v28, v19;
	v18 =	vadd.f32 v25, v18;
	v19 =	vld [tilespmem:s19+$0x144F0];
	[tilespmem:s19+$0x1A440] =	vst v26  }
0x1bb: {  	v15 =	vadd.f32 v15, v35;
	v13 =	vadd.f32 v17, v13;
	v17 =	vld [tilespmem:s19+$0x164E0];
	[tilespmem:s19+$0x1A450] =	vst v24  }
0x1bc: {  	v11 =	vadd.f32 v20, v11;
	v12 =	vadd.f32 v12, v18;
	v18 =	vld [tilespmem:s19+$0x164F0];
	[tilespmem:s19+$0x1A460] =	vst v16  }
0x1bd: {  	v15 =	vadd.f32 v21, v15;
	v10 =	vadd.f32 v10, v13;
	v13 =	vld [tilespmem:s19+$0x184E0];
	[tilespmem:s19+$0x1A470] =	vst v14  }
0x1be: {  	s23 =	sshra.s32 s21, $0x2;
	v11 =	vadd.f32 v22, v11;
	v7 =	vadd.f32 v7, v12;
	v12 =	vld [tilespmem:s19+$0x184F0];
	[tilespmem:s19+$0x1A480] =	vst v9  }
0x1bf: {  	v20 =	vld [tilespmem:s23+$0x18400];
	v9 =	vadd.f32 v19, v15;
	v4 =	vadd.f32 v4, v10;
	[tilespmem:s19+$0x1A490] =	vst v8  }
0x1c0: {  	v21 =	vld [tilespmem:s23+$0x18410];
	v8 =	vadd.f32 v17, v11;
	v3 =	vadd.f32 v3, v7;
	[tilespmem:s19+$0x1A4A0] =	vst v6  }
0x1c1: {  	v22 =	vld [tilespmem:s23+$0x18420];
	v6 =	vadd.f32 v18, v9;
	v2 =	vadd.f32 v2, v4;
	[tilespmem:s19+$0x1A4B0] =	vst v5  }
0x1c2: {  	v23 =	vld [tilespmem:s23+$0x18430];
	v4 =	vadd.f32 v13, v8;
	[tilespmem:s19+$0x1A4C0] =	vst v3  }
0x1c3: {  	v16 =	vld [tilespmem:s23+$0x18440];
	v3 =	vadd.f32 v12, v6;
	[tilespmem:s19+$0x1A4D0] =	vst v2  }
0x1c4: {  	v17 =	vld [tilespmem:s23+$0x18450];
	[tilespmem:s19+$0x1A4E0] =	vst v4  }
0x1c5: {  	v14 =	vld [tilespmem:s23+$0x18460];
	[tilespmem:s19+$0x1A4F0] =	vst v3;
	s19 =	smov.u32 s23  }
0x1c6: {  	v15 =	vld [tilespmem:s19+$0x18470]  }
0x1c7: {  	v9 =	vld [tilespmem:s19+$0x18480]  }
0x1c8: {  	v8 =	vld [tilespmem:s19+$0x18490]  }
0x1c9: {  	v6 =	vld [tilespmem:s19+$0x184A0]  }
0x1ca: {  	v5 =	vld [tilespmem:s19+$0x184B0]  }
0x1cb: {  	v3 =	vld [tilespmem:s19+$0x184C0]  }
0x1cc: {  	v2 =	vld [tilespmem:s19+$0x184D0]  }
0x1cd: {  	v32 =	vld [tilespmem:s19+$0x16400]  }
0x1ce: {  	v33 =	vld [tilespmem:s19+$0x16410]  }
0x1cf: {  	v34 =	vld [tilespmem:s19+$0x16420]  }
0x1d0: {  	v35 =	vld [tilespmem:s19+$0x16430]  }
0x1d1: {  	v28 =	vld [tilespmem:s19+$0x16440]  }
0x1d2: {  	v26 =	vld [tilespmem:s19+$0x16450]  }
0x1d3: {  	v25 =	vld [tilespmem:s19+$0x16460]  }
0x1d4: {  	v24 =	vld [tilespmem:s19+$0x16470]  }
0x1d5: {  	v19 =	vld [tilespmem:s19+$0x16480]  }
0x1d6: {  	v18 =	vld [tilespmem:s19+$0x16490]  }
0x1d7: {  	v13 =	vld [tilespmem:s19+$0x164A0]  }
0x1d8: {  	v11 =	vld [tilespmem:s19+$0x164B0]  }
0x1d9: {  	v7 =	vld [tilespmem:s19+$0x164C0]  }
0x1da: {  	v4 =	vld [tilespmem:s19+$0x164D0]  }
0x1db: {  	v36 =	vld [tilespmem:s19+$0x14400]  }
0x1dc: {  	v37 =	vld [tilespmem:s19+$0x14410]  }
0x1dd: {  	v38 =	vld [tilespmem:s19+$0x14420]  }
0x1de: {  	v39 =	vld [tilespmem:s19+$0x14430]  }
0x1df: {  	v40 =	vld [tilespmem:s19+$0x14440]  }
0x1e0: {  	v41 =	vld [tilespmem:s19+$0x14450]  }
0x1e1: {  	v42 =	vld [tilespmem:s19+$0x14460]  }
0x1e2: {  	v43 =	vld [tilespmem:s19+$0x14470]  }
0x1e3: {  	v31 =	vld [tilespmem:s19+$0x14480]  }
0x1e4: {  	v30 =	vld [tilespmem:s19+$0x14490]  }
0x1e5: {  	v29 =	vld [tilespmem:s19+$0x144A0]  }
0x1e6: {  	v27 =	vld [tilespmem:s19+$0x144B0]  }
0x1e7: {  	v12 =	vld [tilespmem:s19+$0x144C0]  }
0x1e8: {  	v10 =	vld [tilespmem:s19+$0x144D0]  }
0x1e9: {  	v44 =	vld [tilespmem:s19+$0x12400]  }
0x1ea: {  	v45 =	vld [tilespmem:s19+$0x12410]  }
0x1eb: {  	v46 =	vld [tilespmem:s19+$0x12420]  }
0x1ec: {  	v47 =	vld [tilespmem:s19+$0x12430]  }
0x1ed: {  	v48 =	vld [tilespmem:s19+$0x12440]  }
0x1ee: {  	v49 =	vld [tilespmem:s19+$0x12450]  }
0x1ef: {  	v50 =	vld [tilespmem:s19+$0x12460]  }
0x1f0: {  	v51 =	vld [tilespmem:s19+$0x12470]  }
0x1f1: {  	v52 =	vld [tilespmem:s19+$0x10400]  }
0x1f2: {  	v53 =	vld [tilespmem:s19+$0x10410]  }
0x1f3: {  	v54 =	vld [tilespmem:s19+$0x10420]  }
0x1f4: {  	v55 =	vld [tilespmem:s19+$0x10430]  }
0x1f5: {  	v56 =	vld [tilespmem:s19+$0x1A400]  }
0x1f6: {  	v57 =	vld [tilespmem:s19+$0x1A410]  }
0x1f7: {  	v58 =	vld [tilespmem:s19+$0x1A420]  }
0x1f8: {  	v59 =	vld [tilespmem:s19+$0x1A430]  }
0x1f9: {  	v60 =	vld [tilespmem:s19+$0x12480]  }
0x1fa: {  	v52 =	vadd.f32 v52, v56;
	v56 =	vld [tilespmem:s19+$0x12490]  }
0x1fb: {  	v53 =	vadd.f32 v53, v57;
	v57 =	vld [tilespmem:s19+$0x10440]  }
0x1fc: {  	v54 =	vadd.f32 v54, v58;
	v58 =	vld [tilespmem:s19+$0x10450];
	v44 =	vadd.f32 v44, v52  }
0x1fd: {  	v52 =	vadd.f32 v55, v59;
	v55 =	vld [tilespmem:s19+$0x10460];
	v45 =	vadd.f32 v45, v53  }
0x1fe: {  	v53 =	vld [tilespmem:s19+$0x10470];
	v46 =	vadd.f32 v46, v54;
	v36 =	vadd.f32 v36, v44  }
0x1ff: {  	v44 =	vld [tilespmem:s19+$0x1A440];
	v47 =	vadd.f32 v47, v52;
	v37 =	vadd.f32 v37, v45  }
0x200: {  	v45 =	vld [tilespmem:s19+$0x1A450];
	v38 =	vadd.f32 v38, v46;
	v32 =	vadd.f32 v32, v36  }
0x201: {  	v36 =	vld [tilespmem:s19+$0x1A460];
	v39 =	vadd.f32 v39, v47;
	v33 =	vadd.f32 v33, v37  }
0x202: {  	v37 =	vld [tilespmem:s19+$0x1A470];
	v34 =	vadd.f32 v34, v38;
	v20 =	vadd.f32 v20, v32  }
0x203: {  	v38 =	vld [tilespmem:s19+$0x124A0];
	v32 =	vadd.f32 v35, v39;
	v21 =	vadd.f32 v21, v33  }
0x204: {  	v33 =	vadd.f32 v57, v44;
	v35 =	vld [tilespmem:s19+$0x124B0];
	v22 =	vadd.f32 v22, v34  }
0x205: {  	v34 =	vadd.f32 v58, v45;
	v39 =	vld [tilespmem:s19+$0x10480];
	v23 =	vadd.f32 v23, v32  }
0x206: {  	v32 =	vadd.f32 v55, v36;
	v36 =	vld [tilespmem:s19+$0x10490];
	v33 =	vadd.f32 v48, v33  }
0x207: {  	v37 =	vadd.f32 v53, v37;
	v44 =	vld [tilespmem:s19+$0x104A0];
	v34 =	vadd.f32 v49, v34  }
0x208: {  	v45 =	vld [tilespmem:s19+$0x104B0];
	v32 =	vadd.f32 v50, v32;
	v33 =	vadd.f32 v40, v33  }
0x209: {  	v40 =	vld [tilespmem:s19+$0x1A480];
	v37 =	vadd.f32 v51, v37;
	v34 =	vadd.f32 v41, v34  }
0x20a: {  	v41 =	vld [tilespmem:s19+$0x1A490];
	v32 =	vadd.f32 v42, v32;
	v28 =	vadd.f32 v28, v33  }
0x20b: {  	v42 =	vld [tilespmem:s19+$0x1A4A0];
	v33 =	vadd.f32 v43, v37;
	v34 =	vadd.f32 v26, v34  }
0x20c: {  	v37 =	vld [tilespmem:s19+$0x1A4B0];
	v32 =	vadd.f32 v25, v32;
	v26 =	vadd.f32 v16, v28  }
0x20d: {  	v25 =	vld [tilespmem:s19+$0x124C0];
	v28 =	vadd.f32 v24, v33;
	v24 =	vadd.f32 v17, v34  }
0x20e: {  	v34 =	vadd.f32 v39, v40;
	v17 =	vld [tilespmem:s19+$0x124D0];
	v16 =	vadd.f32 v14, v32  }
0x20f: {  	v36 =	vadd.f32 v36, v41;
	v33 =	vld [tilespmem:s19+$0x104C0];
	v14 =	vadd.f32 v15, v28  }
0x210: {  	v39 =	vadd.f32 v44, v42;
	v32 =	vld [tilespmem:s19+$0x104D0];
	v34 =	vadd.f32 v60, v34  }
.Ltmp2:
0x211: {  	v37 =	vadd.f32 v45, v37;
	v28 =	vld [tilespmem:s19+$0x104E0];
	v36 =	vadd.f32 v56, v36;
	(pc) =	sbr.rel @p1 .LBB2_8-.Ltmp2, $4  }
0x212: {  	v15 =	vld [tilespmem:s19+$0x104F0];
	v38 =	vadd.f32 v38, v39;
	v34 =	vadd.f32 v31, v34  }
0x213: {  	v31 =	vld [tilespmem:s19+$0x1A4C0];
	v35 =	vadd.f32 v35, v37;
	v36 =	vadd.f32 v30, v36  }
0x214: {  	v30 =	vld [tilespmem:s19+$0x1A4D0];
	v29 =	vadd.f32 v29, v38;
	v34 =	vadd.f32 v19, v34  }
0x215: {  	s21 =	sadd.s32 $0x400, s21;
	v19 =	vld [tilespmem:s19+$0x1A4E0];
	v27 =	vadd.f32 v27, v35;
	v18 =	vadd.f32 v18, v36  }
0x216: {  	v35 =	vld [tilespmem:s19+$0x1A4F0];
	[tilespmem:s19+$0x1A400] =	vst v20;
	v13 =	vadd.f32 v13, v29;
	v9 =	vadd.f32 v9, v34  }
0x217: {  	v46 =	vld [tilespmem:s19+$0x124E0];
	[tilespmem:s19+$0x1A410] =	vst v21;
	v11 =	vadd.f32 v11, v27;
	v8 =	vadd.f32 v8, v18  }
0x218: {  	v47 =	vld [tilespmem:s19+$0x124F0];
	[tilespmem:s19+$0x1A420] =	vst v22;
	v51 =	vadd.f32 v33, v31;
	v6 =	vadd.f32 v6, v13  }
0x219: {  	v48 =	vld [tilespmem:s19+$0x144E0];
	[tilespmem:s19+$0x1A430] =	vst v23;
	v52 =	vadd.f32 v32, v30;
	v5 =	vadd.f32 v5, v11  }
0x21a: {  	v49 =	vld [tilespmem:s19+$0x144F0];
	[tilespmem:s19+$0x1A440] =	vst v26;
	v19 =	vadd.f32 v28, v19;
	v54 =	vadd.f32 v25, v51  }
0x21b: {  	v50 =	vld [tilespmem:s19+$0x164E0];
	[tilespmem:s19+$0x1A450] =	vst v24;
	v15 =	vadd.f32 v15, v35;
	v13 =	vadd.f32 v17, v52  }
0x21c: {  	v53 =	vld [tilespmem:s19+$0x164F0];
	[tilespmem:s19+$0x1A460] =	vst v16;
	v56 =	vadd.f32 v46, v19;
	v12 =	vadd.f32 v12, v54  }
0x21d: {  	v55 =	vld [tilespmem:s19+$0x184E0];
	[tilespmem:s19+$0x1A470] =	vst v14;
	v57 =	vadd.f32 v47, v15;
	v10 =	vadd.f32 v10, v13  }
0x21e: {  	v58 =	vld [tilespmem:s19+$0x184F0];
	[tilespmem:s19+$0x1A480] =	vst v9;
	v59 =	vadd.f32 v48, v56;
	v7 =	vadd.f32 v7, v12  }
0x21f: {  	[tilespmem:s19+$0x1A490] =	vst v8;
	v60 =	vadd.f32 v49, v57;
	v4 =	vadd.f32 v4, v10  }
0x220: {  	[tilespmem:s19+$0x1A4A0] =	vst v6;
	v61 =	vadd.f32 v50, v59;
	v3 =	vadd.f32 v3, v7  }
.Ltmp3:
0x221: {  	[tilespmem:s19+$0x1A4B0] =	vst v5;
	v62 =	vadd.f32 v53, v60;
	v2 =	vadd.f32 v2, v4;
	(pc) =	sbr.rel @p0 .LBB2_10-.Ltmp3, $4  }
0x222: {  	v63 =	vadd.f32 v55, v61;
	[tilespmem:s19+$0x1A4C0] =	vst v3  }
0x223: {  	v3 =	vadd.f32 v58, v62;
	[tilespmem:s19+$0x1A4D0] =	vst v2  }
0x224: {  	[tilespmem:s19+$0x1A4E0] =	vst v63  }
0x225: {  	[tilespmem:s19+$0x1A4F0] =	vst v3  }
0x226: {  	s19 =	smul.u32 $0x1400, s18;
	_ =	sdelay $0x1  }
0x227: {  	s19 =	sshra.s32 s19, $0x2  }
0x228: {  	s21 =	sadd.s32 $0x780, s19  }
0x229: {  	[tilespmem:s20], [sflag:$0x6] =	stream.indirect.gather [hbm4b:s4+s10], $0x40, s21, s10, $0xb8;
	[tilespmem:$0x1C540] =	vst v63  }
0x22a: {  	s25 =	sadd.s32 $0x800, s19  }
0x22b: {  	[tilespmem:s22], [sflag:$0x7] =	stream.indirect.gather [hbm4b:s4+s10], $0x40, s25, s10, $0xb8;
	[tilespmem:$0x1C540] =	vst v63  }
0x22c: {  	s23 =	sadd.s32 $0x880, s19  }
0x22d: {  	[tilespmem:s24], [sflag:$0x8] =	stream.indirect.gather [hbm4b:s4+s10], $0x40, s23, s10, $0xb8;
	[tilespmem:$0x1C540] =	vst v63  }
.Ltmp4:
0x22e: {  	_ = 	snop;
	(pc) =	sbr.rel .LBB2_5-.Ltmp4, $4  }
0x22f: {  	s25 =	sadd.s32 $0x900, s19  }
0x230: {  	[tilespmem:s26], [sflag:$0x9] =	stream.indirect.gather [hbm4b:s4+s10], $0x40, s25, s10, $0xb8;
	[tilespmem:$0x1C540] =	vst v63  }
0x231: {  	s18 =	sadd.s32 $0x1, s18;
	s19 =	sadd.s32 $0x980, s19  }
0x232: {  	[tilespmem:s29], [sflag:$0xA] =	stream.indirect.gather [hbm4b:s4+s10], $0x40, s19, s10, $0xb8;
	[tilespmem:$0x1C540] =	vst v63  }
.LBB2_10:
0x233: {  	s18 =	simm.s32 $0x100  }
0x234: {  	v2 =	vld [tilespmem:s18+$0xFFFFFFB0]  }
0x235: {  	v3 =	vld [tilespmem:s18+$0x70]  }
0x236: {  	v4 =	vld [tilespmem:s18+$0x80]  }
0x237: {  	v5 =	vld [tilespmem:s18+$0xFFFFFFF0]  }
0x238: {  	v6 =	vld [tilespmem:s18+$0xFFFFFFD0]  }
0x239: {  	v8 =	vld [tilespmem:s18+$0x0]  }
0x23a: {  	v9 =	vld [tilespmem:s18+$0xFFFFFF80]  }
0x23b: {  	v10 =	vld [tilespmem:s18+$0xFFFFFF00]  }
0x23c: {  	v13 =	vld [tilespmem:s18+$0xFFFFFF30]  }
0x23d: {  	v14 =	vld [tilespmem:s18+$0xFFFFFF20]  }
0x23e: {  	v16 =	vld [tilespmem:s18+$0xFFFFFF10]  }
0x23f: {  	v18 =	vld [tilespmem:s18+$0x50]  }
0x240: {  	v7 =	vimm.f32 $0.0e+00;
	v20 =	vld [tilespmem:s18+$0xFFFFFFA0];
	vm0 =	veq.s32 v2, $0x0  }
0x241: {  	v2 =	vld [tilespmem:s18+$0xFFFFFFE0];
	vm1 =	veq.s32 v3, $0x0;
	vm2 =	veq.s32 v4, $0x0;
	vm3 =	veq.s32 v5, $0x0  }
0x242: {  	v3 =	vld [tilespmem:s18+$0xFFFFFF70];
	vm4 =	veq.s32 v6, $0x0;
	vm12 =	veq.s32 v9, $0x0;
	vm13 =	veq.s32 v10, $0x0  }
0x243: {  	v4 =	vld [tilespmem:s18+$0xFFFFFF60];
	vm14 =	veq.s32 v8, $0x0;
	vm8 =	veq.s32 v13, $0x0;
	vm9 =	veq.s32 v16, $0x0  }
0x244: {  	v5 =	vld [tilespmem:s18+$0xFFFFFF50];
	vm10 =	veq.s32 v14, $0x0;
	vm11 =	veq.s32 v18, $0x0;
	v15 =	vsel vm0, $0x0, v1  }
0x245: {  	v9 =	vld [tilespmem:s18+$0xFFFFFF40];
	v11 =	vsel vm1, $0x0, v1;
	v6 =	vsel vm3, $0x0, v1;
	v12 =	vsel vm2, $0x0, v1  }
0x246: {  	v16 =	vld [tilespmem:s18+$0xFFFFFF90];
	v10 =	vsel vm4, $0x0, v1;
	v8 =	vsel vm13, $0x0, v1;
	v21 =	vsel vm8, $0x0, v1  }
0x247: {  	v23 =	vsel vm10, $0x0, v1;
	vm13 =	veq.s32 v20, $0x0;
	v8 =	vadd.f32 v8, v7  }
0x248: {  	v22 =	vld [tilespmem:s18+$0xE0];
	v24 =	vadd.f32 v21, v7;
	v21 =	vadd.f32 v23, v7;
	vm15 =	veq.s32 v2, $0x0  }
0x249: {  	v2 =	vsel vm14, $0x0, v1;
	vm4 =	veq.s32 v3, $0x0;
	v3 =	vsel vm12, $0x0, v1  }
0x24a: {  	vm5 =	veq.s32 v4, $0x0;
	vm6 =	veq.s32 v5, $0x0;
	vm7 =	veq.s32 v9, $0x0;
	v9 =	vld [tilespmem:s18+$0x60]  }
0x24b: {  	vm14 =	veq.s32 v16, $0x0;
	v4 =	vsel vm4, $0x0, v1;
	v17 =	vsel vm15, $0x0, v1  }
0x24c: {  	v5 =	vsel vm5, $0x0, v1;
	v3 =	vadd.f32 v3, v8;
	v8 =	vsel vm6, $0x0, v1  }
0x24d: {  	v14 =	vld [tilespmem:s18+$0x30];
	vm15 =	veq.s32 v22, $0x0;
	v5 =	vadd.f32 v5, v7;
	v19 =	vadd.f32 v4, v7  }
0x24e: {  	v20 =	vsel vm14, $0x0, v1;
	v13 =	vadd.f32 v8, v7;
	v8 =	vld [tilespmem:s18+$0xFFFFFFC0];
	v2 =	vadd.f32 v2, v3  }
0x24f: {  	v4 =	vadd.f32 v17, v5;
	v3 =	vadd.f32 v6, v19;
	vm12 =	veq.s32 v9, $0x0;
	v9 =	vld [tilespmem:s18+$0xD0]  }
0x250: {  	v5 =	vadd.f32 v10, v13;
	v17 =	vsel vm9, $0x0, v1;
	v6 =	vsel vm7, $0x0, v1;
	v13 =	vld [tilespmem:s18+$0x40]  }
0x251: {  	v10 =	vsel vm11, $0x0, v1;
	v6 =	vadd.f32 v6, v7;
	v3 =	vadd.f32 v11, v3;
	v11 =	vld [tilespmem:s18+$0xF0]  }
0x252: {  	v16 =	vld [tilespmem:s18+$0x10];
	v19 =	vsel vm13, $0x0, v1;
	v2 =	vadd.f32 v12, v2;
	v18 =	vadd.f32 v17, v7  }
0x253: {  	s19 =	simm.s32 $0x0;
	s21 =	simm.s32 $0x100;
	v17 =	vadd.f32 v15, v24;
	v15 =	vld [tilespmem:s18+$0x20];
	v7 =	vsel vm15, $0x0, v1;
	v12 =	vsel vm12, $0x0, v1  }
.LBB2_11:
0x254: {  	s19 =	sadd.s32 $0x4, s19;
	v19 =	vadd.f32 v19, v21;
	v4 =	vadd.f32 v12, v4;
	v12 =	vld [tilespmem:s18+$0xB0];
	vm0 =	veq.s32 v9, $0x0;
	s21 =	sadd.s32 $0x200, s21  }
0x255: {  	vm1 =	veq.s32 v8, $0x0;
	vm2 =	veq.s32 v14, $0x0;
	v5 =	vadd.f32 v10, v5;
	p0 =	slt.u32 s19, $0xC4;
	v8 =	vld [tilespmem:s18+$0xC0]  }
0x256: {  	v9 =	vadd.f32 v20, v18;
	vm3 =	veq.s32 v13, $0x0;
	v10 =	vld [tilespmem:s18+$0xA0];
	vm4 =	veq.s32 v11, $0x0  }
0x257: {  	v18 =	vsel vm0, $0x0, v1;
	v11 =	vsel vm1, $0x0, v1;
	v13 =	vsel vm3, $0x0, v1;
	v14 =	vld [tilespmem:s18+$0x90];
	s18 =	smov.u32 s21  }
0x258: {  	vm0 =	veq.s32 v16, $0x0;
	v16 =	vsel vm2, $0x0, v1;
	v21 =	vsel vm4, $0x0, v1;
	v20 =	vld [tilespmem:s21+$0xFFFFFFB0]  }
0x259: {  	v23 =	vsel vm0, $0x0, v1;
	v16 =	vadd.f32 v16, v17;
	v22 =	vld [tilespmem:s21+$0x70];
	vm0 =	veq.s32 v12, $0x0  }
0x25a: {  	v6 =	vadd.f32 v11, v6;
	vm1 =	veq.s32 v15, $0x0;
	v12 =	vld [tilespmem:s21+$0x80];
	vm2 =	veq.s32 v8, $0x0  }
0x25b: {  	v11 =	vsel vm1, $0x0, v1;
	v8 =	vld [tilespmem:s21+$0xFFFFFFF0];
	vm1 =	veq.s32 v10, $0x0;
	v10 =	vsel vm0, $0x0, v1  }
0x25c: {  	v4 =	vadd.f32 v7, v4;
	v15 =	vld [tilespmem:s21+$0xFFFFFFD0];
	vm0 =	veq.s32 v14, $0x0;
	v14 =	vsel vm2, $0x0, v1  }
0x25d: {  	v9 =	vadd.f32 v23, v9;
	v16 =	vadd.f32 v10, v16;
	vm2 =	veq.s32 v20, $0x0;
	v7 =	vld [tilespmem:s21+$0x0]  }
0x25e: {  	v3 =	vadd.f32 v21, v3;
	v17 =	vsel vm1, $0x0, v1;
	v10 =	vld [tilespmem:s21+$0xFFFFFF80];
	vm3 =	veq.s32 v22, $0x0  }
0x25f: {  	v6 =	vadd.f32 v13, v6;
	v20 =	vld [tilespmem:s21+$0xFFFFFF00];
	vm1 =	veq.s32 v12, $0x0;
	v12 =	vsel vm0, $0x0, v1  }
0x260: {  	v5 =	vadd.f32 v18, v5;
	v13 =	vld [tilespmem:s21+$0xFFFFFFE0];
	vm0 =	veq.s32 v8, $0x0;
	v8 =	vadd.f32 v11, v19  }
0x261: {  	v6 =	vadd.f32 v14, v6;
	v11 =	vld [tilespmem:s21+$0xFFFFFF70];
	vm4 =	veq.s32 v15, $0x0;
	v15 =	vadd.f32 v12, v9  }
0x262: {  	v22 =	vsel vm2, $0x0, v1;
	v21 =	vsel vm3, $0x0, v1;
	v9 =	vld [tilespmem:s21+$0xFFFFFF60];
	v17 =	vadd.f32 v17, v8  }
0x263: {  	v12 =	vsel vm1, $0x0, v1;
	v8 =	vld [tilespmem:s21+$0xFFFFFF50];
	vm2 =	veq.s32 v10, $0x0;
	v10 =	vsel vm0, $0x0, v1  }
0x264: {  	v18 =	vsel vm4, $0x0, v1;
	vm1 =	veq.s32 v7, $0x0;
	vm0 =	veq.s32 v20, $0x0;
	v14 =	vld [tilespmem:s21+$0xFFFFFF40]  }
0x265: {  	v7 =	vsel vm0, $0x0, v1;
	v19 =	vld [tilespmem:s21+$0xFFFFFF30];
	vm0 =	veq.s32 v13, $0x0;
	v13 =	vsel vm1, $0x0, v1  }
0x266: {  	v2 =	vadd.f32 v7, v2;
	v7 =	vld [tilespmem:s21+$0xFFFFFF20];
	vm1 =	veq.s32 v11, $0x0;
	v11 =	vsel vm2, $0x0, v1  }
0x267: {  	v23 =	vsel vm0, $0x0, v1;
	v20 =	vld [tilespmem:s21+$0xFFFFFF10];
	vm2 =	veq.s32 v9, $0x0;
	v9 =	vsel vm1, $0x0, v1  }
0x268: {  	vm0 =	veq.s32 v8, $0x0;
	v8 =	vsel vm2, $0x0, v1;
	v2 =	vadd.f32 v11, v2;
	v11 =	vld [tilespmem:s21+$0x50]  }
0x269: {  	vm1 =	veq.s32 v14, $0x0;
	v14 =	vsel vm0, $0x0, v1;
	v4 =	vadd.f32 v8, v4;
	v24 =	vld [tilespmem:s21+$0x60]  }
0x26a: {  	v3 =	vadd.f32 v9, v3;
	vm0 =	veq.s32 v19, $0x0;
	v5 =	vadd.f32 v14, v5;
	v19 =	vld [tilespmem:s21+$0xFFFFFFA0]  }
0x26b: {  	v2 =	vadd.f32 v13, v2;
	v25 =	vsel vm0, $0x0, v1;
	v8 =	vld [tilespmem:s21+$0xFFFFFFC0];
	v4 =	vadd.f32 v23, v4  }
0x26c: {  	v3 =	vadd.f32 v10, v3;
	vm0 =	veq.s32 v20, $0x0;
	v20 =	vld [tilespmem:s21+$0xFFFFFF90];
	v5 =	vadd.f32 v18, v5  }
0x26d: {  	v18 =	vsel vm0, $0x0, v1;
	vm0 =	veq.s32 v7, $0x0;
	vm2 =	veq.s32 v11, $0x0;
	v7 =	vld [tilespmem:s21+$0xE0]  }
0x26e: {  	v10 =	vsel vm1, $0x0, v1;
	v23 =	vsel vm0, $0x0, v1;
	vm0 =	veq.s32 v24, $0x0;
	v9 =	vld [tilespmem:s21+$0xD0]  }
.Ltmp5:
0x26f: {  	v6 =	vadd.f32 v10, v6;
	v2 =	vadd.f32 v12, v2;
	v10 =	vsel vm2, $0x0, v1;
	v14 =	vld [tilespmem:s21+$0x30];
	(pc) =	sbr.rel @p0 .LBB2_11-.Ltmp5, $4  }
0x270: {  	v24 =	vadd.f32 v25, v16;
	vm1 =	veq.s32 v19, $0x0;
	v12 =	vsel vm0, $0x0, v1;
	v13 =	vld [tilespmem:s21+$0x40]  }
0x271: {  	v3 =	vadd.f32 v21, v3;
	v18 =	vadd.f32 v18, v15;
	v19 =	vsel vm1, $0x0, v1;
	v11 =	vld [tilespmem:s21+$0xF0]  }
0x272: {  	v21 =	vadd.f32 v23, v17;
	vm0 =	veq.s32 v20, $0x0;
	v16 =	vld [tilespmem:s21+$0x10];
	vm1 =	veq.s32 v7, $0x0  }
0x273: {  	v17 =	vadd.f32 v22, v24;
	v20 =	vsel vm0, $0x0, v1;
	v15 =	vld [tilespmem:s21+$0x20];
	v7 =	vsel vm1, $0x0, v1  }
0x274: {  	v22 =	vld [tilespmem:s18+$0x90];
	v19 =	vadd.f32 v19, v21;
	vm0 =	veq.s32 v14, $0x0  }
0x275: {  	v18 =	vadd.f32 v20, v18;
	vm12 =	veq.s32 v8, $0x0;
	v54 =	vadd.f32 $9.999999930e-09, v2  }
0x276: {  	v48 =	vld [tilespmem:s18+$0xA0];
	vm6 =	veq.s32 v9, $0x0;
	v5 =	vadd.f32 v10, v5;
	v49 =	vsel vm0, $0x0, v1  }
0x277: {  	v47 =	vld [tilespmem:s18+$0xB0];
	vm13 =	veq.s32 v13, $0x0;
	v51 =	vsel vm12, $0x0, v1;
	vm1 =	veq.s32 v16, $0x0  }
0x278: {  	v6 =	vadd.f32 v51, v6;
	(erf) = vrcp.f32 v54;
	v8 =	vsel vm1, $0x0, v1  }
0x279: {  	v50 =	vld [tilespmem:s18+$0xC0];
	vm2 =	veq.s32 v15, $0x0;
	v8 =	vadd.f32 v8, v18;
	vm14 =	veq.s32 v22, $0x0  }
0x27a: {  	v16 =	vadd.f32 v49, v17;
	v52 =	vsel vm2, $0x0, v1;
	v53 =	vsel vm14, $0x0, v1  }
0x27b: {  	vm4 =	veq.s32 v48, $0x0;
	v17 =	vadd.f32 v52, v19;
	v8 =	vadd.f32 v53, v8  }
0x27c: {  	v58 =	vsel vm13, $0x0, v1;
	vm15 =	veq.s32 v47, $0x0;
	v55 =	vsel vm4, $0x0, v1  }
0x27d: {  	v56 =	vsel vm15, $0x0, v1;
	v14 =	vadd.f32 v55, v17;
	v57 =	vadd.f32 $9.999999930e-09, v8  }
0x27e: {  	v6 =	vadd.f32 v58, v6;
	vm5 =	veq.s32 v50, $0x0;
	v59 =	vadd.f32 v56, v16  }
0x27f: {  	v9 =	vsel vm5, $0x0, v1;
	v60 =	vadd.f32 $9.999999930e-09, v14;
	(erf) = vrcp.f32 v57  }
0x280: {  	v6 =	vadd.f32 v9, v6;
	v9 =	vadd.f32 $9.999999930e-09, v59  }
0x281: {  	v4 =	vadd.f32 v12, v4;
	v10 =	vsel vm6, $0x0, v1;
	(erf) = vrcp.f32 v60  }
0x282: {  	v5 =	vadd.f32 v10, v5;
	(erf) = vrcp.f32 v9;
	v9 =	vadd.f32 $9.999999930e-09, v6;
	_ =	sdelay $0x1  }
0x283: {  	v4 =	vadd.f32 v7, v4;
	v7 =	vpop (erf);
	(erf) = vrcp.f32 v9;
	v9 =	vadd.f32 $9.999999930e-09, v5  }
0x284: {  	vm8 =	vgt.f32 v2, $0.0e+00;
	v2 =	vadd.f32 $-2.000000000e+02, v2  }
0x285: {  	vm7 =	veq.s32 v11, $0x0;
	vm9 =	vgt.f32 v8, $0.0e+00;
	v8 =	vadd.f32 $-2.000000000e+02, v8  }
0x286: {  	v10 =	vsel vm7, $0x0, v1;
	v7 =	vnsel vm8, $0x0, v7;
	(erf) = vrcp.f32 v9  }
0x287: {  	v11 =	vadd.f32 $9.999999930e-09, v4;
	v3 =	vadd.f32 v10, v3;
	v2 =	vmul.f32 v7, v2;
	v9 =	vpop (erf)  }
0x288: {  	vm10 =	vgt.f32 v14, $0.0e+00;
	v10 =	vadd.f32 $-2.000000000e+02, v14;
	[tilespmem:$0x1C440] =	vst v7;
	v7 =	vnsel vm9, $0x0, v9  }
0x289: {  	[tilespmem:$0x1C4C0] =	vst v2;
	(erf) = vrcp.f32 v11;
	v9 =	vadd.f32 $9.999999930e-09, v3;
	v2 =	vmul.f32 v7, v8;
	v8 =	vpop (erf)  }
0x28a: {  	vm11 =	vgt.f32 v59, $0.0e+00;
	[tilespmem:$0x1C450] =	vst v7;
	v7 =	vnsel vm10, $0x0, v8  }
0x28b: {  	(erf) = vrcp.f32 v9;
	v8 =	vpop (erf);
	v9 =	vadd.f32 $-2.000000000e+02, v59;
	[tilespmem:$0x1C4D0] =	vst v2;
	v2 =	vmul.f32 v7, v10  }
0x28c: {  	[tilespmem:$0x1C460] =	vst v7;
	v7 =	vnsel vm11, $0x0, v8  }
0x28d: {  	vm12 =	vgt.f32 v6, $0.0e+00;
	v6 =	vadd.f32 $-2.000000000e+02, v6;
	v8 =	vpop (erf);
	[tilespmem:$0x1C4E0] =	vst v2;
	v2 =	vmul.f32 v7, v9  }
0x28e: {  	[tilespmem:$0x1C470] =	vst v7;
	v7 =	vnsel vm12, $0x0, v8  }
0x28f: {  	vm13 =	vgt.f32 v5, $0.0e+00;
	v5 =	vadd.f32 $-2.000000000e+02, v5;
	v8 =	vpop (erf);
	[tilespmem:$0x1C4F0] =	vst v2;
	v2 =	vmul.f32 v7, v6  }
0x290: {  	[tilespmem:$0x1C480] =	vst v7;
	v7 =	vnsel vm13, $0x0, v8  }
0x291: {  	[tilespmem:$0x1C500] =	vst v2;
	v2 =	vmul.f32 v7, v5  }
0x292: {  	s25 =	simm.s32 $0x0;
	vm14 =	vgt.f32 v4, $0.0e+00;
	v6 =	vpop (erf)  }
0x293: {  	v4 =	vadd.f32 $-2.000000000e+02, v4;
	v5 =	vnsel vm14, $0x0, v6;
	v6 =	vmov s25  }
0x294: {  	vm15 =	vgt.f32 v3, $0.0e+00;
	[tilespmem:$0x1C490] =	vst v7;
	v6 =	vand.u32 $0xFFFFFFFE, v6  }
0x295: {  	v7 =	vadd.f32 $-2.000000000e+02, v3;
	v4 =	vmul.f32 v5, v4;
	[tilespmem:$0x1C510] =	vst v2;
	v6 =	vbroadcast v6, $0x0;
	v2 =	vpop (erf)  }
0x296: {  	v3 =	vld [tilespmem:$0x1C400];
	[tilespmem:$0x1C4A0] =	vst v5;
	v5 =	vnsel vm15, $0x0, v2  }
0x297: {  	[tilespmem:$0x1C520] =	vst v4;
	v4 =	vld [tilespmem:$0x1C420];
	v7 =	vmul.f32 v5, v7  }
0x298: {  	v2 =	vld [tilespmem:$0x1C410];
	[tilespmem:$0x1C4B0] =	vst v5  }
0x299: {  	s18 =	simm.s32 $0x1A440;
	v5 =	vld [tilespmem:$0x1C430];
	[tilespmem:$0x1C530] =	vst v7  }
0x29a: {  	v7 =	vld [tilespmem:s18+$0xFFFFFFC0]  }
0x29b: {  	v8 =	vld.idx.msk [tilespmem:v6+s14+$0x0], $0xffff  }
0x29c: {  	v6 =	vld.idx.msk [tilespmem:v6+s15+$0x0], $0xffff  }
0x29d: {  	v9 =	vld [tilespmem:s18+$0xFFFFFFF0]  }
0x29e: {  	v10 =	vld [tilespmem:s18+$0xFFFFFFD0]  }
0x29f: {  	v11 =	vld [tilespmem:s18+$0xFFFFFFE0];
	_ =	sdelay $0x1  }
0x2a0: {  	v7 =	vmul.f32 v7, v8;
	v61 =	vmul.f32 v6, v3  }
0x2a1: {  	v9 =	vmul.f32 v9, v8;
	v62 =	vmul.f32 v6, v5  }
0x2a2: {  	v10 =	vmul.f32 v10, v8;
	v63 =	vmul.f32 v6, v2  }
0x2a3: {  	s19 =	simm.s32 $0x1;
	v8 =	vmul.f32 v11, v8;
	v6 =	vmul.f32 v6, v4;
	v7 =	vadd.f32 v7, v61  }
0x2a4: {  	v11 =	vmov s19;
	v9 =	vadd.f32 v9, v62  }
0x2a5: {  	v6 =	vadd.f32 v8, v6;
	[tilespmem:s18+$0xFFFFFFC0] =	vst v7  }
0x2a6: {  	v8 =	vld [tilespmem:s18+$0x10];
	v7 =	vadd.f32 v10, v63;
	[tilespmem:s18+$0xFFFFFFF0] =	vst v9  }
0x2a7: {  	v9 =	vld [tilespmem:s18+$0x30];
	[tilespmem:s18+$0xFFFFFFE0] =	vst v6  }
0x2a8: {  	v10 =	vld [tilespmem:s18+$0x0];
	[tilespmem:s18+$0xFFFFFFD0] =	vst v7  }
0x2a9: {  	v7 =	vld.idx.msk [tilespmem:v11+s14+$0x0], $0xffff  }
0x2aa: {  	v6 =	vld.idx.msk [tilespmem:v11+s15+$0x0], $0xffff  }
0x2ab: {  	s21 =	simm.s32 $0x2;
	s19 =	simm.s32 $0x1A440;
	v11 =	vld [tilespmem:s18+$0x20]  }
.LBB2_13:
0x2ac: {  	_ = 	snop  }
0x2ad: {  	p0 =	slt.u32 s21, $0x7E  }
0x2ae: {  	s18 =	sadd.s32 $0x80, s18;
	s23 =	smov.u32 s21;
	s21 =	sadd.s32 $0x2, s21;
	v8 =	vmul.f32 v8, v7;
	v9 =	vmul.f32 v9, v7  }
0x2af: {  	v12 =	vmov s23;
	v13 =	vmul.f32 v6, v3;
	v14 =	vmul.f32 v6, v5  }
0x2b0: {  	v12 =	vand.u32 $0xFFFFFFFE, v12;
	v10 =	vmul.f32 v10, v7;
	v7 =	vmul.f32 v11, v7  }
0x2b1: {  	v11 =	vbroadcast v12, $0x0;
	v12 =	vmul.f32 v6, v4;
	v9 =	vadd.f32 v9, v14  }
0x2b2: {  	v6 =	vmul.f32 v6, v2;
	v10 =	vadd.f32 v10, v13  }
0x2b3: {  	v7 =	vadd.f32 v7, v12;
	[tilespmem:s19+$0x30] =	vst v9  }
0x2b4: {  	v6 =	vadd.f32 v8, v6;
	[tilespmem:s19+$0x0] =	vst v10  }
0x2b5: {  	v8 =	vld [tilespmem:s18+$0xFFFFFFF0];
	[tilespmem:s19+$0x20] =	vst v7  }
0x2b6: {  	v7 =	vld [tilespmem:s18+$0xFFFFFFC0];
	[tilespmem:s19+$0x10] =	vst v6;
	s19 =	smov.u32 s18  }
0x2b7: {  	v6 =	vld.idx.msk [tilespmem:v11+s14+$0x0], $0xffff  }
0x2b8: {  	v9 =	vld.idx.msk [tilespmem:v11+s15+$0x0], $0xffff  }
0x2b9: {  	v10 =	vld [tilespmem:s18+$0xFFFFFFE0];
	_ =	sdelay $0x1  }
0x2ba: {  	v11 =	vld [tilespmem:s18+$0xFFFFFFD0];
	_ =	sdelay $0x1  }
0x2bb: {  	v7 =	vmul.f32 v7, v6;
	v8 =	vmul.f32 v8, v6  }
0x2bc: {  	v12 =	vmul.f32 v9, v3;
	v10 =	vmul.f32 v10, v6  }
0x2bd: {  	v13 =	vmul.f32 v9, v4;
	v14 =	vmul.f32 v9, v5  }
0x2be: {  	s23 =	sadd.s32 $0x1, s23;
	v9 =	vmul.f32 v9, v2;
	v7 =	vadd.f32 v7, v12;
	v6 =	vmul.f32 v11, v6  }
0x2bf: {  	v8 =	vadd.f32 v8, v14;
	v10 =	vadd.f32 v10, v13;
	v11 =	vmov s23  }
0x2c0: {  	[tilespmem:s18+$0xFFFFFFC0] =	vst v7;
	v6 =	vadd.f32 v6, v9  }
0x2c1: {  	[tilespmem:s18+$0xFFFFFFF0] =	vst v8  }
0x2c2: {  	[tilespmem:s18+$0xFFFFFFD0] =	vst v6;
	v9 =	vld [tilespmem:s18+$0x30]  }
.Ltmp6:
0x2c3: {  	[tilespmem:s18+$0xFFFFFFE0] =	vst v10;
	v8 =	vld [tilespmem:s18+$0x10];
	(pc) =	sbr.rel @p0 .LBB2_13-.Ltmp6, $4  }
0x2c4: {  	v7 =	vld.idx.msk [tilespmem:v11+s14+$0x0], $0xffff  }
0x2c5: {  	v6 =	vld.idx.msk [tilespmem:v11+s15+$0x0], $0xffff  }
0x2c6: {  	v10 =	vld [tilespmem:s18+$0x0]  }
0x2c7: {  	v11 =	vld [tilespmem:s18+$0x20]  }
0x2c8: {  	_ =	sdelay $0x1  }
0x2c9: {  	v9 =	vmul.f32 v9, v7;
	v5 =	vmul.f32 v6, v5  }
0x2ca: {  	v63 =	vmul.f32 v8, v7;
	v2 =	vmul.f32 v6, v2  }
0x2cb: {  	v3 =	vmul.f32 v6, v3;
	v10 =	vmul.f32 v10, v7;
	v5 =	vadd.f32 v9, v5  }
0x2cc: {  	v4 =	vmul.f32 v6, v4;
	v11 =	vmul.f32 v11, v7;
	v2 =	vadd.f32 v63, v2  }
0x2cd: {  	v3 =	vadd.f32 v10, v3;
	[tilespmem:s19+$0x30] =	vst v5  }
0x2ce: {  	s18 =	sshll.u32 s17, $0xA;
	s17 =	sadd.s32 $0x1, s17;
	v4 =	vadd.f32 v11, v4;
	[tilespmem:s19+$0x10] =	vst v2  }
0x2cf: {  	p0 =	sne.s32 s17, $0x4;
	[tilespmem:s19+$0x0] =	vst v3  }
.Ltmp7:
0x2d0: {  	s18 =	sadd.s32 s18, s6;
	[tilespmem:s19+$0x20] =	vst v4;
	(pc) =	sbr.rel @p0 .LBB2_2-.Ltmp7, $4  }
0x2d1: {  	[hbm4b:s18+s3] =	stream.linear.scatter [tilespmem:s16], [sflag:$0xB], $0x2000, $0x38;
	[tilespmem:$0x1C540] =	vst v63  }
0x2d2: {  	_ =	swait.ge [sflag:s9], $0x2000  }
0x2d3: {  	[sflag:s9] =	ssyncset.done $0x0  }
0x2d4: {  	[sflag:s9] =	ssyncadd.s32 $0xFFFFE000  }
0x2d5: {  	s18 =	rddreg [dreg:$0x5]  }
0x2d6: {  	s17 =	rddreg [dreg:$0x4];
	s18 =	sadd.s32 $0x1, s18  }
0x2d7: {  	p0 =	sne.s32 s18, s17  }
.Ltmp8:
0x2d8: {  	_ = 	snop;
	(pc) =	sbr.rel @p0 .LBB2_1-.Ltmp8, $1  }
0x2d9: {  	_ =	sdelay $0x3  }
0x2da: {  	_ =	sfence.sel $0x180000  }
0x2db: {  	[bflag:$0x0] =	sbarrier.arrive $0xFFFF  }
0x2dc: {  	_ =	strace $0x90000047  }
0x2dd: {  	s0 =	stileid.u32;
	[bflag:$0x2] =	sbarrier.arrive $0xFFFF  }
0x2de: {  	p0 =	sne.s32 s0, $0x0;
	s0 =	rddreg [dreg:$0x3]  }
0x2df: {  	s0 =	sadd.s32 @!p0 $0x100000, s0  }
0x2e0: {  	[sflag:s0] =	ssyncadd.tile.s32 @!p0 $0x1;
	_ =	shalt  }
.Lfunc_end2:
_tile_overlayer_lowered:
.L_overlay_start_2:
0x2e1: {  	(tag) =	ssettag $0x2  }
0x2e2: {  	s0 =	rddreg [dreg:$0x0];
	s2 =	stileid.u32  }
0x2e3: {  	s1 =	rddreg [dreg:$0x1];
	p0 =	sne.s32 s2, $0x0  }
0x2e4: {  	s3 =	rddreg [dreg:$0x2];
	[bflag:$0x3] =	sbarrier.arrive $0xFFFF;
	s2 =	simm.s32 @!p0 $0x1C0B  }
0x2e5: {  	[timem:s3], [sflag:s2] =	dma.local @!p0 [hbm:s0], s1  }
0x2e6: {  	s0 =	simm.s32 @!p0 $0xB  }
0x2e7: {  	_ =	swait.ge @!p0 [sflag:s0], s1  }
0x2e8: {  	s1 =	ssub.s32 @!p0 $0x0, s1;
	[sflag:s0] =	ssyncset.done @!p0 $0x0  }
0x2e9: {  	[sflag:s0] =	ssyncadd.s32 @!p0 s1  }
0x2ea: {  	[bflag:$0x3] =	sbarrier.arrive $0xFFFF  }
0x2eb: {  	_ =	shalt  }

</sc_bundles>
